<compile_context>
chip_gen: v7x
topology: tpu7x:2x2x1
jax: 0.10.2.dev20260603
libtpu: 0.0.44.dev20260713+nightly
codegen_flags: <defaults>
</compile_context>

<pallas_src>
import functools

import jax
import jax.numpy as jnp
from jax import lax
from jax.experimental import pallas as pl
from jax.experimental.pallas import tpu as pltpu
from jax.experimental.pallas import tpu_sc as plsc

_B = 16384
_C = 1000
_SC_SAMPLES = 4096
_B1 = _B - _SC_SAMPLES
_BL = 2048
_LPW = _SC_SAMPLES // 32


def _tc_body(xt_ref, y_ref, loss_ref, *, n_classes, bl):
    ch = 8
    y = y_ref[...]
    sub = jax.lax.broadcasted_iota(jnp.int32, (ch, bl), 0)
    d = y[None, :] - sub

    acc_y = jnp.zeros((ch, bl), jnp.float32)
    for k in range(n_classes // ch):
        xk = xt_ref[k * ch:(k + 1) * ch, :]
        acc_y = acc_y + jnp.where(d == ch * k, xk, 0.0)
    t = jnp.sum(acc_y, axis=0) - 1.0

    acc_s = jnp.zeros((ch, bl), jnp.float32)
    for k in range(n_classes // ch):
        xk = xt_ref[k * ch:(k + 1) * ch, :]
        acc_s = acc_s + jnp.maximum(xk - t[None, :], 0.0)
    s = jnp.sum(acc_s, axis=0)

    loss_ref[...] = (s - 1.0) * (1.0 / n_classes)


def _sc_body(xt_hbm, y_hbm, out_hbm, xbuf, ybuf, obuf, sem, ysem, osem):
    wid = lax.axis_index("s") * 2 + lax.axis_index("c")
    l0 = _B1 + wid * _LPW
    pltpu.async_copy(y_hbm.at[pl.ds(l0, _LPW)], ybuf, ysem).wait()
    pltpu.async_copy(xt_hbm.at[:, pl.ds(l0, _LPW)], xbuf, sem).wait()

    lanes = lax.iota(jnp.int32, 16)
    for g in range(_LPW // 16):
        yg = ybuf[pl.ds(g * 16, 16)]
        oy = plsc.load_gather(xbuf, [yg, g * 16 + lanes])
        t = oy - 1.0

        def rbody(r, acc, g=g, t=t):
            for s in range(8):
                v = xbuf[r * 8 + s, pl.ds(g * 16, 16)]
                acc = acc + jnp.maximum(v, t)
            return acc

        s_sum = lax.fori_loop(0, _C // 8, rbody, jnp.zeros(16, jnp.float32))
        obuf[pl.ds(g * 16, 16)] = (s_sum - _C * t - 1.0) * (1.0 / _C)
    pltpu.async_copy(obuf, out_hbm.at[pl.ds(wid * _LPW, _LPW)], osem).wait()


def _sc_call(xt, y):
    mesh = plsc.VectorSubcoreMesh(
        core_axis_name="c", subcore_axis_name="s", num_cores=2, num_subcores=16
    )
    f = pl.kernel(
        _sc_body,
        out_type=jax.ShapeDtypeStruct((_SC_SAMPLES,), jnp.float32),
        mesh=mesh,
        scratch_types=[
            pltpu.VMEM((_C, _LPW), jnp.float32),
            pltpu.VMEM((_LPW,), jnp.int32),
            pltpu.VMEM((_LPW,), jnp.float32),
            pltpu.SemaphoreType.DMA,
            pltpu.SemaphoreType.DMA,
            pltpu.SemaphoreType.DMA,
        ],
        compiler_params=pltpu.CompilerParams(needs_layout_passes=False),
    )
    return f(xt, y)


def kernel(output, y):
    b, c = output.shape
    y = y.astype(jnp.int32)
    xt = output.T
    tc_body = functools.partial(_tc_body, n_classes=c, bl=_BL)
    tc_loss = pl.pallas_call(
        tc_body,
        grid=(_B1 // _BL,),
        in_specs=[
            pl.BlockSpec((c, _BL), lambda i: (0, i)),
            pl.BlockSpec((_BL,), lambda i: (i,)),
        ],
        out_specs=pl.BlockSpec((_BL,), lambda i: (i,)),
        out_shape=jax.ShapeDtypeStruct((_B1,), jnp.float32),
    )(xt, y)
    sc_loss = _sc_call(xt, y)
    return jnp.concatenate([tc_loss, sc_loss])

# --- scband reference (transcript-rebuilt; emitter-appended) ---
"""Pipeline reference for scband-multi-class-hinge-loss-45380624449888 (READ-ONLY COPY).

The authoritative reference and input builder live on the scoring server;
editing this copy changes nothing except your own understanding.
"""

import jax, jax.numpy as jnp
import numpy as np

B = 16384
C = 1000

def setup_inputs(seed: int = 0) -> dict:
    key = jax.random.key(seed)
    k1, k2 = jax.random.split(key)
    output = jax.random.normal(k1, (B, C), dtype=jnp.float32)
    y = jax.random.randint(k2, (B,), 0, C, dtype=jnp.int64)
    return {"output": output, "y": y}

def reference(output, y):
    index = jnp.arange(output.shape[0])
    output_y = output[index, y].reshape(-1, 1)
    loss = output - output_y + 1.0
    loss = loss.at[index, y].set(0.0)
    loss = jnp.where(loss < 0.0, 0.0, loss)
    loss = jnp.sum(loss, axis=1) / output.shape[1]
    return loss

if __name__ == "__main__":
    import jax
    _d = setup_inputs()
    print(jax.jit(kernel)(*tuple(_d.values())))

</pallas_src>

<mosaic_0001>
#map = affine_map<(d0, d1) -> (0, 0)>
#map1 = affine_map<(d0, d1) -> (0)>
module attributes {stable_mosaic.version = 14 : i64} {
  func.func @_sc_body(%arg0: i32, %arg1: i32, %arg2: memref<1000x16384xf32, #tpu.memory_space<hbm>>, %arg3: memref<16384xi32, #tpu.memory_space<hbm>>, %arg4: memref<4096xf32, #tpu.memory_space<hbm>>, %arg5: memref<1000x128xf32, #tpu.memory_space<vmem>>, %arg6: memref<128xi32, #tpu.memory_space<vmem>>, %arg7: memref<128xf32, #tpu.memory_space<vmem>>, %arg8: memref<!tpu.dma_semaphore, #tpu.memory_space<semaphore_mem>>, %arg9: memref<!tpu.dma_semaphore, #tpu.memory_space<semaphore_mem>>, %arg10: memref<!tpu.dma_semaphore, #tpu.memory_space<semaphore_mem>>) attributes {dimension_semantics = [#tpu.dimension_semantics<core_parallel>, #tpu.dimension_semantics<subcore_parallel>], iteration_bounds = array<i64: 2, 16>, scalar_prefetch = 0 : i64, scratch_operands = 6 : i64, tpu.core_type = #tpu.core_type<sc_vector_subcore>, window_params = [{transform_indices = #map}, {transform_indices = #map1}, {transform_indices = #map1}]} {
    %mul3A = arith.constant 2 : i32
    %mul3A_0 = arith.muli %arg1, %mul3A : i32
    %add3A = arith.addi %mul3A_0, %arg0 : i32
    %mul3A_1 = arith.constant 128 : i32
    %mul3A_2 = arith.muli %add3A, %mul3A_1 : i32
    %add3A_3 = arith.constant 12288 : i32
    %add3A_4 = arith.addi %add3A_3, %mul3A_2 : i32
    %dma_start3A = tpu.memref_slice %arg3[%add3A_4] : memref<16384xi32, #tpu.memory_space<hbm>> -> memref<128xi32, #tpu.memory_space<hbm>>
    %dma_start3A_5 = tpu.memref_slice %arg3[%add3A_4] : memref<16384xi32, #tpu.memory_space<hbm>> -> memref<128xi32, #tpu.memory_space<hbm>>
    tpu.enqueue_dma source(%dma_start3A_5 : memref<128xi32, #tpu.memory_space<hbm>>) target(%arg6 : memref<128xi32, #tpu.memory_space<vmem>>) target_semaphore(%arg9 : memref<!tpu.dma_semaphore, #tpu.memory_space<semaphore_mem>>)
    %dma_wait3A = tpu.memref_slice %arg3[%add3A_4] : memref<16384xi32, #tpu.memory_space<hbm>> -> memref<128xi32, #tpu.memory_space<hbm>>
    %dma_wait3A_6 = tpu.memref_slice %arg3[%add3A_4] : memref<16384xi32, #tpu.memory_space<hbm>> -> memref<128xi32, #tpu.memory_space<hbm>>
    tpu.wait_dma2 semaphore(%arg9 : memref<!tpu.dma_semaphore, #tpu.memory_space<semaphore_mem>>) src(%dma_wait3A_6 : memref<128xi32, #tpu.memory_space<hbm>>) dst(%arg6 : memref<128xi32, #tpu.memory_space<vmem>>)
    %dma_start3A_7 = arith.constant 0 : i32
    %dma_start3A_8 = tpu.memref_slice %arg2[%dma_start3A_7, %add3A_4] : memref<1000x16384xf32, #tpu.memory_space<hbm>> -> memref<1000x128xf32, #tpu.memory_space<hbm>>
    %dma_start3A_9 = arith.constant 0 : i32
    %dma_start3A_10 = tpu.memref_slice %arg2[%dma_start3A_9, %add3A_4] : memref<1000x16384xf32, #tpu.memory_space<hbm>> -> memref<1000x128xf32, #tpu.memory_space<hbm>>
    tpu.enqueue_dma source(%dma_start3A_10 : memref<1000x128xf32, #tpu.memory_space<hbm>>) target(%arg5 : memref<1000x128xf32, #tpu.memory_space<vmem>>) target_semaphore(%arg8 : memref<!tpu.dma_semaphore, #tpu.memory_space<semaphore_mem>>)
    %dma_wait3A_11 = arith.constant 0 : i32
    %dma_wait3A_12 = tpu.memref_slice %arg2[%dma_wait3A_11, %add3A_4] : memref<1000x16384xf32, #tpu.memory_space<hbm>> -> memref<1000x128xf32, #tpu.memory_space<hbm>>
    %dma_wait3A_13 = arith.constant 0 : i32
    %dma_wait3A_14 = tpu.memref_slice %arg2[%dma_wait3A_13, %add3A_4] : memref<1000x16384xf32, #tpu.memory_space<hbm>> -> memref<1000x128xf32, #tpu.memory_space<hbm>>
    tpu.wait_dma2 semaphore(%arg8 : memref<!tpu.dma_semaphore, #tpu.memory_space<semaphore_mem>>) src(%dma_wait3A_14 : memref<1000x128xf32, #tpu.memory_space<hbm>>) dst(%arg5 : memref<1000x128xf32, #tpu.memory_space<vmem>>)
    %iota3A = tpu.iota {dimensions = array<i32: 0>} : vector<16xi32>
    %get3A = arith.constant 0 : index
    %get3A_15 = tpu.vector_load %arg6[%get3A] {strides = array<i32>} : memref<128xi32, #tpu.memory_space<vmem>>, vector<16xi32>,
    %add3A_16 = arith.constant 0 : i32
    %add3A_17 = vector.broadcast %add3A_16 : i32 to vector<16xi32>
    %add3A_18 = arith.addi %add3A_17, %iota3A : vector<16xi32>
    %gather3A = tpu.vector_load_idx %arg5[%get3A_15, %add3A_18] : memref<1000x128xf32, #tpu.memory_space<vmem>>[vector<16xi32>, vector<16xi32>], vector<16xf32>,
    %sub3A = arith.constant 1.000000e+00 : f32
    %sub3A_19 = vector.broadcast %sub3A : f32 to vector<16xf32>
    %sub3A_20 = arith.subf %gather3A, %sub3A_19 : vector<16xf32>
    %broadcast_in_dim3A = arith.constant 0.000000e+00 : f32
    %broadcast_in_dim3A_21 = vector.broadcast %broadcast_in_dim3A : f32 to vector<16xf32>
    %scan3A = arith.constant 0 : i32
    %scan3A_22 = arith.constant 125 : i32
    %scan3A_23 = arith.addi %scan3A, %scan3A_22 : i32
    %scan3A_24 = arith.constant 1 : i32
    %scan3A_25 = scf.for %scan3A_247 = %scan3A to %scan3A_23 step %scan3A_24 iter_args(%scan3A_248 = %broadcast_in_dim3A_21) -> (vector<16xf32>)  : i32 {
      %mul3A_249 = arith.constant 8 : i32
      %mul3A_250 = arith.muli %scan3A_247, %mul3A_249 : i32
      %add3A_251 = arith.constant 0 : i32
      %add3A_252 = arith.addi %mul3A_250, %add3A_251 : i32
      %get3A_253 = arith.index_cast %add3A_252 : i32 to index
      %get3A_254 = arith.constant 0 : index
      %get3A_255 = tpu.vector_load %arg5[%get3A_253, %get3A_254] {strides = array<i32>} : memref<1000x128xf32, #tpu.memory_space<vmem>>, vector<16xf32>,
      %max3A = arith.maximumf %get3A_255, %sub3A_20 : vector<16xf32>
      %add3A_256 = arith.addf %scan3A_248, %max3A : vector<16xf32>
      %mul3A_257 = arith.constant 8 : i32
      %mul3A_258 = arith.muli %scan3A_247, %mul3A_257 : i32
      %add3A_259 = arith.constant 1 : i32
      %add3A_260 = arith.addi %mul3A_258, %add3A_259 : i32
      %get3A_261 = arith.index_cast %add3A_260 : i32 to index
      %get3A_262 = arith.constant 0 : index
      %get3A_263 = tpu.vector_load %arg5[%get3A_261, %get3A_262] {strides = array<i32>} : memref<1000x128xf32, #tpu.memory_space<vmem>>, vector<16xf32>,
      %max3A_264 = arith.maximumf %get3A_263, %sub3A_20 : vector<16xf32>
      %add3A_265 = arith.addf %add3A_256, %max3A_264 : vector<16xf32>
      %mul3A_266 = arith.constant 8 : i32
      %mul3A_267 = arith.muli %scan3A_247, %mul3A_266 : i32
      %add3A_268 = arith.constant 2 : i32
      %add3A_269 = arith.addi %mul3A_267, %add3A_268 : i32
      %get3A_270 = arith.index_cast %add3A_269 : i32 to index
      %get3A_271 = arith.constant 0 : index
      %get3A_272 = tpu.vector_load %arg5[%get3A_270, %get3A_271] {strides = array<i32>} : memref<1000x128xf32, #tpu.memory_space<vmem>>, vector<16xf32>,
      %max3A_273 = arith.maximumf %get3A_272, %sub3A_20 : vector<16xf32>
      %add3A_274 = arith.addf %add3A_265, %max3A_273 : vector<16xf32>
      %mul3A_275 = arith.constant 8 : i32
      %mul3A_276 = arith.muli %scan3A_247, %mul3A_275 : i32
      %add3A_277 = arith.constant 3 : i32
      %add3A_278 = arith.addi %mul3A_276, %add3A_277 : i32
      %get3A_279 = arith.index_cast %add3A_278 : i32 to index
      %get3A_280 = arith.constant 0 : index
      %get3A_281 = tpu.vector_load %arg5[%get3A_279, %get3A_280] {strides = array<i32>} : memref<1000x128xf32, #tpu.memory_space<vmem>>, vector<16xf32>,
      %max3A_282 = arith.maximumf %get3A_281, %sub3A_20 : vector<16xf32>
      %add3A_283 = arith.addf %add3A_274, %max3A_282 : vector<16xf32>
      %mul3A_284 = arith.constant 8 : i32
      %mul3A_285 = arith.muli %scan3A_247, %mul3A_284 : i32
      %add3A_286 = arith.constant 4 : i32
      %add3A_287 = arith.addi %mul3A_285, %add3A_286 : i32
      %get3A_288 = arith.index_cast %add3A_287 : i32 to index
      %get3A_289 = arith.constant 0 : index
      %get3A_290 = tpu.vector_load %arg5[%get3A_288, %get3A_289] {strides = array<i32>} : memref<1000x128xf32, #tpu.memory_space<vmem>>, vector<16xf32>,
      %max3A_291 = arith.maximumf %get3A_290, %sub3A_20 : vector<16xf32>
      %add3A_292 = arith.addf %add3A_283, %max3A_291 : vector<16xf32>
      %mul3A_293 = arith.constant 8 : i32
      %mul3A_294 = arith.muli %scan3A_247, %mul3A_293 : i32
      %add3A_295 = arith.constant 5 : i32
      %add3A_296 = arith.addi %mul3A_294, %add3A_295 : i32
      %get3A_297 = arith.index_cast %add3A_296 : i32 to index
      %get3A_298 = arith.constant 0 : index
      %get3A_299 = tpu.vector_load %arg5[%get3A_297, %get3A_298] {strides = array<i32>} : memref<1000x128xf32, #tpu.memory_space<vmem>>, vector<16xf32>,
      %max3A_300 = arith.maximumf %get3A_299, %sub3A_20 : vector<16xf32>
      %add3A_301 = arith.addf %add3A_292, %max3A_300 : vector<16xf32>
      %mul3A_302 = arith.constant 8 : i32
      %mul3A_303 = arith.muli %scan3A_247, %mul3A_302 : i32
      %add3A_304 = arith.constant 6 : i32
      %add3A_305 = arith.addi %mul3A_303, %add3A_304 : i32
      %get3A_306 = arith.index_cast %add3A_305 : i32 to index
      %get3A_307 = arith.constant 0 : index
      %get3A_308 = tpu.vector_load %arg5[%get3A_306, %get3A_307] {strides = array<i32>} : memref<1000x128xf32, #tpu.memory_space<vmem>>, vector<16xf32>,
      %max3A_309 = arith.maximumf %get3A_308, %sub3A_20 : vector<16xf32>
      %add3A_310 = arith.addf %add3A_301, %max3A_309 : vector<16xf32>
      %mul3A_311 = arith.constant 8 : i32
      %mul3A_312 = arith.muli %scan3A_247, %mul3A_311 : i32
      %add3A_313 = arith.constant 7 : i32
      %add3A_314 = arith.addi %mul3A_312, %add3A_313 : i32
      %get3A_315 = arith.index_cast %add3A_314 : i32 to index
      %get3A_316 = arith.constant 0 : index
      %get3A_317 = tpu.vector_load %arg5[%get3A_315, %get3A_316] {strides = array<i32>} : memref<1000x128xf32, #tpu.memory_space<vmem>>, vector<16xf32>,
      %max3A_318 = arith.maximumf %get3A_317, %sub3A_20 : vector<16xf32>
      %add3A_319 = arith.addf %add3A_310, %max3A_318 : vector<16xf32>
      scf.yield %add3A_319 : vector<16xf32>
    }
    %scan3A_26 = arith.constant 125 : i32
    %mul3A_27 = arith.constant 1.000000e+03 : f32
    %mul3A_28 = vector.broadcast %mul3A_27 : f32 to vector<16xf32>
    %mul3A_29 = arith.mulf %mul3A_28, %sub3A_20 : vector<16xf32>
    %sub3A_30 = arith.subf %scan3A_25, %mul3A_29 : vector<16xf32>
    %sub3A_31 = arith.constant 1.000000e+00 : f32
    %sub3A_32 = vector.broadcast %sub3A_31 : f32 to vector<16xf32>
    %sub3A_33 = arith.subf %sub3A_30, %sub3A_32 : vector<16xf32>
    %mul3A_34 = arith.constant 1.000000e-03 : f32
    %mul3A_35 = vector.broadcast %mul3A_34 : f32 to vector<16xf32>
    %mul3A_36 = arith.mulf %sub3A_33, %mul3A_35 : vector<16xf32>
    %swap3A = arith.constant 0 : index
    %swap3A_37 = tpu.vector_load %arg7[%swap3A] {strides = array<i32>} : memref<128xf32, #tpu.memory_space<vmem>>, vector<16xf32>,
    tpu.vector_store %arg7[%swap3A], %mul3A_36 {strides = array<i32>} : memref<128xf32, #tpu.memory_space<vmem>>, vector<16xf32>,
    %get3A_38 = arith.constant 16 : index
    %get3A_39 = tpu.vector_load %arg6[%get3A_38] {strides = array<i32>} : memref<128xi32, #tpu.memory_space<vmem>>, vector<16xi32>,
    %add3A_40 = arith.constant 16 : i32
    %add3A_41 = vector.broadcast %add3A_40 : i32 to vector<16xi32>
    %add3A_42 = arith.addi %add3A_41, %iota3A : vector<16xi32>
    %gather3A_43 = tpu.vector_load_idx %arg5[%get3A_39, %add3A_42] : memref<1000x128xf32, #tpu.memory_space<vmem>>[vector<16xi32>, vector<16xi32>], vector<16xf32>,
    %sub3A_44 = arith.constant 1.000000e+00 : f32
    %sub3A_45 = vector.broadcast %sub3A_44 : f32 to vector<16xf32>
    %sub3A_46 = arith.subf %gather3A_43, %sub3A_45 : vector<16xf32>
    %broadcast_in_dim3A_47 = arith.constant 0.000000e+00 : f32
    %broadcast_in_dim3A_48 = vector.broadcast %broadcast_in_dim3A_47 : f32 to vector<16xf32>
    %scan3A_49 = arith.constant 0 : i32
    %scan3A_50 = arith.constant 125 : i32
    %scan3A_51 = arith.addi %scan3A_49, %scan3A_50 : i32
    %scan3A_52 = arith.constant 1 : i32
    %scan3A_53 = scf.for %scan3A_247 = %scan3A_49 to %scan3A_51 step %scan3A_52 iter_args(%scan3A_248 = %broadcast_in_dim3A_48) -> (vector<16xf32>)  : i32 {
      %mul3A_249 = arith.constant 8 : i32
      %mul3A_250 = arith.muli %scan3A_247, %mul3A_249 : i32
      %add3A_251 = arith.constant 0 : i32
      %add3A_252 = arith.addi %mul3A_250, %add3A_251 : i32
      %get3A_253 = arith.index_cast %add3A_252 : i32 to index
      %get3A_254 = arith.constant 16 : index
      %get3A_255 = tpu.vector_load %arg5[%get3A_253, %get3A_254] {strides = array<i32>} : memref<1000x128xf32, #tpu.memory_space<vmem>>, vector<16xf32>,
      %max3A = arith.maximumf %get3A_255, %sub3A_46 : vector<16xf32>
      %add3A_256 = arith.addf %scan3A_248, %max3A : vector<16xf32>
      %mul3A_257 = arith.constant 8 : i32
      %mul3A_258 = arith.muli %scan3A_247, %mul3A_257 : i32
      %add3A_259 = arith.constant 1 : i32
      %add3A_260 = arith.addi %mul3A_258, %add3A_259 : i32
      %get3A_261 = arith.index_cast %add3A_260 : i32 to index
      %get3A_262 = arith.constant 16 : index
      %get3A_263 = tpu.vector_load %arg5[%get3A_261, %get3A_262] {strides = array<i32>} : memref<1000x128xf32, #tpu.memory_space<vmem>>, vector<16xf32>,
      %max3A_264 = arith.maximumf %get3A_263, %sub3A_46 : vector<16xf32>
      %add3A_265 = arith.addf %add3A_256, %max3A_264 : vector<16xf32>
      %mul3A_266 = arith.constant 8 : i32
      %mul3A_267 = arith.muli %scan3A_247, %mul3A_266 : i32
      %add3A_268 = arith.constant 2 : i32
      %add3A_269 = arith.addi %mul3A_267, %add3A_268 : i32
      %get3A_270 = arith.index_cast %add3A_269 : i32 to index
      %get3A_271 = arith.constant 16 : index
      %get3A_272 = tpu.vector_load %arg5[%get3A_270, %get3A_271] {strides = array<i32>} : memref<1000x128xf32, #tpu.memory_space<vmem>>, vector<16xf32>,
      %max3A_273 = arith.maximumf %get3A_272, %sub3A_46 : vector<16xf32>
      %add3A_274 = arith.addf %add3A_265, %max3A_273 : vector<16xf32>
      %mul3A_275 = arith.constant 8 : i32
      %mul3A_276 = arith.muli %scan3A_247, %mul3A_275 : i32
      %add3A_277 = arith.constant 3 : i32
      %add3A_278 = arith.addi %mul3A_276, %add3A_277 : i32
      %get3A_279 = arith.index_cast %add3A_278 : i32 to index
      %get3A_280 = arith.constant 16 : index
      %get3A_281 = tpu.vector_load %arg5[%get3A_279, %get3A_280] {strides = array<i32>} : memref<1000x128xf32, #tpu.memory_space<vmem>>, vector<16xf32>,
      %max3A_282 = arith.maximumf %get3A_281, %sub3A_46 : vector<16xf32>
      %add3A_283 = arith.addf %add3A_274, %max3A_282 : vector<16xf32>
      %mul3A_284 = arith.constant 8 : i32
      %mul3A_285 = arith.muli %scan3A_247, %mul3A_284 : i32
      %add3A_286 = arith.constant 4 : i32
      %add3A_287 = arith.addi %mul3A_285, %add3A_286 : i32
      %get3A_288 = arith.index_cast %add3A_287 : i32 to index
      %get3A_289 = arith.constant 16 : index
      %get3A_290 = tpu.vector_load %arg5[%get3A_288, %get3A_289] {strides = array<i32>} : memref<1000x128xf32, #tpu.memory_space<vmem>>, vector<16xf32>,
      %max3A_291 = arith.maximumf %get3A_290, %sub3A_46 : vector<16xf32>
      %add3A_292 = arith.addf %add3A_283, %max3A_291 : vector<16xf32>
      %mul3A_293 = arith.constant 8 : i32
      %mul3A_294 = arith.muli %scan3A_247, %mul3A_293 : i32
      %add3A_295 = arith.constant 5 : i32
      %add3A_296 = arith.addi %mul3A_294, %add3A_295 : i32
      %get3A_297 = arith.index_cast %add3A_296 : i32 to index
      %get3A_298 = arith.constant 16 : index
      %get3A_299 = tpu.vector_load %arg5[%get3A_297, %get3A_298] {strides = array<i32>} : memref<1000x128xf32, #tpu.memory_space<vmem>>, vector<16xf32>,
      %max3A_300 = arith.maximumf %get3A_299, %sub3A_46 : vector<16xf32>
      %add3A_301 = arith.addf %add3A_292, %max3A_300 : vector<16xf32>
      %mul3A_302 = arith.constant 8 : i32
      %mul3A_303 = arith.muli %scan3A_247, %mul3A_302 : i32
      %add3A_304 = arith.constant 6 : i32
      %add3A_305 = arith.addi %mul3A_303, %add3A_304 : i32
      %get3A_306 = arith.index_cast %add3A_305 : i32 to index
      %get3A_307 = arith.constant 16 : index
      %get3A_308 = tpu.vector_load %arg5[%get3A_306, %get3A_307] {strides = array<i32>} : memref<1000x128xf32, #tpu.memory_space<vmem>>, vector<16xf32>,
      %max3A_309 = arith.maximumf %get3A_308, %sub3A_46 : vector<16xf32>
      %add3A_310 = arith.addf %add3A_301, %max3A_309 : vector<16xf32>
      %mul3A_311 = arith.constant 8 : i32
      %mul3A_312 = arith.muli %scan3A_247, %mul3A_311 : i32
      %add3A_313 = arith.constant 7 : i32
      %add3A_314 = arith.addi %mul3A_312, %add3A_313 : i32
      %get3A_315 = arith.index_cast %add3A_314 : i32 to index
      %get3A_316 = arith.constant 16 : index
      %get3A_317 = tpu.vector_load %arg5[%get3A_315, %get3A_316] {strides = array<i32>} : memref<1000x128xf32, #tpu.memory_space<vmem>>, vector<16xf32>,
      %max3A_318 = arith.maximumf %get3A_317, %sub3A_46 : vector<16xf32>
      %add3A_319 = arith.addf %add3A_310, %max3A_318 : vector<16xf32>
      scf.yield %add3A_319 : vector<16xf32>
    }
    %scan3A_54 = arith.constant 125 : i32
    %mul3A_55 = arith.constant 1.000000e+03 : f32
    %mul3A_56 = vector.broadcast %mul3A_55 : f32 to vector<16xf32>
    %mul3A_57 = arith.mulf %mul3A_56, %sub3A_46 : vector<16xf32>
    %sub3A_58 = arith.subf %scan3A_53, %mul3A_57 : vector<16xf32>
    %sub3A_59 = arith.constant 1.000000e+00 : f32
    %sub3A_60 = vector.broadcast %sub3A_59 : f32 to vector<16xf32>
    %sub3A_61 = arith.subf %sub3A_58, %sub3A_60 : vector<16xf32>
    %mul3A_62 = arith.constant 1.000000e-03 : f32
    %mul3A_63 = vector.broadcast %mul3A_62 : f32 to vector<16xf32>
    %mul3A_64 = arith.mulf %sub3A_61, %mul3A_63 : vector<16xf32>
    %swap3A_65 = arith.constant 16 : index
    %swap3A_66 = tpu.vector_load %arg7[%swap3A_65] {strides = array<i32>} : memref<128xf32, #tpu.memory_space<vmem>>, vector<16xf32>,
    tpu.vector_store %arg7[%swap3A_65], %mul3A_64 {strides = array<i32>} : memref<128xf32, #tpu.memory_space<vmem>>, vector<16xf32>,
    %get3A_67 = arith.constant 32 : index
    %get3A_68 = tpu.vector_load %arg6[%get3A_67] {strides = array<i32>} : memref<128xi32, #tpu.memory_space<vmem>>, vector<16xi32>,
    %add3A_69 = arith.constant 32 : i32
    %add3A_70 = vector.broadcast %add3A_69 : i32 to vector<16xi32>
    %add3A_71 = arith.addi %add3A_70, %iota3A : vector<16xi32>
    %gather3A_72 = tpu.vector_load_idx %arg5[%get3A_68, %add3A_71] : memref<1000x128xf32, #tpu.memory_space<vmem>>[vector<16xi32>, vector<16xi32>], vector<16xf32>,
    %sub3A_73 = arith.constant 1.000000e+00 : f32
    %sub3A_74 = vector.broadcast %sub3A_73 : f32 to vector<16xf32>
    %sub3A_75 = arith.subf %gather3A_72, %sub3A_74 : vector<16xf32>
    %broadcast_in_dim3A_76 = arith.constant 0.000000e+00 : f32
    %broadcast_in_dim3A_77 = vector.broadcast %broadcast_in_dim3A_76 : f32 to vector<16xf32>
    %scan3A_78 = arith.constant 0 : i32
    %scan3A_79 = arith.constant 125 : i32
    %scan3A_80 = arith.addi %scan3A_78, %scan3A_79 : i32
    %scan3A_81 = arith.constant 1 : i32
    %scan3A_82 = scf.for %scan3A_247 = %scan3A_78 to %scan3A_80 step %scan3A_81 iter_args(%scan3A_248 = %broadcast_in_dim3A_77) -> (vector<16xf32>)  : i32 {
      %mul3A_249 = arith.constant 8 : i32
      %mul3A_250 = arith.muli %scan3A_247, %mul3A_249 : i32
      %add3A_251 = arith.constant 0 : i32
      %add3A_252 = arith.addi %mul3A_250, %add3A_251 : i32
      %get3A_253 = arith.index_cast %add3A_252 : i32 to index
      %get3A_254 = arith.constant 32 : index
      %get3A_255 = tpu.vector_load %arg5[%get3A_253, %get3A_254] {strides = array<i32>} : memref<1000x128xf32, #tpu.memory_space<vmem>>, vector<16xf32>,
      %max3A = arith.maximumf %get3A_255, %sub3A_75 : vector<16xf32>
      %add3A_256 = arith.addf %scan3A_248, %max3A : vector<16xf32>
      %mul3A_257 = arith.constant 8 : i32
      %mul3A_258 = arith.muli %scan3A_247, %mul3A_257 : i32
      %add3A_259 = arith.constant 1 : i32
      %add3A_260 = arith.addi %mul3A_258, %add3A_259 : i32
      %get3A_261 = arith.index_cast %add3A_260 : i32 to index
      %get3A_262 = arith.constant 32 : index
      %get3A_263 = tpu.vector_load %arg5[%get3A_261, %get3A_262] {strides = array<i32>} : memref<1000x128xf32, #tpu.memory_space<vmem>>, vector<16xf32>,
      %max3A_264 = arith.maximumf %get3A_263, %sub3A_75 : vector<16xf32>
      %add3A_265 = arith.addf %add3A_256, %max3A_264 : vector<16xf32>
      %mul3A_266 = arith.constant 8 : i32
      %mul3A_267 = arith.muli %scan3A_247, %mul3A_266 : i32
      %add3A_268 = arith.constant 2 : i32
      %add3A_269 = arith.addi %mul3A_267, %add3A_268 : i32
      %get3A_270 = arith.index_cast %add3A_269 : i32 to index
      %get3A_271 = arith.constant 32 : index
      %get3A_272 = tpu.vector_load %arg5[%get3A_270, %get3A_271] {strides = array<i32>} : memref<1000x128xf32, #tpu.memory_space<vmem>>, vector<16xf32>,
      %max3A_273 = arith.maximumf %get3A_272, %sub3A_75 : vector<16xf32>
      %add3A_274 = arith.addf %add3A_265, %max3A_273 : vector<16xf32>
      %mul3A_275 = arith.constant 8 : i32
      %mul3A_276 = arith.muli %scan3A_247, %mul3A_275 : i32
      %add3A_277 = arith.constant 3 : i32
      %add3A_278 = arith.addi %mul3A_276, %add3A_277 : i32
      %get3A_279 = arith.index_cast %add3A_278 : i32 to index
      %get3A_280 = arith.constant 32 : index
      %get3A_281 = tpu.vector_load %arg5[%get3A_279, %get3A_280] {strides = array<i32>} : memref<1000x128xf32, #tpu.memory_space<vmem>>, vector<16xf32>,
      %max3A_282 = arith.maximumf %get3A_281, %sub3A_75 : vector<16xf32>
      %add3A_283 = arith.addf %add3A_274, %max3A_282 : vector<16xf32>
      %mul3A_284 = arith.constant 8 : i32
      %mul3A_285 = arith.muli %scan3A_247, %mul3A_284 : i32
      %add3A_286 = arith.constant 4 : i32
      %add3A_287 = arith.addi %mul3A_285, %add3A_286 : i32
      %get3A_288 = arith.index_cast %add3A_287 : i32 to index
      %get3A_289 = arith.constant 32 : index
      %get3A_290 = tpu.vector_load %arg5[%get3A_288, %get3A_289] {strides = array<i32>} : memref<1000x128xf32, #tpu.memory_space<vmem>>, vector<16xf32>,
      %max3A_291 = arith.maximumf %get3A_290, %sub3A_75 : vector<16xf32>
      %add3A_292 = arith.addf %add3A_283, %max3A_291 : vector<16xf32>
      %mul3A_293 = arith.constant 8 : i32
      %mul3A_294 = arith.muli %scan3A_247, %mul3A_293 : i32
      %add3A_295 = arith.constant 5 : i32
      %add3A_296 = arith.addi %mul3A_294, %add3A_295 : i32
      %get3A_297 = arith.index_cast %add3A_296 : i32 to index
      %get3A_298 = arith.constant 32 : index
      %get3A_299 = tpu.vector_load %arg5[%get3A_297, %get3A_298] {strides = array<i32>} : memref<1000x128xf32, #tpu.memory_space<vmem>>, vector<16xf32>,
      %max3A_300 = arith.maximumf %get3A_299, %sub3A_75 : vector<16xf32>
      %add3A_301 = arith.addf %add3A_292, %max3A_300 : vector<16xf32>
      %mul3A_302 = arith.constant 8 : i32
      %mul3A_303 = arith.muli %scan3A_247, %mul3A_302 : i32
      %add3A_304 = arith.constant 6 : i32
      %add3A_305 = arith.addi %mul3A_303, %add3A_304 : i32
      %get3A_306 = arith.index_cast %add3A_305 : i32 to index
      %get3A_307 = arith.constant 32 : index
      %get3A_308 = tpu.vector_load %arg5[%get3A_306, %get3A_307] {strides = array<i32>} : memref<1000x128xf32, #tpu.memory_space<vmem>>, vector<16xf32>,
      %max3A_309 = arith.maximumf %get3A_308, %sub3A_75 : vector<16xf32>
      %add3A_310 = arith.addf %add3A_301, %max3A_309 : vector<16xf32>
      %mul3A_311 = arith.constant 8 : i32
      %mul3A_312 = arith.muli %scan3A_247, %mul3A_311 : i32
      %add3A_313 = arith.constant 7 : i32
      %add3A_314 = arith.addi %mul3A_312, %add3A_313 : i32
      %get3A_315 = arith.index_cast %add3A_314 : i32 to index
      %get3A_316 = arith.constant 32 : index
      %get3A_317 = tpu.vector_load %arg5[%get3A_315, %get3A_316] {strides = array<i32>} : memref<1000x128xf32, #tpu.memory_space<vmem>>, vector<16xf32>,
      %max3A_318 = arith.maximumf %get3A_317, %sub3A_75 : vector<16xf32>
      %add3A_319 = arith.addf %add3A_310, %max3A_318 : vector<16xf32>
      scf.yield %add3A_319 : vector<16xf32>
    }
    %scan3A_83 = arith.constant 125 : i32
    %mul3A_84 = arith.constant 1.000000e+03 : f32
    %mul3A_85 = vector.broadcast %mul3A_84 : f32 to vector<16xf32>
    %mul3A_86 = arith.mulf %mul3A_85, %sub3A_75 : vector<16xf32>
    %sub3A_87 = arith.subf %scan3A_82, %mul3A_86 : vector<16xf32>
    %sub3A_88 = arith.constant 1.000000e+00 : f32
    %sub3A_89 = vector.broadcast %sub3A_88 : f32 to vector<16xf32>
    %sub3A_90 = arith.subf %sub3A_87, %sub3A_89 : vector<16xf32>
    %mul3A_91 = arith.constant 1.000000e-03 : f32
    %mul3A_92 = vector.broadcast %mul3A_91 : f32 to vector<16xf32>
    %mul3A_93 = arith.mulf %sub3A_90, %mul3A_92 : vector<16xf32>
    %swap3A_94 = arith.constant 32 : index
    %swap3A_95 = tpu.vector_load %arg7[%swap3A_94] {strides = array<i32>} : memref<128xf32, #tpu.memory_space<vmem>>, vector<16xf32>,
    tpu.vector_store %arg7[%swap3A_94], %mul3A_93 {strides = array<i32>} : memref<128xf32, #tpu.memory_space<vmem>>, vector<16xf32>,
    %get3A_96 = arith.constant 48 : index
    %get3A_97 = tpu.vector_load %arg6[%get3A_96] {strides = array<i32>} : memref<128xi32, #tpu.memory_space<vmem>>, vector<16xi32>,
    %add3A_98 = arith.constant 48 : i32
    %add3A_99 = vector.broadcast %add3A_98 : i32 to vector<16xi32>
    %add3A_100 = arith.addi %add3A_99, %iota3A : vector<16xi32>
    %gather3A_101 = tpu.vector_load_idx %arg5[%get3A_97, %add3A_100] : memref<1000x128xf32, #tpu.memory_space<vmem>>[vector<16xi32>, vector<16xi32>], vector<16xf32>,
    %sub3A_102 = arith.constant 1.000000e+00 : f32
    %sub3A_103 = vector.broadcast %sub3A_102 : f32 to vector<16xf32>
    %sub3A_104 = arith.subf %gather3A_101, %sub3A_103 : vector<16xf32>
    %broadcast_in_dim3A_105 = arith.constant 0.000000e+00 : f32
    %broadcast_in_dim3A_106 = vector.broadcast %broadcast_in_dim3A_105 : f32 to vector<16xf32>
    %scan3A_107 = arith.constant 0 : i32
    %scan3A_108 = arith.constant 125 : i32
    %scan3A_109 = arith.addi %scan3A_107, %scan3A_108 : i32
    %scan3A_110 = arith.constant 1 : i32
    %scan3A_111 = scf.for %scan3A_247 = %scan3A_107 to %scan3A_109 step %scan3A_110 iter_args(%scan3A_248 = %broadcast_in_dim3A_106) -> (vector<16xf32>)  : i32 {
      %mul3A_249 = arith.constant 8 : i32
      %mul3A_250 = arith.muli %scan3A_247, %mul3A_249 : i32
      %add3A_251 = arith.constant 0 : i32
      %add3A_252 = arith.addi %mul3A_250, %add3A_251 : i32
      %get3A_253 = arith.index_cast %add3A_252 : i32 to index
      %get3A_254 = arith.constant 48 : index
      %get3A_255 = tpu.vector_load %arg5[%get3A_253, %get3A_254] {strides = array<i32>} : memref<1000x128xf32, #tpu.memory_space<vmem>>, vector<16xf32>,
      %max3A = arith.maximumf %get3A_255, %sub3A_104 : vector<16xf32>
      %add3A_256 = arith.addf %scan3A_248, %max3A : vector<16xf32>
      %mul3A_257 = arith.constant 8 : i32
      %mul3A_258 = arith.muli %scan3A_247, %mul3A_257 : i32
      %add3A_259 = arith.constant 1 : i32
      %add3A_260 = arith.addi %mul3A_258, %add3A_259 : i32
      %get3A_261 = arith.index_cast %add3A_260 : i32 to index
      %get3A_262 = arith.constant 48 : index
      %get3A_263 = tpu.vector_load %arg5[%get3A_261, %get3A_262] {strides = array<i32>} : memref<1000x128xf32, #tpu.memory_space<vmem>>, vector<16xf32>,
      %max3A_264 = arith.maximumf %get3A_263, %sub3A_104 : vector<16xf32>
      %add3A_265 = arith.addf %add3A_256, %max3A_264 : vector<16xf32>
      %mul3A_266 = arith.constant 8 : i32
      %mul3A_267 = arith.muli %scan3A_247, %mul3A_266 : i32
      %add3A_268 = arith.constant 2 : i32
      %add3A_269 = arith.addi %mul3A_267, %add3A_268 : i32
      %get3A_270 = arith.index_cast %add3A_269 : i32 to index
      %get3A_271 = arith.constant 48 : index
      %get3A_272 = tpu.vector_load %arg5[%get3A_270, %get3A_271] {strides = array<i32>} : memref<1000x128xf32, #tpu.memory_space<vmem>>, vector<16xf32>,
      %max3A_273 = arith.maximumf %get3A_272, %sub3A_104 : vector<16xf32>
      %add3A_274 = arith.addf %add3A_265, %max3A_273 : vector<16xf32>
      %mul3A_275 = arith.constant 8 : i32
      %mul3A_276 = arith.muli %scan3A_247, %mul3A_275 : i32
      %add3A_277 = arith.constant 3 : i32
      %add3A_278 = arith.addi %mul3A_276, %add3A_277 : i32
      %get3A_279 = arith.index_cast %add3A_278 : i32 to index
      %get3A_280 = arith.constant 48 : index
      %get3A_281 = tpu.vector_load %arg5[%get3A_279, %get3A_280] {strides = array<i32>} : memref<1000x128xf32, #tpu.memory_space<vmem>>, vector<16xf32>,
      %max3A_282 = arith.maximumf %get3A_281, %sub3A_104 : vector<16xf32>
      %add3A_283 = arith.addf %add3A_274, %max3A_282 : vector<16xf32>
      %mul3A_284 = arith.constant 8 : i32
      %mul3A_285 = arith.muli %scan3A_247, %mul3A_284 : i32
      %add3A_286 = arith.constant 4 : i32
      %add3A_287 = arith.addi %mul3A_285, %add3A_286 : i32
      %get3A_288 = arith.index_cast %add3A_287 : i32 to index
      %get3A_289 = arith.constant 48 : index
      %get3A_290 = tpu.vector_load %arg5[%get3A_288, %get3A_289] {strides = array<i32>} : memref<1000x128xf32, #tpu.memory_space<vmem>>, vector<16xf32>,
      %max3A_291 = arith.maximumf %get3A_290, %sub3A_104 : vector<16xf32>
      %add3A_292 = arith.addf %add3A_283, %max3A_291 : vector<16xf32>
      %mul3A_293 = arith.constant 8 : i32
      %mul3A_294 = arith.muli %scan3A_247, %mul3A_293 : i32
      %add3A_295 = arith.constant 5 : i32
      %add3A_296 = arith.addi %mul3A_294, %add3A_295 : i32
      %get3A_297 = arith.index_cast %add3A_296 : i32 to index
      %get3A_298 = arith.constant 48 : index
      %get3A_299 = tpu.vector_load %arg5[%get3A_297, %get3A_298] {strides = array<i32>} : memref<1000x128xf32, #tpu.memory_space<vmem>>, vector<16xf32>,
      %max3A_300 = arith.maximumf %get3A_299, %sub3A_104 : vector<16xf32>
      %add3A_301 = arith.addf %add3A_292, %max3A_300 : vector<16xf32>
      %mul3A_302 = arith.constant 8 : i32
      %mul3A_303 = arith.muli %scan3A_247, %mul3A_302 : i32
      %add3A_304 = arith.constant 6 : i32
      %add3A_305 = arith.addi %mul3A_303, %add3A_304 : i32
      %get3A_306 = arith.index_cast %add3A_305 : i32 to index
      %get3A_307 = arith.constant 48 : index
      %get3A_308 = tpu.vector_load %arg5[%get3A_306, %get3A_307] {strides = array<i32>} : memref<1000x128xf32, #tpu.memory_space<vmem>>, vector<16xf32>,
      %max3A_309 = arith.maximumf %get3A_308, %sub3A_104 : vector<16xf32>
      %add3A_310 = arith.addf %add3A_301, %max3A_309 : vector<16xf32>
      %mul3A_311 = arith.constant 8 : i32
      %mul3A_312 = arith.muli %scan3A_247, %mul3A_311 : i32
      %add3A_313 = arith.constant 7 : i32
      %add3A_314 = arith.addi %mul3A_312, %add3A_313 : i32
      %get3A_315 = arith.index_cast %add3A_314 : i32 to index
      %get3A_316 = arith.constant 48 : index
      %get3A_317 = tpu.vector_load %arg5[%get3A_315, %get3A_316] {strides = array<i32>} : memref<1000x128xf32, #tpu.memory_space<vmem>>, vector<16xf32>,
      %max3A_318 = arith.maximumf %get3A_317, %sub3A_104 : vector<16xf32>
      %add3A_319 = arith.addf %add3A_310, %max3A_318 : vector<16xf32>
      scf.yield %add3A_319 : vector<16xf32>
    }
    %scan3A_112 = arith.constant 125 : i32
    %mul3A_113 = arith.constant 1.000000e+03 : f32
    %mul3A_114 = vector.broadcast %mul3A_113 : f32 to vector<16xf32>
    %mul3A_115 = arith.mulf %mul3A_114, %sub3A_104 : vector<16xf32>
    %sub3A_116 = arith.subf %scan3A_111, %mul3A_115 : vector<16xf32>
    %sub3A_117 = arith.constant 1.000000e+00 : f32
    %sub3A_118 = vector.broadcast %sub3A_117 : f32 to vector<16xf32>
    %sub3A_119 = arith.subf %sub3A_116, %sub3A_118 : vector<16xf32>
    %mul3A_120 = arith.constant 1.000000e-03 : f32
    %mul3A_121 = vector.broadcast %mul3A_120 : f32 to vector<16xf32>
    %mul3A_122 = arith.mulf %sub3A_119, %mul3A_121 : vector<16xf32>
    %swap3A_123 = arith.constant 48 : index
    %swap3A_124 = tpu.vector_load %arg7[%swap3A_123] {strides = array<i32>} : memref<128xf32, #tpu.memory_space<vmem>>, vector<16xf32>,
    tpu.vector_store %arg7[%swap3A_123], %mul3A_122 {strides = array<i32>} : memref<128xf32, #tpu.memory_space<vmem>>, vector<16xf32>,
    %get3A_125 = arith.constant 64 : index
    %get3A_126 = tpu.vector_load %arg6[%get3A_125] {strides = array<i32>} : memref<128xi32, #tpu.memory_space<vmem>>, vector<16xi32>,
    %add3A_127 = arith.constant 64 : i32
    %add3A_128 = vector.broadcast %add3A_127 : i32 to vector<16xi32>
    %add3A_129 = arith.addi %add3A_128, %iota3A : vector<16xi32>
    %gather3A_130 = tpu.vector_load_idx %arg5[%get3A_126, %add3A_129] : memref<1000x128xf32, #tpu.memory_space<vmem>>[vector<16xi32>, vector<16xi32>], vector<16xf32>,
    %sub3A_131 = arith.constant 1.000000e+00 : f32
    %sub3A_132 = vector.broadcast %sub3A_131 : f32 to vector<16xf32>
    %sub3A_133 = arith.subf %gather3A_130, %sub3A_132 : vector<16xf32>
    %broadcast_in_dim3A_134 = arith.constant 0.000000e+00 : f32
    %broadcast_in_dim3A_135 = vector.broadcast %broadcast_in_dim3A_134 : f32 to vector<16xf32>
    %scan3A_136 = arith.constant 0 : i32
    %scan3A_137 = arith.constant 125 : i32
    %scan3A_138 = arith.addi %scan3A_136, %scan3A_137 : i32
    %scan3A_139 = arith.constant 1 : i32
    %scan3A_140 = scf.for %scan3A_247 = %scan3A_136 to %scan3A_138 step %scan3A_139 iter_args(%scan3A_248 = %broadcast_in_dim3A_135) -> (vector<16xf32>)  : i32 {
      %mul3A_249 = arith.constant 8 : i32
      %mul3A_250 = arith.muli %scan3A_247, %mul3A_249 : i32
      %add3A_251 = arith.constant 0 : i32
      %add3A_252 = arith.addi %mul3A_250, %add3A_251 : i32
      %get3A_253 = arith.index_cast %add3A_252 : i32 to index
      %get3A_254 = arith.constant 64 : index
      %get3A_255 = tpu.vector_load %arg5[%get3A_253, %get3A_254] {strides = array<i32>} : memref<1000x128xf32, #tpu.memory_space<vmem>>, vector<16xf32>,
      %max3A = arith.maximumf %get3A_255, %sub3A_133 : vector<16xf32>
      %add3A_256 = arith.addf %scan3A_248, %max3A : vector<16xf32>
      %mul3A_257 = arith.constant 8 : i32
      %mul3A_258 = arith.muli %scan3A_247, %mul3A_257 : i32
      %add3A_259 = arith.constant 1 : i32
      %add3A_260 = arith.addi %mul3A_258, %add3A_259 : i32
      %get3A_261 = arith.index_cast %add3A_260 : i32 to index
      %get3A_262 = arith.constant 64 : index
      %get3A_263 = tpu.vector_load %arg5[%get3A_261, %get3A_262] {strides = array<i32>} : memref<1000x128xf32, #tpu.memory_space<vmem>>, vector<16xf32>,
      %max3A_264 = arith.maximumf %get3A_263, %sub3A_133 : vector<16xf32>
      %add3A_265 = arith.addf %add3A_256, %max3A_264 : vector<16xf32>
      %mul3A_266 = arith.constant 8 : i32
      %mul3A_267 = arith.muli %scan3A_247, %mul3A_266 : i32
      %add3A_268 = arith.constant 2 : i32
      %add3A_269 = arith.addi %mul3A_267, %add3A_268 : i32
      %get3A_270 = arith.index_cast %add3A_269 : i32 to index
      %get3A_271 = arith.constant 64 : index
      %get3A_272 = tpu.vector_load %arg5[%get3A_270, %get3A_271] {strides = array<i32>} : memref<1000x128xf32, #tpu.memory_space<vmem>>, vector<16xf32>,
      %max3A_273 = arith.maximumf %get3A_272, %sub3A_133 : vector<16xf32>
      %add3A_274 = arith.addf %add3A_265, %max3A_273 : vector<16xf32>
      %mul3A_275 = arith.constant 8 : i32
      %mul3A_276 = arith.muli %scan3A_247, %mul3A_275 : i32
      %add3A_277 = arith.constant 3 : i32
      %add3A_278 = arith.addi %mul3A_276, %add3A_277 : i32
      %get3A_279 = arith.index_cast %add3A_278 : i32 to index
      %get3A_280 = arith.constant 64 : index
      %get3A_281 = tpu.vector_load %arg5[%get3A_279, %get3A_280] {strides = array<i32>} : memref<1000x128xf32, #tpu.memory_space<vmem>>, vector<16xf32>,
      %max3A_282 = arith.maximumf %get3A_281, %sub3A_133 : vector<16xf32>
      %add3A_283 = arith.addf %add3A_274, %max3A_282 : vector<16xf32>
      %mul3A_284 = arith.constant 8 : i32
      %mul3A_285 = arith.muli %scan3A_247, %mul3A_284 : i32
      %add3A_286 = arith.constant 4 : i32
      %add3A_287 = arith.addi %mul3A_285, %add3A_286 : i32
      %get3A_288 = arith.index_cast %add3A_287 : i32 to index
      %get3A_289 = arith.constant 64 : index
      %get3A_290 = tpu.vector_load %arg5[%get3A_288, %get3A_289] {strides = array<i32>} : memref<1000x128xf32, #tpu.memory_space<vmem>>, vector<16xf32>,
      %max3A_291 = arith.maximumf %get3A_290, %sub3A_133 : vector<16xf32>
      %add3A_292 = arith.addf %add3A_283, %max3A_291 : vector<16xf32>
      %mul3A_293 = arith.constant 8 : i32
      %mul3A_294 = arith.muli %scan3A_247, %mul3A_293 : i32
      %add3A_295 = arith.constant 5 : i32
      %add3A_296 = arith.addi %mul3A_294, %add3A_295 : i32
      %get3A_297 = arith.index_cast %add3A_296 : i32 to index
      %get3A_298 = arith.constant 64 : index
      %get3A_299 = tpu.vector_load %arg5[%get3A_297, %get3A_298] {strides = array<i32>} : memref<1000x128xf32, #tpu.memory_space<vmem>>, vector<16xf32>,
      %max3A_300 = arith.maximumf %get3A_299, %sub3A_133 : vector<16xf32>
      %add3A_301 = arith.addf %add3A_292, %max3A_300 : vector<16xf32>
      %mul3A_302 = arith.constant 8 : i32
      %mul3A_303 = arith.muli %scan3A_247, %mul3A_302 : i32
      %add3A_304 = arith.constant 6 : i32
      %add3A_305 = arith.addi %mul3A_303, %add3A_304 : i32
      %get3A_306 = arith.index_cast %add3A_305 : i32 to index
      %get3A_307 = arith.constant 64 : index
      %get3A_308 = tpu.vector_load %arg5[%get3A_306, %get3A_307] {strides = array<i32>} : memref<1000x128xf32, #tpu.memory_space<vmem>>, vector<16xf32>,
      %max3A_309 = arith.maximumf %get3A_308, %sub3A_133 : vector<16xf32>
      %add3A_310 = arith.addf %add3A_301, %max3A_309 : vector<16xf32>
      %mul3A_311 = arith.constant 8 : i32
      %mul3A_312 = arith.muli %scan3A_247, %mul3A_311 : i32
      %add3A_313 = arith.constant 7 : i32
      %add3A_314 = arith.addi %mul3A_312, %add3A_313 : i32
      %get3A_315 = arith.index_cast %add3A_314 : i32 to index
      %get3A_316 = arith.constant 64 : index
      %get3A_317 = tpu.vector_load %arg5[%get3A_315, %get3A_316] {strides = array<i32>} : memref<1000x128xf32, #tpu.memory_space<vmem>>, vector<16xf32>,
      %max3A_318 = arith.maximumf %get3A_317, %sub3A_133 : vector<16xf32>
      %add3A_319 = arith.addf %add3A_310, %max3A_318 : vector<16xf32>
      scf.yield %add3A_319 : vector<16xf32>
    }
    %scan3A_141 = arith.constant 125 : i32
    %mul3A_142 = arith.constant 1.000000e+03 : f32
    %mul3A_143 = vector.broadcast %mul3A_142 : f32 to vector<16xf32>
    %mul3A_144 = arith.mulf %mul3A_143, %sub3A_133 : vector<16xf32>
    %sub3A_145 = arith.subf %scan3A_140, %mul3A_144 : vector<16xf32>
    %sub3A_146 = arith.constant 1.000000e+00 : f32
    %sub3A_147 = vector.broadcast %sub3A_146 : f32 to vector<16xf32>
    %sub3A_148 = arith.subf %sub3A_145, %sub3A_147 : vector<16xf32>
    %mul3A_149 = arith.constant 1.000000e-03 : f32
    %mul3A_150 = vector.broadcast %mul3A_149 : f32 to vector<16xf32>
    %mul3A_151 = arith.mulf %sub3A_148, %mul3A_150 : vector<16xf32>
    %swap3A_152 = arith.constant 64 : index
    %swap3A_153 = tpu.vector_load %arg7[%swap3A_152] {strides = array<i32>} : memref<128xf32, #tpu.memory_space<vmem>>, vector<16xf32>,
    tpu.vector_store %arg7[%swap3A_152], %mul3A_151 {strides = array<i32>} : memref<128xf32, #tpu.memory_space<vmem>>, vector<16xf32>,
    %get3A_154 = arith.constant 80 : index
    %get3A_155 = tpu.vector_load %arg6[%get3A_154] {strides = array<i32>} : memref<128xi32, #tpu.memory_space<vmem>>, vector<16xi32>,
    %add3A_156 = arith.constant 80 : i32
    %add3A_157 = vector.broadcast %add3A_156 : i32 to vector<16xi32>
    %add3A_158 = arith.addi %add3A_157, %iota3A : vector<16xi32>
    %gather3A_159 = tpu.vector_load_idx %arg5[%get3A_155, %add3A_158] : memref<1000x128xf32, #tpu.memory_space<vmem>>[vector<16xi32>, vector<16xi32>], vector<16xf32>,
    %sub3A_160 = arith.constant 1.000000e+00 : f32
    %sub3A_161 = vector.broadcast %sub3A_160 : f32 to vector<16xf32>
    %sub3A_162 = arith.subf %gather3A_159, %sub3A_161 : vector<16xf32>
    %broadcast_in_dim3A_163 = arith.constant 0.000000e+00 : f32
    %broadcast_in_dim3A_164 = vector.broadcast %broadcast_in_dim3A_163 : f32 to vector<16xf32>
    %scan3A_165 = arith.constant 0 : i32
    %scan3A_166 = arith.constant 125 : i32
    %scan3A_167 = arith.addi %scan3A_165, %scan3A_166 : i32
    %scan3A_168 = arith.constant 1 : i32
    %scan3A_169 = scf.for %scan3A_247 = %scan3A_165 to %scan3A_167 step %scan3A_168 iter_args(%scan3A_248 = %broadcast_in_dim3A_164) -> (vector<16xf32>)  : i32 {
      %mul3A_249 = arith.constant 8 : i32
      %mul3A_250 = arith.muli %scan3A_247, %mul3A_249 : i32
      %add3A_251 = arith.constant 0 : i32
      %add3A_252 = arith.addi %mul3A_250, %add3A_251 : i32
      %get3A_253 = arith.index_cast %add3A_252 : i32 to index
      %get3A_254 = arith.constant 80 : index
      %get3A_255 = tpu.vector_load %arg5[%get3A_253, %get3A_254] {strides = array<i32>} : memref<1000x128xf32, #tpu.memory_space<vmem>>, vector<16xf32>,
      %max3A = arith.maximumf %get3A_255, %sub3A_162 : vector<16xf32>
      %add3A_256 = arith.addf %scan3A_248, %max3A : vector<16xf32>
      %mul3A_257 = arith.constant 8 : i32
      %mul3A_258 = arith.muli %scan3A_247, %mul3A_257 : i32
      %add3A_259 = arith.constant 1 : i32
      %add3A_260 = arith.addi %mul3A_258, %add3A_259 : i32
      %get3A_261 = arith.index_cast %add3A_260 : i32 to index
      %get3A_262 = arith.constant 80 : index
      %get3A_263 = tpu.vector_load %arg5[%get3A_261, %get3A_262] {strides = array<i32>} : memref<1000x128xf32, #tpu.memory_space<vmem>>, vector<16xf32>,
      %max3A_264 = arith.maximumf %get3A_263, %sub3A_162 : vector<16xf32>
      %add3A_265 = arith.addf %add3A_256, %max3A_264 : vector<16xf32>
      %mul3A_266 = arith.constant 8 : i32
      %mul3A_267 = arith.muli %scan3A_247, %mul3A_266 : i32
      %add3A_268 = arith.constant 2 : i32
      %add3A_269 = arith.addi %mul3A_267, %add3A_268 : i32
      %get3A_270 = arith.index_cast %add3A_269 : i32 to index
      %get3A_271 = arith.constant 80 : index
      %get3A_272 = tpu.vector_load %arg5[%get3A_270, %get3A_271] {strides = array<i32>} : memref<1000x128xf32, #tpu.memory_space<vmem>>, vector<16xf32>,
      %max3A_273 = arith.maximumf %get3A_272, %sub3A_162 : vector<16xf32>
      %add3A_274 = arith.addf %add3A_265, %max3A_273 : vector<16xf32>
      %mul3A_275 = arith.constant 8 : i32
      %mul3A_276 = arith.muli %scan3A_247, %mul3A_275 : i32
      %add3A_277 = arith.constant 3 : i32
      %add3A_278 = arith.addi %mul3A_276, %add3A_277 : i32
      %get3A_279 = arith.index_cast %add3A_278 : i32 to index
      %get3A_280 = arith.constant 80 : index
      %get3A_281 = tpu.vector_load %arg5[%get3A_279, %get3A_280] {strides = array<i32>} : memref<1000x128xf32, #tpu.memory_space<vmem>>, vector<16xf32>,
      %max3A_282 = arith.maximumf %get3A_281, %sub3A_162 : vector<16xf32>
      %add3A_283 = arith.addf %add3A_274, %max3A_282 : vector<16xf32>
      %mul3A_284 = arith.constant 8 : i32
      %mul3A_285 = arith.muli %scan3A_247, %mul3A_284 : i32
      %add3A_286 = arith.constant 4 : i32
      %add3A_287 = arith.addi %mul3A_285, %add3A_286 : i32
      %get3A_288 = arith.index_cast %add3A_287 : i32 to index
      %get3A_289 = arith.constant 80 : index
      %get3A_290 = tpu.vector_load %arg5[%get3A_288, %get3A_289] {strides = array<i32>} : memref<1000x128xf32, #tpu.memory_space<vmem>>, vector<16xf32>,
      %max3A_291 = arith.maximumf %get3A_290, %sub3A_162 : vector<16xf32>
      %add3A_292 = arith.addf %add3A_283, %max3A_291 : vector<16xf32>
      %mul3A_293 = arith.constant 8 : i32
      %mul3A_294 = arith.muli %scan3A_247, %mul3A_293 : i32
      %add3A_295 = arith.constant 5 : i32
      %add3A_296 = arith.addi %mul3A_294, %add3A_295 : i32
      %get3A_297 = arith.index_cast %add3A_296 : i32 to index
      %get3A_298 = arith.constant 80 : index
      %get3A_299 = tpu.vector_load %arg5[%get3A_297, %get3A_298] {strides = array<i32>} : memref<1000x128xf32, #tpu.memory_space<vmem>>, vector<16xf32>,
      %max3A_300 = arith.maximumf %get3A_299, %sub3A_162 : vector<16xf32>
      %add3A_301 = arith.addf %add3A_292, %max3A_300 : vector<16xf32>
      %mul3A_302 = arith.constant 8 : i32
      %mul3A_303 = arith.muli %scan3A_247, %mul3A_302 : i32
      %add3A_304 = arith.constant 6 : i32
      %add3A_305 = arith.addi %mul3A_303, %add3A_304 : i32
      %get3A_306 = arith.index_cast %add3A_305 : i32 to index
      %get3A_307 = arith.constant 80 : index
      %get3A_308 = tpu.vector_load %arg5[%get3A_306, %get3A_307] {strides = array<i32>} : memref<1000x128xf32, #tpu.memory_space<vmem>>, vector<16xf32>,
      %max3A_309 = arith.maximumf %get3A_308, %sub3A_162 : vector<16xf32>
      %add3A_310 = arith.addf %add3A_301, %max3A_309 : vector<16xf32>
      %mul3A_311 = arith.constant 8 : i32
      %mul3A_312 = arith.muli %scan3A_247, %mul3A_311 : i32
      %add3A_313 = arith.constant 7 : i32
      %add3A_314 = arith.addi %mul3A_312, %add3A_313 : i32
      %get3A_315 = arith.index_cast %add3A_314 : i32 to index
      %get3A_316 = arith.constant 80 : index
      %get3A_317 = tpu.vector_load %arg5[%get3A_315, %get3A_316] {strides = array<i32>} : memref<1000x128xf32, #tpu.memory_space<vmem>>, vector<16xf32>,
      %max3A_318 = arith.maximumf %get3A_317, %sub3A_162 : vector<16xf32>
      %add3A_319 = arith.addf %add3A_310, %max3A_318 : vector<16xf32>
      scf.yield %add3A_319 : vector<16xf32>
    }
    %scan3A_170 = arith.constant 125 : i32
    %mul3A_171 = arith.constant 1.000000e+03 : f32
    %mul3A_172 = vector.broadcast %mul3A_171 : f32 to vector<16xf32>
    %mul3A_173 = arith.mulf %mul3A_172, %sub3A_162 : vector<16xf32>
    %sub3A_174 = arith.subf %scan3A_169, %mul3A_173 : vector<16xf32>
    %sub3A_175 = arith.constant 1.000000e+00 : f32
    %sub3A_176 = vector.broadcast %sub3A_175 : f32 to vector<16xf32>
    %sub3A_177 = arith.subf %sub3A_174, %sub3A_176 : vector<16xf32>
    %mul3A_178 = arith.constant 1.000000e-03 : f32
    %mul3A_179 = vector.broadcast %mul3A_178 : f32 to vector<16xf32>
    %mul3A_180 = arith.mulf %sub3A_177, %mul3A_179 : vector<16xf32>
    %swap3A_181 = arith.constant 80 : index
    %swap3A_182 = tpu.vector_load %arg7[%swap3A_181] {strides = array<i32>} : memref<128xf32, #tpu.memory_space<vmem>>, vector<16xf32>,
    tpu.vector_store %arg7[%swap3A_181], %mul3A_180 {strides = array<i32>} : memref<128xf32, #tpu.memory_space<vmem>>, vector<16xf32>,
    %get3A_183 = arith.constant 96 : index
    %get3A_184 = tpu.vector_load %arg6[%get3A_183] {strides = array<i32>} : memref<128xi32, #tpu.memory_space<vmem>>, vector<16xi32>,
    %add3A_185 = arith.constant 96 : i32
    %add3A_186 = vector.broadcast %add3A_185 : i32 to vector<16xi32>
    %add3A_187 = arith.addi %add3A_186, %iota3A : vector<16xi32>
    %gather3A_188 = tpu.vector_load_idx %arg5[%get3A_184, %add3A_187] : memref<1000x128xf32, #tpu.memory_space<vmem>>[vector<16xi32>, vector<16xi32>], vector<16xf32>,
    %sub3A_189 = arith.constant 1.000000e+00 : f32
    %sub3A_190 = vector.broadcast %sub3A_189 : f32 to vector<16xf32>
    %sub3A_191 = arith.subf %gather3A_188, %sub3A_190 : vector<16xf32>
    %broadcast_in_dim3A_192 = arith.constant 0.000000e+00 : f32
    %broadcast_in_dim3A_193 = vector.broadcast %broadcast_in_dim3A_192 : f32 to vector<16xf32>
    %scan3A_194 = arith.constant 0 : i32
    %scan3A_195 = arith.constant 125 : i32
    %scan3A_196 = arith.addi %scan3A_194, %scan3A_195 : i32
    %scan3A_197 = arith.constant 1 : i32
    %scan3A_198 = scf.for %scan3A_247 = %scan3A_194 to %scan3A_196 step %scan3A_197 iter_args(%scan3A_248 = %broadcast_in_dim3A_193) -> (vector<16xf32>)  : i32 {
      %mul3A_249 = arith.constant 8 : i32
      %mul3A_250 = arith.muli %scan3A_247, %mul3A_249 : i32
      %add3A_251 = arith.constant 0 : i32
      %add3A_252 = arith.addi %mul3A_250, %add3A_251 : i32
      %get3A_253 = arith.index_cast %add3A_252 : i32 to index
      %get3A_254 = arith.constant 96 : index
      %get3A_255 = tpu.vector_load %arg5[%get3A_253, %get3A_254] {strides = array<i32>} : memref<1000x128xf32, #tpu.memory_space<vmem>>, vector<16xf32>,
      %max3A = arith.maximumf %get3A_255, %sub3A_191 : vector<16xf32>
      %add3A_256 = arith.addf %scan3A_248, %max3A : vector<16xf32>
      %mul3A_257 = arith.constant 8 : i32
      %mul3A_258 = arith.muli %scan3A_247, %mul3A_257 : i32
      %add3A_259 = arith.constant 1 : i32
      %add3A_260 = arith.addi %mul3A_258, %add3A_259 : i32
      %get3A_261 = arith.index_cast %add3A_260 : i32 to index
      %get3A_262 = arith.constant 96 : index
      %get3A_263 = tpu.vector_load %arg5[%get3A_261, %get3A_262] {strides = array<i32>} : memref<1000x128xf32, #tpu.memory_space<vmem>>, vector<16xf32>,
      %max3A_264 = arith.maximumf %get3A_263, %sub3A_191 : vector<16xf32>
      %add3A_265 = arith.addf %add3A_256, %max3A_264 : vector<16xf32>
      %mul3A_266 = arith.constant 8 : i32
      %mul3A_267 = arith.muli %scan3A_247, %mul3A_266 : i32
      %add3A_268 = arith.constant 2 : i32
      %add3A_269 = arith.addi %mul3A_267, %add3A_268 : i32
      %get3A_270 = arith.index_cast %add3A_269 : i32 to index
      %get3A_271 = arith.constant 96 : index
      %get3A_272 = tpu.vector_load %arg5[%get3A_270, %get3A_271] {strides = array<i32>} : memref<1000x128xf32, #tpu.memory_space<vmem>>, vector<16xf32>,
      %max3A_273 = arith.maximumf %get3A_272, %sub3A_191 : vector<16xf32>
      %add3A_274 = arith.addf %add3A_265, %max3A_273 : vector<16xf32>
      %mul3A_275 = arith.constant 8 : i32
      %mul3A_276 = arith.muli %scan3A_247, %mul3A_275 : i32
      %add3A_277 = arith.constant 3 : i32
      %add3A_278 = arith.addi %mul3A_276, %add3A_277 : i32
      %get3A_279 = arith.index_cast %add3A_278 : i32 to index
      %get3A_280 = arith.constant 96 : index
      %get3A_281 = tpu.vector_load %arg5[%get3A_279, %get3A_280] {strides = array<i32>} : memref<1000x128xf32, #tpu.memory_space<vmem>>, vector<16xf32>,
      %max3A_282 = arith.maximumf %get3A_281, %sub3A_191 : vector<16xf32>
      %add3A_283 = arith.addf %add3A_274, %max3A_282 : vector<16xf32>
      %mul3A_284 = arith.constant 8 : i32
      %mul3A_285 = arith.muli %scan3A_247, %mul3A_284 : i32
      %add3A_286 = arith.constant 4 : i32
      %add3A_287 = arith.addi %mul3A_285, %add3A_286 : i32
      %get3A_288 = arith.index_cast %add3A_287 : i32 to index
      %get3A_289 = arith.constant 96 : index
      %get3A_290 = tpu.vector_load %arg5[%get3A_288, %get3A_289] {strides = array<i32>} : memref<1000x128xf32, #tpu.memory_space<vmem>>, vector<16xf32>,
      %max3A_291 = arith.maximumf %get3A_290, %sub3A_191 : vector<16xf32>
      %add3A_292 = arith.addf %add3A_283, %max3A_291 : vector<16xf32>
      %mul3A_293 = arith.constant 8 : i32
      %mul3A_294 = arith.muli %scan3A_247, %mul3A_293 : i32
      %add3A_295 = arith.constant 5 : i32
      %add3A_296 = arith.addi %mul3A_294, %add3A_295 : i32
      %get3A_297 = arith.index_cast %add3A_296 : i32 to index
      %get3A_298 = arith.constant 96 : index
      %get3A_299 = tpu.vector_load %arg5[%get3A_297, %get3A_298] {strides = array<i32>} : memref<1000x128xf32, #tpu.memory_space<vmem>>, vector<16xf32>,
      %max3A_300 = arith.maximumf %get3A_299, %sub3A_191 : vector<16xf32>
      %add3A_301 = arith.addf %add3A_292, %max3A_300 : vector<16xf32>
      %mul3A_302 = arith.constant 8 : i32
      %mul3A_303 = arith.muli %scan3A_247, %mul3A_302 : i32
      %add3A_304 = arith.constant 6 : i32
      %add3A_305 = arith.addi %mul3A_303, %add3A_304 : i32
      %get3A_306 = arith.index_cast %add3A_305 : i32 to index
      %get3A_307 = arith.constant 96 : index
      %get3A_308 = tpu.vector_load %arg5[%get3A_306, %get3A_307] {strides = array<i32>} : memref<1000x128xf32, #tpu.memory_space<vmem>>, vector<16xf32>,
      %max3A_309 = arith.maximumf %get3A_308, %sub3A_191 : vector<16xf32>
      %add3A_310 = arith.addf %add3A_301, %max3A_309 : vector<16xf32>
      %mul3A_311 = arith.constant 8 : i32
      %mul3A_312 = arith.muli %scan3A_247, %mul3A_311 : i32
      %add3A_313 = arith.constant 7 : i32
      %add3A_314 = arith.addi %mul3A_312, %add3A_313 : i32
      %get3A_315 = arith.index_cast %add3A_314 : i32 to index
      %get3A_316 = arith.constant 96 : index
      %get3A_317 = tpu.vector_load %arg5[%get3A_315, %get3A_316] {strides = array<i32>} : memref<1000x128xf32, #tpu.memory_space<vmem>>, vector<16xf32>,
      %max3A_318 = arith.maximumf %get3A_317, %sub3A_191 : vector<16xf32>
      %add3A_319 = arith.addf %add3A_310, %max3A_318 : vector<16xf32>
      scf.yield %add3A_319 : vector<16xf32>
    }
    %scan3A_199 = arith.constant 125 : i32
    %mul3A_200 = arith.constant 1.000000e+03 : f32
    %mul3A_201 = vector.broadcast %mul3A_200 : f32 to vector<16xf32>
    %mul3A_202 = arith.mulf %mul3A_201, %sub3A_191 : vector<16xf32>
    %sub3A_203 = arith.subf %scan3A_198, %mul3A_202 : vector<16xf32>
    %sub3A_204 = arith.constant 1.000000e+00 : f32
    %sub3A_205 = vector.broadcast %sub3A_204 : f32 to vector<16xf32>
    %sub3A_206 = arith.subf %sub3A_203, %sub3A_205 : vector<16xf32>
    %mul3A_207 = arith.constant 1.000000e-03 : f32
    %mul3A_208 = vector.broadcast %mul3A_207 : f32 to vector<16xf32>
    %mul3A_209 = arith.mulf %sub3A_206, %mul3A_208 : vector<16xf32>
    %swap3A_210 = arith.constant 96 : index
    %swap3A_211 = tpu.vector_load %arg7[%swap3A_210] {strides = array<i32>} : memref<128xf32, #tpu.memory_space<vmem>>, vector<16xf32>,
    tpu.vector_store %arg7[%swap3A_210], %mul3A_209 {strides = array<i32>} : memref<128xf32, #tpu.memory_space<vmem>>, vector<16xf32>,
    %get3A_212 = arith.constant 112 : index
    %get3A_213 = tpu.vector_load %arg6[%get3A_212] {strides = array<i32>} : memref<128xi32, #tpu.memory_space<vmem>>, vector<16xi32>,
    %add3A_214 = arith.constant 112 : i32
    %add3A_215 = vector.broadcast %add3A_214 : i32 to vector<16xi32>
    %add3A_216 = arith.addi %add3A_215, %iota3A : vector<16xi32>
    %gather3A_217 = tpu.vector_load_idx %arg5[%get3A_213, %add3A_216] : memref<1000x128xf32, #tpu.memory_space<vmem>>[vector<16xi32>, vector<16xi32>], vector<16xf32>,
    %sub3A_218 = arith.constant 1.000000e+00 : f32
    %sub3A_219 = vector.broadcast %sub3A_218 : f32 to vector<16xf32>
    %sub3A_220 = arith.subf %gather3A_217, %sub3A_219 : vector<16xf32>
    %broadcast_in_dim3A_221 = arith.constant 0.000000e+00 : f32
    %broadcast_in_dim3A_222 = vector.broadcast %broadcast_in_dim3A_221 : f32 to vector<16xf32>
    %scan3A_223 = arith.constant 0 : i32
    %scan3A_224 = arith.constant 125 : i32
    %scan3A_225 = arith.addi %scan3A_223, %scan3A_224 : i32
    %scan3A_226 = arith.constant 1 : i32
    %scan3A_227 = scf.for %scan3A_247 = %scan3A_223 to %scan3A_225 step %scan3A_226 iter_args(%scan3A_248 = %broadcast_in_dim3A_222) -> (vector<16xf32>)  : i32 {
      %mul3A_249 = arith.constant 8 : i32
      %mul3A_250 = arith.muli %scan3A_247, %mul3A_249 : i32
      %add3A_251 = arith.constant 0 : i32
      %add3A_252 = arith.addi %mul3A_250, %add3A_251 : i32
      %get3A_253 = arith.index_cast %add3A_252 : i32 to index
      %get3A_254 = arith.constant 112 : index
      %get3A_255 = tpu.vector_load %arg5[%get3A_253, %get3A_254] {strides = array<i32>} : memref<1000x128xf32, #tpu.memory_space<vmem>>, vector<16xf32>,
      %max3A = arith.maximumf %get3A_255, %sub3A_220 : vector<16xf32>
      %add3A_256 = arith.addf %scan3A_248, %max3A : vector<16xf32>
      %mul3A_257 = arith.constant 8 : i32
      %mul3A_258 = arith.muli %scan3A_247, %mul3A_257 : i32
      %add3A_259 = arith.constant 1 : i32
      %add3A_260 = arith.addi %mul3A_258, %add3A_259 : i32
      %get3A_261 = arith.index_cast %add3A_260 : i32 to index
      %get3A_262 = arith.constant 112 : index
      %get3A_263 = tpu.vector_load %arg5[%get3A_261, %get3A_262] {strides = array<i32>} : memref<1000x128xf32, #tpu.memory_space<vmem>>, vector<16xf32>,
      %max3A_264 = arith.maximumf %get3A_263, %sub3A_220 : vector<16xf32>
      %add3A_265 = arith.addf %add3A_256, %max3A_264 : vector<16xf32>
      %mul3A_266 = arith.constant 8 : i32
      %mul3A_267 = arith.muli %scan3A_247, %mul3A_266 : i32
      %add3A_268 = arith.constant 2 : i32
      %add3A_269 = arith.addi %mul3A_267, %add3A_268 : i32
      %get3A_270 = arith.index_cast %add3A_269 : i32 to index
      %get3A_271 = arith.constant 112 : index
      %get3A_272 = tpu.vector_load %arg5[%get3A_270, %get3A_271] {strides = array<i32>} : memref<1000x128xf32, #tpu.memory_space<vmem>>, vector<16xf32>,
      %max3A_273 = arith.maximumf %get3A_272, %sub3A_220 : vector<16xf32>
      %add3A_274 = arith.addf %add3A_265, %max3A_273 : vector<16xf32>
      %mul3A_275 = arith.constant 8 : i32
      %mul3A_276 = arith.muli %scan3A_247, %mul3A_275 : i32
      %add3A_277 = arith.constant 3 : i32
      %add3A_278 = arith.addi %mul3A_276, %add3A_277 : i32
      %get3A_279 = arith.index_cast %add3A_278 : i32 to index
      %get3A_280 = arith.constant 112 : index
      %get3A_281 = tpu.vector_load %arg5[%get3A_279, %get3A_280] {strides = array<i32>} : memref<1000x128xf32, #tpu.memory_space<vmem>>, vector<16xf32>,
      %max3A_282 = arith.maximumf %get3A_281, %sub3A_220 : vector<16xf32>
      %add3A_283 = arith.addf %add3A_274, %max3A_282 : vector<16xf32>
      %mul3A_284 = arith.constant 8 : i32
      %mul3A_285 = arith.muli %scan3A_247, %mul3A_284 : i32
      %add3A_286 = arith.constant 4 : i32
      %add3A_287 = arith.addi %mul3A_285, %add3A_286 : i32
      %get3A_288 = arith.index_cast %add3A_287 : i32 to index
      %get3A_289 = arith.constant 112 : index
      %get3A_290 = tpu.vector_load %arg5[%get3A_288, %get3A_289] {strides = array<i32>} : memref<1000x128xf32, #tpu.memory_space<vmem>>, vector<16xf32>,
      %max3A_291 = arith.maximumf %get3A_290, %sub3A_220 : vector<16xf32>
      %add3A_292 = arith.addf %add3A_283, %max3A_291 : vector<16xf32>
      %mul3A_293 = arith.constant 8 : i32
      %mul3A_294 = arith.muli %scan3A_247, %mul3A_293 : i32
      %add3A_295 = arith.constant 5 : i32
      %add3A_296 = arith.addi %mul3A_294, %add3A_295 : i32
      %get3A_297 = arith.index_cast %add3A_296 : i32 to index
      %get3A_298 = arith.constant 112 : index
      %get3A_299 = tpu.vector_load %arg5[%get3A_297, %get3A_298] {strides = array<i32>} : memref<1000x128xf32, #tpu.memory_space<vmem>>, vector<16xf32>,
      %max3A_300 = arith.maximumf %get3A_299, %sub3A_220 : vector<16xf32>
      %add3A_301 = arith.addf %add3A_292, %max3A_300 : vector<16xf32>
      %mul3A_302 = arith.constant 8 : i32
      %mul3A_303 = arith.muli %scan3A_247, %mul3A_302 : i32
      %add3A_304 = arith.constant 6 : i32
      %add3A_305 = arith.addi %mul3A_303, %add3A_304 : i32
      %get3A_306 = arith.index_cast %add3A_305 : i32 to index
      %get3A_307 = arith.constant 112 : index
      %get3A_308 = tpu.vector_load %arg5[%get3A_306, %get3A_307] {strides = array<i32>} : memref<1000x128xf32, #tpu.memory_space<vmem>>, vector<16xf32>,
      %max3A_309 = arith.maximumf %get3A_308, %sub3A_220 : vector<16xf32>
      %add3A_310 = arith.addf %add3A_301, %max3A_309 : vector<16xf32>
      %mul3A_311 = arith.constant 8 : i32
      %mul3A_312 = arith.muli %scan3A_247, %mul3A_311 : i32
      %add3A_313 = arith.constant 7 : i32
      %add3A_314 = arith.addi %mul3A_312, %add3A_313 : i32
      %get3A_315 = arith.index_cast %add3A_314 : i32 to index
      %get3A_316 = arith.constant 112 : index
      %get3A_317 = tpu.vector_load %arg5[%get3A_315, %get3A_316] {strides = array<i32>} : memref<1000x128xf32, #tpu.memory_space<vmem>>, vector<16xf32>,
      %max3A_318 = arith.maximumf %get3A_317, %sub3A_220 : vector<16xf32>
      %add3A_319 = arith.addf %add3A_310, %max3A_318 : vector<16xf32>
      scf.yield %add3A_319 : vector<16xf32>
    }
    %scan3A_228 = arith.constant 125 : i32
    %mul3A_229 = arith.constant 1.000000e+03 : f32
    %mul3A_230 = vector.broadcast %mul3A_229 : f32 to vector<16xf32>
    %mul3A_231 = arith.mulf %mul3A_230, %sub3A_220 : vector<16xf32>
    %sub3A_232 = arith.subf %scan3A_227, %mul3A_231 : vector<16xf32>
    %sub3A_233 = arith.constant 1.000000e+00 : f32
    %sub3A_234 = vector.broadcast %sub3A_233 : f32 to vector<16xf32>
    %sub3A_235 = arith.subf %sub3A_232, %sub3A_234 : vector<16xf32>
    %mul3A_236 = arith.constant 1.000000e-03 : f32
    %mul3A_237 = vector.broadcast %mul3A_236 : f32 to vector<16xf32>
    %mul3A_238 = arith.mulf %sub3A_235, %mul3A_237 : vector<16xf32>
    %swap3A_239 = arith.constant 112 : index
    %swap3A_240 = tpu.vector_load %arg7[%swap3A_239] {strides = array<i32>} : memref<128xf32, #tpu.memory_space<vmem>>, vector<16xf32>,
    tpu.vector_store %arg7[%swap3A_239], %mul3A_238 {strides = array<i32>} : memref<128xf32, #tpu.memory_space<vmem>>, vector<16xf32>,
    %mul3A_241 = arith.constant 128 : i32
    %mul3A_242 = arith.muli %add3A, %mul3A_241 : i32
    %dma_start3A_243 = tpu.memref_slice %arg4[%mul3A_242] : memref<4096xf32, #tpu.memory_space<hbm>> -> memref<128xf32, #tpu.memory_space<hbm>>
    %dma_start3A_244 = tpu.memref_slice %arg4[%mul3A_242] : memref<4096xf32, #tpu.memory_space<hbm>> -> memref<128xf32, #tpu.memory_space<hbm>>
    tpu.enqueue_dma source(%arg7 : memref<128xf32, #tpu.memory_space<vmem>>) target(%dma_start3A_244 : memref<128xf32, #tpu.memory_space<hbm>>) target_semaphore(%arg10 : memref<!tpu.dma_semaphore, #tpu.memory_space<semaphore_mem>>)
    %dma_wait3A_245 = tpu.memref_slice %arg4[%mul3A_242] : memref<4096xf32, #tpu.memory_space<hbm>> -> memref<128xf32, #tpu.memory_space<hbm>>
    %dma_wait3A_246 = tpu.memref_slice %arg4[%mul3A_242] : memref<4096xf32, #tpu.memory_space<hbm>> -> memref<128xf32, #tpu.memory_space<hbm>>
    tpu.wait_dma2 semaphore(%arg10 : memref<!tpu.dma_semaphore, #tpu.memory_space<semaphore_mem>>) src(%arg7 : memref<128xf32, #tpu.memory_space<vmem>>) dst(%dma_wait3A_246 : memref<128xf32, #tpu.memory_space<hbm>>)
    return
  }
}

module attributes {stable_mosaic.version = 14 : i64} {
  func.func @_tc_body(%arg0: i32, %arg1: memref<1000x2048xf32, #tpu.memory_space<vmem>>, %arg2: memref<2048xi32, #tpu.memory_space<vmem>>, %arg3: memref<2048xf32, #tpu.memory_space<vmem>>) attributes {dimension_semantics = [#tpu.dimension_semantics<arbitrary>], iteration_bounds = array<i64: 6>, scalar_prefetch = 0 : i64, scratch_operands = 0 : i64, tpu.core_type = #tpu.core_type<tc>, window_params = [{transform_indices = @transform_0, window_bounds = array<i64: 1000, 2048>}, {transform_indices = @transform_1, window_bounds = array<i64: 2048>}, {transform_indices = @transform_2, window_bounds = array<i64: 2048>}]} {
    %get3A = arith.constant 0 : index
    %get3A_0 = vector.load %arg2[%get3A] : memref<2048xi32, #tpu.memory_space<vmem>>, vector<2048xi32>
    %iota3A = tpu.iota {dimensions = array<i32: 0>} : vector<8x2048xi32>
    %broadcast_in_dim3A = vector.shape_cast %get3A_0 : vector<2048xi32> to vector<1x2048xi32>
    %sub3A = vector.broadcast %broadcast_in_dim3A : vector<1x2048xi32> to vector<8x2048xi32>
    %sub3A_1 = arith.subi %sub3A, %iota3A : vector<8x2048xi32>
    %broadcast_in_dim3A_2 = arith.constant 0.000000e+00 : f32
    %broadcast_in_dim3A_3 = vector.broadcast %broadcast_in_dim3A_2 : f32 to vector<8x2048xf32>
    %get3A_4 = arith.constant 0 : index
    %get3A_5 = arith.constant 0 : index
    %get3A_6 = vector.load %arg1[%get3A_4, %get3A_5] : memref<1000x2048xf32, #tpu.memory_space<vmem>>, vector<8x2048xf32>
    %eq3A = arith.constant 0 : i32
    %eq3A_7 = vector.broadcast %eq3A : i32 to vector<8x2048xi32>
    %eq3A_8 = arith.cmpi eq, %sub3A_1, %eq3A_7 : vector<8x2048xi32>
    %jit3A = arith.constant 0.000000e+00 : f32
    %broadcast_in_dim3A_9 = vector.broadcast %jit3A : f32 to vector<8x2048xf32>
    %select_n3A = arith.select %eq3A_8, %get3A_6, %broadcast_in_dim3A_9 : vector<8x2048xi1>, vector<8x2048xf32>
    %add3A = arith.addf %broadcast_in_dim3A_3, %select_n3A : vector<8x2048xf32>
    %get3A_10 = arith.constant 8 : index
    %get3A_11 = arith.constant 0 : index
    %get3A_12 = vector.load %arg1[%get3A_10, %get3A_11] : memref<1000x2048xf32, #tpu.memory_space<vmem>>, vector<8x2048xf32>
    %eq3A_13 = arith.constant 8 : i32
    %eq3A_14 = vector.broadcast %eq3A_13 : i32 to vector<8x2048xi32>
    %eq3A_15 = arith.cmpi eq, %sub3A_1, %eq3A_14 : vector<8x2048xi32>
    %jit3A_16 = arith.constant 0.000000e+00 : f32
    %broadcast_in_dim3A_17 = vector.broadcast %jit3A_16 : f32 to vector<8x2048xf32>
    %select_n3A_18 = arith.select %eq3A_15, %get3A_12, %broadcast_in_dim3A_17 : vector<8x2048xi1>, vector<8x2048xf32>
    %add3A_19 = arith.addf %add3A, %select_n3A_18 : vector<8x2048xf32>
    %get3A_20 = arith.constant 16 : index
    %get3A_21 = arith.constant 0 : index
    %get3A_22 = vector.load %arg1[%get3A_20, %get3A_21] : memref<1000x2048xf32, #tpu.memory_space<vmem>>, vector<8x2048xf32>
    %eq3A_23 = arith.constant 16 : i32
    %eq3A_24 = vector.broadcast %eq3A_23 : i32 to vector<8x2048xi32>
    %eq3A_25 = arith.cmpi eq, %sub3A_1, %eq3A_24 : vector<8x2048xi32>
    %jit3A_26 = arith.constant 0.000000e+00 : f32
    %broadcast_in_dim3A_27 = vector.broadcast %jit3A_26 : f32 to vector<8x2048xf32>
    %select_n3A_28 = arith.select %eq3A_25, %get3A_22, %broadcast_in_dim3A_27 : vector<8x2048xi1>, vector<8x2048xf32>
    %add3A_29 = arith.addf %add3A_19, %select_n3A_28 : vector<8x2048xf32>
    %get3A_30 = arith.constant 24 : index
    %get3A_31 = arith.constant 0 : index
    %get3A_32 = vector.load %arg1[%get3A_30, %get3A_31] : memref<1000x2048xf32, #tpu.memory_space<vmem>>, vector<8x2048xf32>
    %eq3A_33 = arith.constant 24 : i32
    %eq3A_34 = vector.broadcast %eq3A_33 : i32 to vector<8x2048xi32>
    %eq3A_35 = arith.cmpi eq, %sub3A_1, %eq3A_34 : vector<8x2048xi32>
    %jit3A_36 = arith.constant 0.000000e+00 : f32
    %broadcast_in_dim3A_37 = vector.broadcast %jit3A_36 : f32 to vector<8x2048xf32>
    %select_n3A_38 = arith.select %eq3A_35, %get3A_32, %broadcast_in_dim3A_37 : vector<8x2048xi1>, vector<8x2048xf32>
    %add3A_39 = arith.addf %add3A_29, %select_n3A_38 : vector<8x2048xf32>
    %get3A_40 = arith.constant 32 : index
    %get3A_41 = arith.constant 0 : index
    %get3A_42 = vector.load %arg1[%get3A_40, %get3A_41] : memref<1000x2048xf32, #tpu.memory_space<vmem>>, vector<8x2048xf32>
    %eq3A_43 = arith.constant 32 : i32
    %eq3A_44 = vector.broadcast %eq3A_43 : i32 to vector<8x2048xi32>
    %eq3A_45 = arith.cmpi eq, %sub3A_1, %eq3A_44 : vector<8x2048xi32>
    %jit3A_46 = arith.constant 0.000000e+00 : f32
    %broadcast_in_dim3A_47 = vector.broadcast %jit3A_46 : f32 to vector<8x2048xf32>
    %select_n3A_48 = arith.select %eq3A_45, %get3A_42, %broadcast_in_dim3A_47 : vector<8x2048xi1>, vector<8x2048xf32>
    %add3A_49 = arith.addf %add3A_39, %select_n3A_48 : vector<8x2048xf32>
    %get3A_50 = arith.constant 40 : index
    %get3A_51 = arith.constant 0 : index
    %get3A_52 = vector.load %arg1[%get3A_50, %get3A_51] : memref<1000x2048xf32, #tpu.memory_space<vmem>>, vector<8x2048xf32>
    %eq3A_53 = arith.constant 40 : i32
    %eq3A_54 = vector.broadcast %eq3A_53 : i32 to vector<8x2048xi32>
    %eq3A_55 = arith.cmpi eq, %sub3A_1, %eq3A_54 : vector<8x2048xi32>
    %jit3A_56 = arith.constant 0.000000e+00 : f32
    %broadcast_in_dim3A_57 = vector.broadcast %jit3A_56 : f32 to vector<8x2048xf32>
    %select_n3A_58 = arith.select %eq3A_55, %get3A_52, %broadcast_in_dim3A_57 : vector<8x2048xi1>, vector<8x2048xf32>
    %add3A_59 = arith.addf %add3A_49, %select_n3A_58 : vector<8x2048xf32>
    %get3A_60 = arith.constant 48 : index
    %get3A_61 = arith.constant 0 : index
    %get3A_62 = vector.load %arg1[%get3A_60, %get3A_61] : memref<1000x2048xf32, #tpu.memory_space<vmem>>, vector<8x2048xf32>
    %eq3A_63 = arith.constant 48 : i32
    %eq3A_64 = vector.broadcast %eq3A_63 : i32 to vector<8x2048xi32>
    %eq3A_65 = arith.cmpi eq, %sub3A_1, %eq3A_64 : vector<8x2048xi32>
    %jit3A_66 = arith.constant 0.000000e+00 : f32
    %broadcast_in_dim3A_67 = vector.broadcast %jit3A_66 : f32 to vector<8x2048xf32>
    %select_n3A_68 = arith.select %eq3A_65, %get3A_62, %broadcast_in_dim3A_67 : vector<8x2048xi1>, vector<8x2048xf32>
    %add3A_69 = arith.addf %add3A_59, %select_n3A_68 : vector<8x2048xf32>
    %get3A_70 = arith.constant 56 : index
    %get3A_71 = arith.constant 0 : index
    %get3A_72 = vector.load %arg1[%get3A_70, %get3A_71] : memref<1000x2048xf32, #tpu.memory_space<vmem>>, vector<8x2048xf32>
    %eq3A_73 = arith.constant 56 : i32
    %eq3A_74 = vector.broadcast %eq3A_73 : i32 to vector<8x2048xi32>
    %eq3A_75 = arith.cmpi eq, %sub3A_1, %eq3A_74 : vector<8x2048xi32>
    %jit3A_76 = arith.constant 0.000000e+00 : f32
    %broadcast_in_dim3A_77 = vector.broadcast %jit3A_76 : f32 to vector<8x2048xf32>
    %select_n3A_78 = arith.select %eq3A_75, %get3A_72, %broadcast_in_dim3A_77 : vector<8x2048xi1>, vector<8x2048xf32>
    %add3A_79 = arith.addf %add3A_69, %select_n3A_78 : vector<8x2048xf32>
    %get3A_80 = arith.constant 64 : index
    %get3A_81 = arith.constant 0 : index
    %get3A_82 = vector.load %arg1[%get3A_80, %get3A_81] : memref<1000x2048xf32, #tpu.memory_space<vmem>>, vector<8x2048xf32>
    %eq3A_83 = arith.constant 64 : i32
    %eq3A_84 = vector.broadcast %eq3A_83 : i32 to vector<8x2048xi32>
    %eq3A_85 = arith.cmpi eq, %sub3A_1, %eq3A_84 : vector<8x2048xi32>
    %jit3A_86 = arith.constant 0.000000e+00 : f32
    %broadcast_in_dim3A_87 = vector.broadcast %jit3A_86 : f32 to vector<8x2048xf32>
    %select_n3A_88 = arith.select %eq3A_85, %get3A_82, %broadcast_in_dim3A_87 : vector<8x2048xi1>, vector<8x2048xf32>
    %add3A_89 = arith.addf %add3A_79, %select_n3A_88 : vector<8x2048xf32>
    %get3A_90 = arith.constant 72 : index
    %get3A_91 = arith.constant 0 : index
    %get3A_92 = vector.load %arg1[%get3A_90, %get3A_91] : memref<1000x2048xf32, #tpu.memory_space<vmem>>, vector<8x2048xf32>
    %eq3A_93 = arith.constant 72 : i32
    %eq3A_94 = vector.broadcast %eq3A_93 : i32 to vector<8x2048xi32>
    %eq3A_95 = arith.cmpi eq, %sub3A_1, %eq3A_94 : vector<8x2048xi32>
    %jit3A_96 = arith.constant 0.000000e+00 : f32
    %broadcast_in_dim3A_97 = vector.broadcast %jit3A_96 : f32 to vector<8x2048xf32>
    %select_n3A_98 = arith.select %eq3A_95, %get3A_92, %broadcast_in_dim3A_97 : vector<8x2048xi1>, vector<8x2048xf32>
    %add3A_99 = arith.addf %add3A_89, %select_n3A_98 : vector<8x2048xf32>
    %get3A_100 = arith.constant 80 : index
    %get3A_101 = arith.constant 0 : index
    %get3A_102 = vector.load %arg1[%get3A_100, %get3A_101] : memref<1000x2048xf32, #tpu.memory_space<vmem>>, vector<8x2048xf32>
    %eq3A_103 = arith.constant 80 : i32
    %eq3A_104 = vector.broadcast %eq3A_103 : i32 to vector<8x2048xi32>
    %eq3A_105 = arith.cmpi eq, %sub3A_1, %eq3A_104 : vector<8x2048xi32>
    %jit3A_106 = arith.constant 0.000000e+00 : f32
    %broadcast_in_dim3A_107 = vector.broadcast %jit3A_106 : f32 to vector<8x2048xf32>
    %select_n3A_108 = arith.select %eq3A_105, %get3A_102, %broadcast_in_dim3A_107 : vector<8x2048xi1>, vector<8x2048xf32>
    %add3A_109 = arith.addf %add3A_99, %select_n3A_108 : vector<8x2048xf32>
    %get3A_110 = arith.constant 88 : index
    %get3A_111 = arith.constant 0 : index
    %get3A_112 = vector.load %arg1[%get3A_110, %get3A_111] : memref<1000x2048xf32, #tpu.memory_space<vmem>>, vector<8x2048xf32>
    %eq3A_113 = arith.constant 88 : i32
    %eq3A_114 = vector.broadcast %eq3A_113 : i32 to vector<8x2048xi32>
    %eq3A_115 = arith.cmpi eq, %sub3A_1, %eq3A_114 : vector<8x2048xi32>
    %jit3A_116 = arith.constant 0.000000e+00 : f32
    %broadcast_in_dim3A_117 = vector.broadcast %jit3A_116 : f32 to vector<8x2048xf32>
    %select_n3A_118 = arith.select %eq3A_115, %get3A_112, %broadcast_in_dim3A_117 : vector<8x2048xi1>, vector<8x2048xf32>
    %add3A_119 = arith.addf %add3A_109, %select_n3A_118 : vector<8x2048xf32>
    %get3A_120 = arith.constant 96 : index
    %get3A_121 = arith.constant 0 : index
    %get3A_122 = vector.load %arg1[%get3A_120, %get3A_121] : memref<1000x2048xf32, #tpu.memory_space<vmem>>, vector<8x2048xf32>
    %eq3A_123 = arith.constant 96 : i32
    %eq3A_124 = vector.broadcast %eq3A_123 : i32 to vector<8x2048xi32>
    %eq3A_125 = arith.cmpi eq, %sub3A_1, %eq3A_124 : vector<8x2048xi32>
    %jit3A_126 = arith.constant 0.000000e+00 : f32
    %broadcast_in_dim3A_127 = vector.broadcast %jit3A_126 : f32 to vector<8x2048xf32>
    %select_n3A_128 = arith.select %eq3A_125, %get3A_122, %broadcast_in_dim3A_127 : vector<8x2048xi1>, vector<8x2048xf32>
    %add3A_129 = arith.addf %add3A_119, %select_n3A_128 : vector<8x2048xf32>
    %get3A_130 = arith.constant 104 : index
    %get3A_131 = arith.constant 0 : index
    %get3A_132 = vector.load %arg1[%get3A_130, %get3A_131] : memref<1000x2048xf32, #tpu.memory_space<vmem>>, vector<8x2048xf32>
    %eq3A_133 = arith.constant 104 : i32
    %eq3A_134 = vector.broadcast %eq3A_133 : i32 to vector<8x2048xi32>
    %eq3A_135 = arith.cmpi eq, %sub3A_1, %eq3A_134 : vector<8x2048xi32>
    %jit3A_136 = arith.constant 0.000000e+00 : f32
    %broadcast_in_dim3A_137 = vector.broadcast %jit3A_136 : f32 to vector<8x2048xf32>
    %select_n3A_138 = arith.select %eq3A_135, %get3A_132, %broadcast_in_dim3A_137 : vector<8x2048xi1>, vector<8x2048xf32>
    %add3A_139 = arith.addf %add3A_129, %select_n3A_138 : vector<8x2048xf32>
    %get3A_140 = arith.constant 112 : index
    %get3A_141 = arith.constant 0 : index
    %get3A_142 = vector.load %arg1[%get3A_140, %get3A_141] : memref<1000x2048xf32, #tpu.memory_space<vmem>>, vector<8x2048xf32>
    %eq3A_143 = arith.constant 112 : i32
    %eq3A_144 = vector.broadcast %eq3A_143 : i32 to vector<8x2048xi32>
    %eq3A_145 = arith.cmpi eq, %sub3A_1, %eq3A_144 : vector<8x2048xi32>
    %jit3A_146 = arith.constant 0.000000e+00 : f32
    %broadcast_in_dim3A_147 = vector.broadcast %jit3A_146 : f32 to vector<8x2048xf32>
    %select_n3A_148 = arith.select %eq3A_145, %get3A_142, %broadcast_in_dim3A_147 : vector<8x2048xi1>, vector<8x2048xf32>
    %add3A_149 = arith.addf %add3A_139, %select_n3A_148 : vector<8x2048xf32>
    %get3A_150 = arith.constant 120 : index
    %get3A_151 = arith.constant 0 : index
    %get3A_152 = vector.load %arg1[%get3A_150, %get3A_151] : memref<1000x2048xf32, #tpu.memory_space<vmem>>, vector<8x2048xf32>
    %eq3A_153 = arith.constant 120 : i32
    %eq3A_154 = vector.broadcast %eq3A_153 : i32 to vector<8x2048xi32>
    %eq3A_155 = arith.cmpi eq, %sub3A_1, %eq3A_154 : vector<8x2048xi32>
    %jit3A_156 = arith.constant 0.000000e+00 : f32
    %broadcast_in_dim3A_157 = vector.broadcast %jit3A_156 : f32 to vector<8x2048xf32>
    %select_n3A_158 = arith.select %eq3A_155, %get3A_152, %broadcast_in_dim3A_157 : vector<8x2048xi1>, vector<8x2048xf32>
    %add3A_159 = arith.addf %add3A_149, %select_n3A_158 : vector<8x2048xf32>
    %get3A_160 = arith.constant 128 : index
    %get3A_161 = arith.constant 0 : index
    %get3A_162 = vector.load %arg1[%get3A_160, %get3A_161] : memref<1000x2048xf32, #tpu.memory_space<vmem>>, vector<8x2048xf32>
    %eq3A_163 = arith.constant 128 : i32
    %eq3A_164 = vector.broadcast %eq3A_163 : i32 to vector<8x2048xi32>
    %eq3A_165 = arith.cmpi eq, %sub3A_1, %eq3A_164 : vector<8x2048xi32>
    %jit3A_166 = arith.constant 0.000000e+00 : f32
    %broadcast_in_dim3A_167 = vector.broadcast %jit3A_166 : f32 to vector<8x2048xf32>
    %select_n3A_168 = arith.select %eq3A_165, %get3A_162, %broadcast_in_dim3A_167 : vector<8x2048xi1>, vector<8x2048xf32>
    %add3A_169 = arith.addf %add3A_159, %select_n3A_168 : vector<8x2048xf32>
    %get3A_170 = arith.constant 136 : index
    %get3A_171 = arith.constant 0 : index
    %get3A_172 = vector.load %arg1[%get3A_170, %get3A_171] : memref<1000x2048xf32, #tpu.memory_space<vmem>>, vector<8x2048xf32>
    %eq3A_173 = arith.constant 136 : i32
    %eq3A_174 = vector.broadcast %eq3A_173 : i32 to vector<8x2048xi32>
    %eq3A_175 = arith.cmpi eq, %sub3A_1, %eq3A_174 : vector<8x2048xi32>
    %jit3A_176 = arith.constant 0.000000e+00 : f32
    %broadcast_in_dim3A_177 = vector.broadcast %jit3A_176 : f32 to vector<8x2048xf32>
    %select_n3A_178 = arith.select %eq3A_175, %get3A_172, %broadcast_in_dim3A_177 : vector<8x2048xi1>, vector<8x2048xf32>
    %add3A_179 = arith.addf %add3A_169, %select_n3A_178 : vector<8x2048xf32>
    %get3A_180 = arith.constant 144 : index
    %get3A_181 = arith.constant 0 : index
    %get3A_182 = vector.load %arg1[%get3A_180, %get3A_181] : memref<1000x2048xf32, #tpu.memory_space<vmem>>, vector<8x2048xf32>
    %eq3A_183 = arith.constant 144 : i32
    %eq3A_184 = vector.broadcast %eq3A_183 : i32 to vector<8x2048xi32>
    %eq3A_185 = arith.cmpi eq, %sub3A_1, %eq3A_184 : vector<8x2048xi32>
    %jit3A_186 = arith.constant 0.000000e+00 : f32
    %broadcast_in_dim3A_187 = vector.broadcast %jit3A_186 : f32 to vector<8x2048xf32>
    %select_n3A_188 = arith.select %eq3A_185, %get3A_182, %broadcast_in_dim3A_187 : vector<8x2048xi1>, vector<8x2048xf32>
    %add3A_189 = arith.addf %add3A_179, %select_n3A_188 : vector<8x2048xf32>
    %get3A_190 = arith.constant 152 : index
    %get3A_191 = arith.constant 0 : index
    %get3A_192 = vector.load %arg1[%get3A_190, %get3A_191] : memref<1000x2048xf32, #tpu.memory_space<vmem>>, vector<8x2048xf32>
    %eq3A_193 = arith.constant 152 : i32
    %eq3A_194 = vector.broadcast %eq3A_193 : i32 to vector<8x2048xi32>
    %eq3A_195 = arith.cmpi eq, %sub3A_1, %eq3A_194 : vector<8x2048xi32>
    %jit3A_196 = arith.constant 0.000000e+00 : f32
    %broadcast_in_dim3A_197 = vector.broadcast %jit3A_196 : f32 to vector<8x2048xf32>
    %select_n3A_198 = arith.select %eq3A_195, %get3A_192, %broadcast_in_dim3A_197 : vector<8x2048xi1>, vector<8x2048xf32>
    %add3A_199 = arith.addf %add3A_189, %select_n3A_198 : vector<8x2048xf32>
    %get3A_200 = arith.constant 160 : index
    %get3A_201 = arith.constant 0 : index
    %get3A_202 = vector.load %arg1[%get3A_200, %get3A_201] : memref<1000x2048xf32, #tpu.memory_space<vmem>>, vector<8x2048xf32>
    %eq3A_203 = arith.constant 160 : i32
    %eq3A_204 = vector.broadcast %eq3A_203 : i32 to vector<8x2048xi32>
    %eq3A_205 = arith.cmpi eq, %sub3A_1, %eq3A_204 : vector<8x2048xi32>
    %jit3A_206 = arith.constant 0.000000e+00 : f32
    %broadcast_in_dim3A_207 = vector.broadcast %jit3A_206 : f32 to vector<8x2048xf32>
    %select_n3A_208 = arith.select %eq3A_205, %get3A_202, %broadcast_in_dim3A_207 : vector<8x2048xi1>, vector<8x2048xf32>
    %add3A_209 = arith.addf %add3A_199, %select_n3A_208 : vector<8x2048xf32>
    %get3A_210 = arith.constant 168 : index
    %get3A_211 = arith.constant 0 : index
    %get3A_212 = vector.load %arg1[%get3A_210, %get3A_211] : memref<1000x2048xf32, #tpu.memory_space<vmem>>, vector<8x2048xf32>
    %eq3A_213 = arith.constant 168 : i32
    %eq3A_214 = vector.broadcast %eq3A_213 : i32 to vector<8x2048xi32>
    %eq3A_215 = arith.cmpi eq, %sub3A_1, %eq3A_214 : vector<8x2048xi32>
    %jit3A_216 = arith.constant 0.000000e+00 : f32
    %broadcast_in_dim3A_217 = vector.broadcast %jit3A_216 : f32 to vector<8x2048xf32>
    %select_n3A_218 = arith.select %eq3A_215, %get3A_212, %broadcast_in_dim3A_217 : vector<8x2048xi1>, vector<8x2048xf32>
    %add3A_219 = arith.addf %add3A_209, %select_n3A_218 : vector<8x2048xf32>
    %get3A_220 = arith.constant 176 : index
    %get3A_221 = arith.constant 0 : index
    %get3A_222 = vector.load %arg1[%get3A_220, %get3A_221] : memref<1000x2048xf32, #tpu.memory_space<vmem>>, vector<8x2048xf32>
    %eq3A_223 = arith.constant 176 : i32
    %eq3A_224 = vector.broadcast %eq3A_223 : i32 to vector<8x2048xi32>
    %eq3A_225 = arith.cmpi eq, %sub3A_1, %eq3A_224 : vector<8x2048xi32>
    %jit3A_226 = arith.constant 0.000000e+00 : f32
    %broadcast_in_dim3A_227 = vector.broadcast %jit3A_226 : f32 to vector<8x2048xf32>
    %select_n3A_228 = arith.select %eq3A_225, %get3A_222, %broadcast_in_dim3A_227 : vector<8x2048xi1>, vector<8x2048xf32>
    %add3A_229 = arith.addf %add3A_219, %select_n3A_228 : vector<8x2048xf32>
    %get3A_230 = arith.constant 184 : index
    %get3A_231 = arith.constant 0 : index
    %get3A_232 = vector.load %arg1[%get3A_230, %get3A_231] : memref<1000x2048xf32, #tpu.memory_space<vmem>>, vector<8x2048xf32>
    %eq3A_233 = arith.constant 184 : i32
    %eq3A_234 = vector.broadcast %eq3A_233 : i32 to vector<8x2048xi32>
    %eq3A_235 = arith.cmpi eq, %sub3A_1, %eq3A_234 : vector<8x2048xi32>
    %jit3A_236 = arith.constant 0.000000e+00 : f32
    %broadcast_in_dim3A_237 = vector.broadcast %jit3A_236 : f32 to vector<8x2048xf32>
    %select_n3A_238 = arith.select %eq3A_235, %get3A_232, %broadcast_in_dim3A_237 : vector<8x2048xi1>, vector<8x2048xf32>
    %add3A_239 = arith.addf %add3A_229, %select_n3A_238 : vector<8x2048xf32>
    %get3A_240 = arith.constant 192 : index
    %get3A_241 = arith.constant 0 : index
    %get3A_242 = vector.load %arg1[%get3A_240, %get3A_241] : memref<1000x2048xf32, #tpu.memory_space<vmem>>, vector<8x2048xf32>
    %eq3A_243 = arith.constant 192 : i32
    %eq3A_244 = vector.broadcast %eq3A_243 : i32 to vector<8x2048xi32>
    %eq3A_245 = arith.cmpi eq, %sub3A_1, %eq3A_244 : vector<8x2048xi32>
    %jit3A_246 = arith.constant 0.000000e+00 : f32
    %broadcast_in_dim3A_247 = vector.broadcast %jit3A_246 : f32 to vector<8x2048xf32>
    %select_n3A_248 = arith.select %eq3A_245, %get3A_242, %broadcast_in_dim3A_247 : vector<8x2048xi1>, vector<8x2048xf32>
    %add3A_249 = arith.addf %add3A_239, %select_n3A_248 : vector<8x2048xf32>
    %get3A_250 = arith.constant 200 : index
    %get3A_251 = arith.constant 0 : index
    %get3A_252 = vector.load %arg1[%get3A_250, %get3A_251] : memref<1000x2048xf32, #tpu.memory_space<vmem>>, vector<8x2048xf32>
    %eq3A_253 = arith.constant 200 : i32
    %eq3A_254 = vector.broadcast %eq3A_253 : i32 to vector<8x2048xi32>
    %eq3A_255 = arith.cmpi eq, %sub3A_1, %eq3A_254 : vector<8x2048xi32>
    %jit3A_256 = arith.constant 0.000000e+00 : f32
    %broadcast_in_dim3A_257 = vector.broadcast %jit3A_256 : f32 to vector<8x2048xf32>
    %select_n3A_258 = arith.select %eq3A_255, %get3A_252, %broadcast_in_dim3A_257 : vector<8x2048xi1>, vector<8x2048xf32>
    %add3A_259 = arith.addf %add3A_249, %select_n3A_258 : vector<8x2048xf32>
    %get3A_260 = arith.constant 208 : index
    %get3A_261 = arith.constant 0 : index
    %get3A_262 = vector.load %arg1[%get3A_260, %get3A_261] : memref<1000x2048xf32, #tpu.memory_space<vmem>>, vector<8x2048xf32>
    %eq3A_263 = arith.constant 208 : i32
    %eq3A_264 = vector.broadcast %eq3A_263 : i32 to vector<8x2048xi32>
    %eq3A_265 = arith.cmpi eq, %sub3A_1, %eq3A_264 : vector<8x2048xi32>
    %jit3A_266 = arith.constant 0.000000e+00 : f32
    %broadcast_in_dim3A_267 = vector.broadcast %jit3A_266 : f32 to vector<8x2048xf32>
    %select_n3A_268 = arith.select %eq3A_265, %get3A_262, %broadcast_in_dim3A_267 : vector<8x2048xi1>, vector<8x2048xf32>
    %add3A_269 = arith.addf %add3A_259, %select_n3A_268 : vector<8x2048xf32>
    %get3A_270 = arith.constant 216 : index
    %get3A_271 = arith.constant 0 : index
    %get3A_272 = vector.load %arg1[%get3A_270, %get3A_271] : memref<1000x2048xf32, #tpu.memory_space<vmem>>, vector<8x2048xf32>
    %eq3A_273 = arith.constant 216 : i32
    %eq3A_274 = vector.broadcast %eq3A_273 : i32 to vector<8x2048xi32>
    %eq3A_275 = arith.cmpi eq, %sub3A_1, %eq3A_274 : vector<8x2048xi32>
    %jit3A_276 = arith.constant 0.000000e+00 : f32
    %broadcast_in_dim3A_277 = vector.broadcast %jit3A_276 : f32 to vector<8x2048xf32>
    %select_n3A_278 = arith.select %eq3A_275, %get3A_272, %broadcast_in_dim3A_277 : vector<8x2048xi1>, vector<8x2048xf32>
    %add3A_279 = arith.addf %add3A_269, %select_n3A_278 : vector<8x2048xf32>
    %get3A_280 = arith.constant 224 : index
    %get3A_281 = arith.constant 0 : index
    %get3A_282 = vector.load %arg1[%get3A_280, %get3A_281] : memref<1000x2048xf32, #tpu.memory_space<vmem>>, vector<8x2048xf32>
    %eq3A_283 = arith.constant 224 : i32
    %eq3A_284 = vector.broadcast %eq3A_283 : i32 to vector<8x2048xi32>
    %eq3A_285 = arith.cmpi eq, %sub3A_1, %eq3A_284 : vector<8x2048xi32>
    %jit3A_286 = arith.constant 0.000000e+00 : f32
    %broadcast_in_dim3A_287 = vector.broadcast %jit3A_286 : f32 to vector<8x2048xf32>
    %select_n3A_288 = arith.select %eq3A_285, %get3A_282, %broadcast_in_dim3A_287 : vector<8x2048xi1>, vector<8x2048xf32>
    %add3A_289 = arith.addf %add3A_279, %select_n3A_288 : vector<8x2048xf32>
    %get3A_290 = arith.constant 232 : index
    %get3A_291 = arith.constant 0 : index
    %get3A_292 = vector.load %arg1[%get3A_290, %get3A_291] : memref<1000x2048xf32, #tpu.memory_space<vmem>>, vector<8x2048xf32>
    %eq3A_293 = arith.constant 232 : i32
    %eq3A_294 = vector.broadcast %eq3A_293 : i32 to vector<8x2048xi32>
    %eq3A_295 = arith.cmpi eq, %sub3A_1, %eq3A_294 : vector<8x2048xi32>
    %jit3A_296 = arith.constant 0.000000e+00 : f32
    %broadcast_in_dim3A_297 = vector.broadcast %jit3A_296 : f32 to vector<8x2048xf32>
    %select_n3A_298 = arith.select %eq3A_295, %get3A_292, %broadcast_in_dim3A_297 : vector<8x2048xi1>, vector<8x2048xf32>
    %add3A_299 = arith.addf %add3A_289, %select_n3A_298 : vector<8x2048xf32>
    %get3A_300 = arith.constant 240 : index
    %get3A_301 = arith.constant 0 : index
    %get3A_302 = vector.load %arg1[%get3A_300, %get3A_301] : memref<1000x2048xf32, #tpu.memory_space<vmem>>, vector<8x2048xf32>
    %eq3A_303 = arith.constant 240 : i32
    %eq3A_304 = vector.broadcast %eq3A_303 : i32 to vector<8x2048xi32>
    %eq3A_305 = arith.cmpi eq, %sub3A_1, %eq3A_304 : vector<8x2048xi32>
    %jit3A_306 = arith.constant 0.000000e+00 : f32
    %broadcast_in_dim3A_307 = vector.broadcast %jit3A_306 : f32 to vector<8x2048xf32>
    %select_n3A_308 = arith.select %eq3A_305, %get3A_302, %broadcast_in_dim3A_307 : vector<8x2048xi1>, vector<8x2048xf32>
    %add3A_309 = arith.addf %add3A_299, %select_n3A_308 : vector<8x2048xf32>
    %get3A_310 = arith.constant 248 : index
    %get3A_311 = arith.constant 0 : index
    %get3A_312 = vector.load %arg1[%get3A_310, %get3A_311] : memref<1000x2048xf32, #tpu.memory_space<vmem>>, vector<8x2048xf32>
    %eq3A_313 = arith.constant 248 : i32
    %eq3A_314 = vector.broadcast %eq3A_313 : i32 to vector<8x2048xi32>
    %eq3A_315 = arith.cmpi eq, %sub3A_1, %eq3A_314 : vector<8x2048xi32>
    %jit3A_316 = arith.constant 0.000000e+00 : f32
    %broadcast_in_dim3A_317 = vector.broadcast %jit3A_316 : f32 to vector<8x2048xf32>
    %select_n3A_318 = arith.select %eq3A_315, %get3A_312, %broadcast_in_dim3A_317 : vector<8x2048xi1>, vector<8x2048xf32>
    %add3A_319 = arith.addf %add3A_309, %select_n3A_318 : vector<8x2048xf32>
    %get3A_320 = arith.constant 256 : index
    %get3A_321 = arith.constant 0 : index
    %get3A_322 = vector.load %arg1[%get3A_320, %get3A_321] : memref<1000x2048xf32, #tpu.memory_space<vmem>>, vector<8x2048xf32>
    %eq3A_323 = arith.constant 256 : i32
    %eq3A_324 = vector.broadcast %eq3A_323 : i32 to vector<8x2048xi32>
    %eq3A_325 = arith.cmpi eq, %sub3A_1, %eq3A_324 : vector<8x2048xi32>
    %jit3A_326 = arith.constant 0.000000e+00 : f32
    %broadcast_in_dim3A_327 = vector.broadcast %jit3A_326 : f32 to vector<8x2048xf32>
    %select_n3A_328 = arith.select %eq3A_325, %get3A_322, %broadcast_in_dim3A_327 : vector<8x2048xi1>, vector<8x2048xf32>
    %add3A_329 = arith.addf %add3A_319, %select_n3A_328 : vector<8x2048xf32>
    %get3A_330 = arith.constant 264 : index
    %get3A_331 = arith.constant 0 : index
    %get3A_332 = vector.load %arg1[%get3A_330, %get3A_331] : memref<1000x2048xf32, #tpu.memory_space<vmem>>, vector<8x2048xf32>
    %eq3A_333 = arith.constant 264 : i32
    %eq3A_334 = vector.broadcast %eq3A_333 : i32 to vector<8x2048xi32>
    %eq3A_335 = arith.cmpi eq, %sub3A_1, %eq3A_334 : vector<8x2048xi32>
    %jit3A_336 = arith.constant 0.000000e+00 : f32
    %broadcast_in_dim3A_337 = vector.broadcast %jit3A_336 : f32 to vector<8x2048xf32>
    %select_n3A_338 = arith.select %eq3A_335, %get3A_332, %broadcast_in_dim3A_337 : vector<8x2048xi1>, vector<8x2048xf32>
    %add3A_339 = arith.addf %add3A_329, %select_n3A_338 : vector<8x2048xf32>
    %get3A_340 = arith.constant 272 : index
    %get3A_341 = arith.constant 0 : index
    %get3A_342 = vector.load %arg1[%get3A_340, %get3A_341] : memref<1000x2048xf32, #tpu.memory_space<vmem>>, vector<8x2048xf32>
    %eq3A_343 = arith.constant 272 : i32
    %eq3A_344 = vector.broadcast %eq3A_343 : i32 to vector<8x2048xi32>
    %eq3A_345 = arith.cmpi eq, %sub3A_1, %eq3A_344 : vector<8x2048xi32>
    %jit3A_346 = arith.constant 0.000000e+00 : f32
    %broadcast_in_dim3A_347 = vector.broadcast %jit3A_346 : f32 to vector<8x2048xf32>
    %select_n3A_348 = arith.select %eq3A_345, %get3A_342, %broadcast_in_dim3A_347 : vector<8x2048xi1>, vector<8x2048xf32>
    %add3A_349 = arith.addf %add3A_339, %select_n3A_348 : vector<8x2048xf32>
    %get3A_350 = arith.constant 280 : index
    %get3A_351 = arith.constant 0 : index
    %get3A_352 = vector.load %arg1[%get3A_350, %get3A_351] : memref<1000x2048xf32, #tpu.memory_space<vmem>>, vector<8x2048xf32>
    %eq3A_353 = arith.constant 280 : i32
    %eq3A_354 = vector.broadcast %eq3A_353 : i32 to vector<8x2048xi32>
    %eq3A_355 = arith.cmpi eq, %sub3A_1, %eq3A_354 : vector<8x2048xi32>
    %jit3A_356 = arith.constant 0.000000e+00 : f32
    %broadcast_in_dim3A_357 = vector.broadcast %jit3A_356 : f32 to vector<8x2048xf32>
    %select_n3A_358 = arith.select %eq3A_355, %get3A_352, %broadcast_in_dim3A_357 : vector<8x2048xi1>, vector<8x2048xf32>
    %add3A_359 = arith.addf %add3A_349, %select_n3A_358 : vector<8x2048xf32>
    %get3A_360 = arith.constant 288 : index
    %get3A_361 = arith.constant 0 : index
    %get3A_362 = vector.load %arg1[%get3A_360, %get3A_361] : memref<1000x2048xf32, #tpu.memory_space<vmem>>, vector<8x2048xf32>
    %eq3A_363 = arith.constant 288 : i32
    %eq3A_364 = vector.broadcast %eq3A_363 : i32 to vector<8x2048xi32>
    %eq3A_365 = arith.cmpi eq, %sub3A_1, %eq3A_364 : vector<8x2048xi32>
    %jit3A_366 = arith.constant 0.000000e+00 : f32
    %broadcast_in_dim3A_367 = vector.broadcast %jit3A_366 : f32 to vector<8x2048xf32>
    %select_n3A_368 = arith.select %eq3A_365, %get3A_362, %broadcast_in_dim3A_367 : vector<8x2048xi1>, vector<8x2048xf32>
    %add3A_369 = arith.addf %add3A_359, %select_n3A_368 : vector<8x2048xf32>
    %get3A_370 = arith.constant 296 : index
    %get3A_371 = arith.constant 0 : index
    %get3A_372 = vector.load %arg1[%get3A_370, %get3A_371] : memref<1000x2048xf32, #tpu.memory_space<vmem>>, vector<8x2048xf32>
    %eq3A_373 = arith.constant 296 : i32
    %eq3A_374 = vector.broadcast %eq3A_373 : i32 to vector<8x2048xi32>
    %eq3A_375 = arith.cmpi eq, %sub3A_1, %eq3A_374 : vector<8x2048xi32>
    %jit3A_376 = arith.constant 0.000000e+00 : f32
    %broadcast_in_dim3A_377 = vector.broadcast %jit3A_376 : f32 to vector<8x2048xf32>
    %select_n3A_378 = arith.select %eq3A_375, %get3A_372, %broadcast_in_dim3A_377 : vector<8x2048xi1>, vector<8x2048xf32>
    %add3A_379 = arith.addf %add3A_369, %select_n3A_378 : vector<8x2048xf32>
    %get3A_380 = arith.constant 304 : index
    %get3A_381 = arith.constant 0 : index
    %get3A_382 = vector.load %arg1[%get3A_380, %get3A_381] : memref<1000x2048xf32, #tpu.memory_space<vmem>>, vector<8x2048xf32>
    %eq3A_383 = arith.constant 304 : i32
    %eq3A_384 = vector.broadcast %eq3A_383 : i32 to vector<8x2048xi32>
    %eq3A_385 = arith.cmpi eq, %sub3A_1, %eq3A_384 : vector<8x2048xi32>
    %jit3A_386 = arith.constant 0.000000e+00 : f32
    %broadcast_in_dim3A_387 = vector.broadcast %jit3A_386 : f32 to vector<8x2048xf32>
    %select_n3A_388 = arith.select %eq3A_385, %get3A_382, %broadcast_in_dim3A_387 : vector<8x2048xi1>, vector<8x2048xf32>
    %add3A_389 = arith.addf %add3A_379, %select_n3A_388 : vector<8x2048xf32>
    %get3A_390 = arith.constant 312 : index
    %get3A_391 = arith.constant 0 : index
    %get3A_392 = vector.load %arg1[%get3A_390, %get3A_391] : memref<1000x2048xf32, #tpu.memory_space<vmem>>, vector<8x2048xf32>
    %eq3A_393 = arith.constant 312 : i32
    %eq3A_394 = vector.broadcast %eq3A_393 : i32 to vector<8x2048xi32>
    %eq3A_395 = arith.cmpi eq, %sub3A_1, %eq3A_394 : vector<8x2048xi32>
    %jit3A_396 = arith.constant 0.000000e+00 : f32
    %broadcast_in_dim3A_397 = vector.broadcast %jit3A_396 : f32 to vector<8x2048xf32>
    %select_n3A_398 = arith.select %eq3A_395, %get3A_392, %broadcast_in_dim3A_397 : vector<8x2048xi1>, vector<8x2048xf32>
    %add3A_399 = arith.addf %add3A_389, %select_n3A_398 : vector<8x2048xf32>
    %get3A_400 = arith.constant 320 : index
    %get3A_401 = arith.constant 0 : index
    %get3A_402 = vector.load %arg1[%get3A_400, %get3A_401] : memref<1000x2048xf32, #tpu.memory_space<vmem>>, vector<8x2048xf32>
    %eq3A_403 = arith.constant 320 : i32
    %eq3A_404 = vector.broadcast %eq3A_403 : i32 to vector<8x2048xi32>
    %eq3A_405 = arith.cmpi eq, %sub3A_1, %eq3A_404 : vector<8x2048xi32>
    %jit3A_406 = arith.constant 0.000000e+00 : f32
    %broadcast_in_dim3A_407 = vector.broadcast %jit3A_406 : f32 to vector<8x2048xf32>
    %select_n3A_408 = arith.select %eq3A_405, %get3A_402, %broadcast_in_dim3A_407 : vector<8x2048xi1>, vector<8x2048xf32>
    %add3A_409 = arith.addf %add3A_399, %select_n3A_408 : vector<8x2048xf32>
    %get3A_410 = arith.constant 328 : index
    %get3A_411 = arith.constant 0 : index
    %get3A_412 = vector.load %arg1[%get3A_410, %get3A_411] : memref<1000x2048xf32, #tpu.memory_space<vmem>>, vector<8x2048xf32>
    %eq3A_413 = arith.constant 328 : i32
    %eq3A_414 = vector.broadcast %eq3A_413 : i32 to vector<8x2048xi32>
    %eq3A_415 = arith.cmpi eq, %sub3A_1, %eq3A_414 : vector<8x2048xi32>
    %jit3A_416 = arith.constant 0.000000e+00 : f32
    %broadcast_in_dim3A_417 = vector.broadcast %jit3A_416 : f32 to vector<8x2048xf32>
    %select_n3A_418 = arith.select %eq3A_415, %get3A_412, %broadcast_in_dim3A_417 : vector<8x2048xi1>, vector<8x2048xf32>
    %add3A_419 = arith.addf %add3A_409, %select_n3A_418 : vector<8x2048xf32>
    %get3A_420 = arith.constant 336 : index
    %get3A_421 = arith.constant 0 : index
    %get3A_422 = vector.load %arg1[%get3A_420, %get3A_421] : memref<1000x2048xf32, #tpu.memory_space<vmem>>, vector<8x2048xf32>
    %eq3A_423 = arith.constant 336 : i32
    %eq3A_424 = vector.broadcast %eq3A_423 : i32 to vector<8x2048xi32>
    %eq3A_425 = arith.cmpi eq, %sub3A_1, %eq3A_424 : vector<8x2048xi32>
    %jit3A_426 = arith.constant 0.000000e+00 : f32
    %broadcast_in_dim3A_427 = vector.broadcast %jit3A_426 : f32 to vector<8x2048xf32>
    %select_n3A_428 = arith.select %eq3A_425, %get3A_422, %broadcast_in_dim3A_427 : vector<8x2048xi1>, vector<8x2048xf32>
    %add3A_429 = arith.addf %add3A_419, %select_n3A_428 : vector<8x2048xf32>
    %get3A_430 = arith.constant 344 : index
    %get3A_431 = arith.constant 0 : index
    %get3A_432 = vector.load %arg1[%get3A_430, %get3A_431] : memref<1000x2048xf32, #tpu.memory_space<vmem>>, vector<8x2048xf32>
    %eq3A_433 = arith.constant 344 : i32
    %eq3A_434 = vector.broadcast %eq3A_433 : i32 to vector<8x2048xi32>
    %eq3A_435 = arith.cmpi eq, %sub3A_1, %eq3A_434 : vector<8x2048xi32>
    %jit3A_436 = arith.constant 0.000000e+00 : f32
    %broadcast_in_dim3A_437 = vector.broadcast %jit3A_436 : f32 to vector<8x2048xf32>
    %select_n3A_438 = arith.select %eq3A_435, %get3A_432, %broadcast_in_dim3A_437 : vector<8x2048xi1>, vector<8x2048xf32>
    %add3A_439 = arith.addf %add3A_429, %select_n3A_438 : vector<8x2048xf32>
    %get3A_440 = arith.constant 352 : index
    %get3A_441 = arith.constant 0 : index
    %get3A_442 = vector.load %arg1[%get3A_440, %get3A_441] : memref<1000x2048xf32, #tpu.memory_space<vmem>>, vector<8x2048xf32>
    %eq3A_443 = arith.constant 352 : i32
    %eq3A_444 = vector.broadcast %eq3A_443 : i32 to vector<8x2048xi32>
    %eq3A_445 = arith.cmpi eq, %sub3A_1, %eq3A_444 : vector<8x2048xi32>
    %jit3A_446 = arith.constant 0.000000e+00 : f32
    %broadcast_in_dim3A_447 = vector.broadcast %jit3A_446 : f32 to vector<8x2048xf32>
    %select_n3A_448 = arith.select %eq3A_445, %get3A_442, %broadcast_in_dim3A_447 : vector<8x2048xi1>, vector<8x2048xf32>
    %add3A_449 = arith.addf %add3A_439, %select_n3A_448 : vector<8x2048xf32>
    %get3A_450 = arith.constant 360 : index
    %get3A_451 = arith.constant 0 : index
    %get3A_452 = vector.load %arg1[%get3A_450, %get3A_451] : memref<1000x2048xf32, #tpu.memory_space<vmem>>, vector<8x2048xf32>
    %eq3A_453 = arith.constant 360 : i32
    %eq3A_454 = vector.broadcast %eq3A_453 : i32 to vector<8x2048xi32>
    %eq3A_455 = arith.cmpi eq, %sub3A_1, %eq3A_454 : vector<8x2048xi32>
    %jit3A_456 = arith.constant 0.000000e+00 : f32
    %broadcast_in_dim3A_457 = vector.broadcast %jit3A_456 : f32 to vector<8x2048xf32>
    %select_n3A_458 = arith.select %eq3A_455, %get3A_452, %broadcast_in_dim3A_457 : vector<8x2048xi1>, vector<8x2048xf32>
    %add3A_459 = arith.addf %add3A_449, %select_n3A_458 : vector<8x2048xf32>
    %get3A_460 = arith.constant 368 : index
    %get3A_461 = arith.constant 0 : index
    %get3A_462 = vector.load %arg1[%get3A_460, %get3A_461] : memref<1000x2048xf32, #tpu.memory_space<vmem>>, vector<8x2048xf32>
    %eq3A_463 = arith.constant 368 : i32
    %eq3A_464 = vector.broadcast %eq3A_463 : i32 to vector<8x2048xi32>
    %eq3A_465 = arith.cmpi eq, %sub3A_1, %eq3A_464 : vector<8x2048xi32>
    %jit3A_466 = arith.constant 0.000000e+00 : f32
    %broadcast_in_dim3A_467 = vector.broadcast %jit3A_466 : f32 to vector<8x2048xf32>
    %select_n3A_468 = arith.select %eq3A_465, %get3A_462, %broadcast_in_dim3A_467 : vector<8x2048xi1>, vector<8x2048xf32>
    %add3A_469 = arith.addf %add3A_459, %select_n3A_468 : vector<8x2048xf32>
    %get3A_470 = arith.constant 376 : index
    %get3A_471 = arith.constant 0 : index
    %get3A_472 = vector.load %arg1[%get3A_470, %get3A_471] : memref<1000x2048xf32, #tpu.memory_space<vmem>>, vector<8x2048xf32>
    %eq3A_473 = arith.constant 376 : i32
    %eq3A_474 = vector.broadcast %eq3A_473 : i32 to vector<8x2048xi32>
    %eq3A_475 = arith.cmpi eq, %sub3A_1, %eq3A_474 : vector<8x2048xi32>
    %jit3A_476 = arith.constant 0.000000e+00 : f32
    %broadcast_in_dim3A_477 = vector.broadcast %jit3A_476 : f32 to vector<8x2048xf32>
    %select_n3A_478 = arith.select %eq3A_475, %get3A_472, %broadcast_in_dim3A_477 : vector<8x2048xi1>, vector<8x2048xf32>
    %add3A_479 = arith.addf %add3A_469, %select_n3A_478 : vector<8x2048xf32>
    %get3A_480 = arith.constant 384 : index
    %get3A_481 = arith.constant 0 : index
    %get3A_482 = vector.load %arg1[%get3A_480, %get3A_481] : memref<1000x2048xf32, #tpu.memory_space<vmem>>, vector<8x2048xf32>
    %eq3A_483 = arith.constant 384 : i32
    %eq3A_484 = vector.broadcast %eq3A_483 : i32 to vector<8x2048xi32>
    %eq3A_485 = arith.cmpi eq, %sub3A_1, %eq3A_484 : vector<8x2048xi32>
    %jit3A_486 = arith.constant 0.000000e+00 : f32
    %broadcast_in_dim3A_487 = vector.broadcast %jit3A_486 : f32 to vector<8x2048xf32>
    %select_n3A_488 = arith.select %eq3A_485, %get3A_482, %broadcast_in_dim3A_487 : vector<8x2048xi1>, vector<8x2048xf32>
    %add3A_489 = arith.addf %add3A_479, %select_n3A_488 : vector<8x2048xf32>
    %get3A_490 = arith.constant 392 : index
    %get3A_491 = arith.constant 0 : index
    %get3A_492 = vector.load %arg1[%get3A_490, %get3A_491] : memref<1000x2048xf32, #tpu.memory_space<vmem>>, vector<8x2048xf32>
    %eq3A_493 = arith.constant 392 : i32
    %eq3A_494 = vector.broadcast %eq3A_493 : i32 to vector<8x2048xi32>
    %eq3A_495 = arith.cmpi eq, %sub3A_1, %eq3A_494 : vector<8x2048xi32>
    %jit3A_496 = arith.constant 0.000000e+00 : f32
    %broadcast_in_dim3A_497 = vector.broadcast %jit3A_496 : f32 to vector<8x2048xf32>
    %select_n3A_498 = arith.select %eq3A_495, %get3A_492, %broadcast_in_dim3A_497 : vector<8x2048xi1>, vector<8x2048xf32>
    %add3A_499 = arith.addf %add3A_489, %select_n3A_498 : vector<8x2048xf32>
    %get3A_500 = arith.constant 400 : index
    %get3A_501 = arith.constant 0 : index
    %get3A_502 = vector.load %arg1[%get3A_500, %get3A_501] : memref<1000x2048xf32, #tpu.memory_space<vmem>>, vector<8x2048xf32>
    %eq3A_503 = arith.constant 400 : i32
    %eq3A_504 = vector.broadcast %eq3A_503 : i32 to vector<8x2048xi32>
    %eq3A_505 = arith.cmpi eq, %sub3A_1, %eq3A_504 : vector<8x2048xi32>
    %jit3A_506 = arith.constant 0.000000e+00 : f32
    %broadcast_in_dim3A_507 = vector.broadcast %jit3A_506 : f32 to vector<8x2048xf32>
    %select_n3A_508 = arith.select %eq3A_505, %get3A_502, %broadcast_in_dim3A_507 : vector<8x2048xi1>, vector<8x2048xf32>
    %add3A_509 = arith.addf %add3A_499, %select_n3A_508 : vector<8x2048xf32>
    %get3A_510 = arith.constant 408 : index
    %get3A_511 = arith.constant 0 : index
    %get3A_512 = vector.load %arg1[%get3A_510, %get3A_511] : memref<1000x2048xf32, #tpu.memory_space<vmem>>, vector<8x2048xf32>
    %eq3A_513 = arith.constant 408 : i32
    %eq3A_514 = vector.broadcast %eq3A_513 : i32 to vector<8x2048xi32>
    %eq3A_515 = arith.cmpi eq, %sub3A_1, %eq3A_514 : vector<8x2048xi32>
    %jit3A_516 = arith.constant 0.000000e+00 : f32
    %broadcast_in_dim3A_517 = vector.broadcast %jit3A_516 : f32 to vector<8x2048xf32>
    %select_n3A_518 = arith.select %eq3A_515, %get3A_512, %broadcast_in_dim3A_517 : vector<8x2048xi1>, vector<8x2048xf32>
    %add3A_519 = arith.addf %add3A_509, %select_n3A_518 : vector<8x2048xf32>
    %get3A_520 = arith.constant 416 : index
    %get3A_521 = arith.constant 0 : index
    %get3A_522 = vector.load %arg1[%get3A_520, %get3A_521] : memref<1000x2048xf32, #tpu.memory_space<vmem>>, vector<8x2048xf32>
    %eq3A_523 = arith.constant 416 : i32
    %eq3A_524 = vector.broadcast %eq3A_523 : i32 to vector<8x2048xi32>
    %eq3A_525 = arith.cmpi eq, %sub3A_1, %eq3A_524 : vector<8x2048xi32>
    %jit3A_526 = arith.constant 0.000000e+00 : f32
    %broadcast_in_dim3A_527 = vector.broadcast %jit3A_526 : f32 to vector<8x2048xf32>
    %select_n3A_528 = arith.select %eq3A_525, %get3A_522, %broadcast_in_dim3A_527 : vector<8x2048xi1>, vector<8x2048xf32>
    %add3A_529 = arith.addf %add3A_519, %select_n3A_528 : vector<8x2048xf32>
    %get3A_530 = arith.constant 424 : index
    %get3A_531 = arith.constant 0 : index
    %get3A_532 = vector.load %arg1[%get3A_530, %get3A_531] : memref<1000x2048xf32, #tpu.memory_space<vmem>>, vector<8x2048xf32>
    %eq3A_533 = arith.constant 424 : i32
    %eq3A_534 = vector.broadcast %eq3A_533 : i32 to vector<8x2048xi32>
    %eq3A_535 = arith.cmpi eq, %sub3A_1, %eq3A_534 : vector<8x2048xi32>
    %jit3A_536 = arith.constant 0.000000e+00 : f32
    %broadcast_in_dim3A_537 = vector.broadcast %jit3A_536 : f32 to vector<8x2048xf32>
    %select_n3A_538 = arith.select %eq3A_535, %get3A_532, %broadcast_in_dim3A_537 : vector<8x2048xi1>, vector<8x2048xf32>
    %add3A_539 = arith.addf %add3A_529, %select_n3A_538 : vector<8x2048xf32>
    %get3A_540 = arith.constant 432 : index
    %get3A_541 = arith.constant 0 : index
    %get3A_542 = vector.load %arg1[%get3A_540, %get3A_541] : memref<1000x2048xf32, #tpu.memory_space<vmem>>, vector<8x2048xf32>
    %eq3A_543 = arith.constant 432 : i32
    %eq3A_544 = vector.broadcast %eq3A_543 : i32 to vector<8x2048xi32>
    %eq3A_545 = arith.cmpi eq, %sub3A_1, %eq3A_544 : vector<8x2048xi32>
    %jit3A_546 = arith.constant 0.000000e+00 : f32
    %broadcast_in_dim3A_547 = vector.broadcast %jit3A_546 : f32 to vector<8x2048xf32>
    %select_n3A_548 = arith.select %eq3A_545, %get3A_542, %broadcast_in_dim3A_547 : vector<8x2048xi1>, vector<8x2048xf32>
    %add3A_549 = arith.addf %add3A_539, %select_n3A_548 : vector<8x2048xf32>
    %get3A_550 = arith.constant 440 : index
    %get3A_551 = arith.constant 0 : index
    %get3A_552 = vector.load %arg1[%get3A_550, %get3A_551] : memref<1000x2048xf32, #tpu.memory_space<vmem>>, vector<8x2048xf32>
    %eq3A_553 = arith.constant 440 : i32
    %eq3A_554 = vector.broadcast %eq3A_553 : i32 to vector<8x2048xi32>
    %eq3A_555 = arith.cmpi eq, %sub3A_1, %eq3A_554 : vector<8x2048xi32>
    %jit3A_556 = arith.constant 0.000000e+00 : f32
    %broadcast_in_dim3A_557 = vector.broadcast %jit3A_556 : f32 to vector<8x2048xf32>
    %select_n3A_558 = arith.select %eq3A_555, %get3A_552, %broadcast_in_dim3A_557 : vector<8x2048xi1>, vector<8x2048xf32>
    %add3A_559 = arith.addf %add3A_549, %select_n3A_558 : vector<8x2048xf32>
    %get3A_560 = arith.constant 448 : index
    %get3A_561 = arith.constant 0 : index
    %get3A_562 = vector.load %arg1[%get3A_560, %get3A_561] : memref<1000x2048xf32, #tpu.memory_space<vmem>>, vector<8x2048xf32>
    %eq3A_563 = arith.constant 448 : i32
    %eq3A_564 = vector.broadcast %eq3A_563 : i32 to vector<8x2048xi32>
    %eq3A_565 = arith.cmpi eq, %sub3A_1, %eq3A_564 : vector<8x2048xi32>
    %jit3A_566 = arith.constant 0.000000e+00 : f32
    %broadcast_in_dim3A_567 = vector.broadcast %jit3A_566 : f32 to vector<8x2048xf32>
    %select_n3A_568 = arith.select %eq3A_565, %get3A_562, %broadcast_in_dim3A_567 : vector<8x2048xi1>, vector<8x2048xf32>
    %add3A_569 = arith.addf %add3A_559, %select_n3A_568 : vector<8x2048xf32>
    %get3A_570 = arith.constant 456 : index
    %get3A_571 = arith.constant 0 : index
    %get3A_572 = vector.load %arg1[%get3A_570, %get3A_571] : memref<1000x2048xf32, #tpu.memory_space<vmem>>, vector<8x2048xf32>
    %eq3A_573 = arith.constant 456 : i32
    %eq3A_574 = vector.broadcast %eq3A_573 : i32 to vector<8x2048xi32>
    %eq3A_575 = arith.cmpi eq, %sub3A_1, %eq3A_574 : vector<8x2048xi32>
    %jit3A_576 = arith.constant 0.000000e+00 : f32
    %broadcast_in_dim3A_577 = vector.broadcast %jit3A_576 : f32 to vector<8x2048xf32>
    %select_n3A_578 = arith.select %eq3A_575, %get3A_572, %broadcast_in_dim3A_577 : vector<8x2048xi1>, vector<8x2048xf32>
    %add3A_579 = arith.addf %add3A_569, %select_n3A_578 : vector<8x2048xf32>
    %get3A_580 = arith.constant 464 : index
    %get3A_581 = arith.constant 0 : index
    %get3A_582 = vector.load %arg1[%get3A_580, %get3A_581] : memref<1000x2048xf32, #tpu.memory_space<vmem>>, vector<8x2048xf32>
    %eq3A_583 = arith.constant 464 : i32
    %eq3A_584 = vector.broadcast %eq3A_583 : i32 to vector<8x2048xi32>
    %eq3A_585 = arith.cmpi eq, %sub3A_1, %eq3A_584 : vector<8x2048xi32>
    %jit3A_586 = arith.constant 0.000000e+00 : f32
    %broadcast_in_dim3A_587 = vector.broadcast %jit3A_586 : f32 to vector<8x2048xf32>
    %select_n3A_588 = arith.select %eq3A_585, %get3A_582, %broadcast_in_dim3A_587 : vector<8x2048xi1>, vector<8x2048xf32>
    %add3A_589 = arith.addf %add3A_579, %select_n3A_588 : vector<8x2048xf32>
    %get3A_590 = arith.constant 472 : index
    %get3A_591 = arith.constant 0 : index
    %get3A_592 = vector.load %arg1[%get3A_590, %get3A_591] : memref<1000x2048xf32, #tpu.memory_space<vmem>>, vector<8x2048xf32>
    %eq3A_593 = arith.constant 472 : i32
    %eq3A_594 = vector.broadcast %eq3A_593 : i32 to vector<8x2048xi32>
    %eq3A_595 = arith.cmpi eq, %sub3A_1, %eq3A_594 : vector<8x2048xi32>
    %jit3A_596 = arith.constant 0.000000e+00 : f32
    %broadcast_in_dim3A_597 = vector.broadcast %jit3A_596 : f32 to vector<8x2048xf32>
    %select_n3A_598 = arith.select %eq3A_595, %get3A_592, %broadcast_in_dim3A_597 : vector<8x2048xi1>, vector<8x2048xf32>
    %add3A_599 = arith.addf %add3A_589, %select_n3A_598 : vector<8x2048xf32>
    %get3A_600 = arith.constant 480 : index
    %get3A_601 = arith.constant 0 : index
    %get3A_602 = vector.load %arg1[%get3A_600, %get3A_601] : memref<1000x2048xf32, #tpu.memory_space<vmem>>, vector<8x2048xf32>
    %eq3A_603 = arith.constant 480 : i32
    %eq3A_604 = vector.broadcast %eq3A_603 : i32 to vector<8x2048xi32>
    %eq3A_605 = arith.cmpi eq, %sub3A_1, %eq3A_604 : vector<8x2048xi32>
    %jit3A_606 = arith.constant 0.000000e+00 : f32
    %broadcast_in_dim3A_607 = vector.broadcast %jit3A_606 : f32 to vector<8x2048xf32>
    %select_n3A_608 = arith.select %eq3A_605, %get3A_602, %broadcast_in_dim3A_607 : vector<8x2048xi1>, vector<8x2048xf32>
    %add3A_609 = arith.addf %add3A_599, %select_n3A_608 : vector<8x2048xf32>
    %get3A_610 = arith.constant 488 : index
    %get3A_611 = arith.constant 0 : index
    %get3A_612 = vector.load %arg1[%get3A_610, %get3A_611] : memref<1000x2048xf32, #tpu.memory_space<vmem>>, vector<8x2048xf32>
    %eq3A_613 = arith.constant 488 : i32
    %eq3A_614 = vector.broadcast %eq3A_613 : i32 to vector<8x2048xi32>
    %eq3A_615 = arith.cmpi eq, %sub3A_1, %eq3A_614 : vector<8x2048xi32>
    %jit3A_616 = arith.constant 0.000000e+00 : f32
    %broadcast_in_dim3A_617 = vector.broadcast %jit3A_616 : f32 to vector<8x2048xf32>
    %select_n3A_618 = arith.select %eq3A_615, %get3A_612, %broadcast_in_dim3A_617 : vector<8x2048xi1>, vector<8x2048xf32>
    %add3A_619 = arith.addf %add3A_609, %select_n3A_618 : vector<8x2048xf32>
    %get3A_620 = arith.constant 496 : index
    %get3A_621 = arith.constant 0 : index
    %get3A_622 = vector.load %arg1[%get3A_620, %get3A_621] : memref<1000x2048xf32, #tpu.memory_space<vmem>>, vector<8x2048xf32>
    %eq3A_623 = arith.constant 496 : i32
    %eq3A_624 = vector.broadcast %eq3A_623 : i32 to vector<8x2048xi32>
    %eq3A_625 = arith.cmpi eq, %sub3A_1, %eq3A_624 : vector<8x2048xi32>
    %jit3A_626 = arith.constant 0.000000e+00 : f32
    %broadcast_in_dim3A_627 = vector.broadcast %jit3A_626 : f32 to vector<8x2048xf32>
    %select_n3A_628 = arith.select %eq3A_625, %get3A_622, %broadcast_in_dim3A_627 : vector<8x2048xi1>, vector<8x2048xf32>
    %add3A_629 = arith.addf %add3A_619, %select_n3A_628 : vector<8x2048xf32>
    %get3A_630 = arith.constant 504 : index
    %get3A_631 = arith.constant 0 : index
    %get3A_632 = vector.load %arg1[%get3A_630, %get3A_631] : memref<1000x2048xf32, #tpu.memory_space<vmem>>, vector<8x2048xf32>
    %eq3A_633 = arith.constant 504 : i32
    %eq3A_634 = vector.broadcast %eq3A_633 : i32 to vector<8x2048xi32>
    %eq3A_635 = arith.cmpi eq, %sub3A_1, %eq3A_634 : vector<8x2048xi32>
    %jit3A_636 = arith.constant 0.000000e+00 : f32
    %broadcast_in_dim3A_637 = vector.broadcast %jit3A_636 : f32 to vector<8x2048xf32>
    %select_n3A_638 = arith.select %eq3A_635, %get3A_632, %broadcast_in_dim3A_637 : vector<8x2048xi1>, vector<8x2048xf32>
    %add3A_639 = arith.addf %add3A_629, %select_n3A_638 : vector<8x2048xf32>
    %get3A_640 = arith.constant 512 : index
    %get3A_641 = arith.constant 0 : index
    %get3A_642 = vector.load %arg1[%get3A_640, %get3A_641] : memref<1000x2048xf32, #tpu.memory_space<vmem>>, vector<8x2048xf32>
    %eq3A_643 = arith.constant 512 : i32
    %eq3A_644 = vector.broadcast %eq3A_643 : i32 to vector<8x2048xi32>
    %eq3A_645 = arith.cmpi eq, %sub3A_1, %eq3A_644 : vector<8x2048xi32>
    %jit3A_646 = arith.constant 0.000000e+00 : f32
    %broadcast_in_dim3A_647 = vector.broadcast %jit3A_646 : f32 to vector<8x2048xf32>
    %select_n3A_648 = arith.select %eq3A_645, %get3A_642, %broadcast_in_dim3A_647 : vector<8x2048xi1>, vector<8x2048xf32>
    %add3A_649 = arith.addf %add3A_639, %select_n3A_648 : vector<8x2048xf32>
    %get3A_650 = arith.constant 520 : index
    %get3A_651 = arith.constant 0 : index
    %get3A_652 = vector.load %arg1[%get3A_650, %get3A_651] : memref<1000x2048xf32, #tpu.memory_space<vmem>>, vector<8x2048xf32>
    %eq3A_653 = arith.constant 520 : i32
    %eq3A_654 = vector.broadcast %eq3A_653 : i32 to vector<8x2048xi32>
    %eq3A_655 = arith.cmpi eq, %sub3A_1, %eq3A_654 : vector<8x2048xi32>
    %jit3A_656 = arith.constant 0.000000e+00 : f32
    %broadcast_in_dim3A_657 = vector.broadcast %jit3A_656 : f32 to vector<8x2048xf32>
    %select_n3A_658 = arith.select %eq3A_655, %get3A_652, %broadcast_in_dim3A_657 : vector<8x2048xi1>, vector<8x2048xf32>
    %add3A_659 = arith.addf %add3A_649, %select_n3A_658 : vector<8x2048xf32>
    %get3A_660 = arith.constant 528 : index
    %get3A_661 = arith.constant 0 : index
    %get3A_662 = vector.load %arg1[%get3A_660, %get3A_661] : memref<1000x2048xf32, #tpu.memory_space<vmem>>, vector<8x2048xf32>
    %eq3A_663 = arith.constant 528 : i32
    %eq3A_664 = vector.broadcast %eq3A_663 : i32 to vector<8x2048xi32>
    %eq3A_665 = arith.cmpi eq, %sub3A_1, %eq3A_664 : vector<8x2048xi32>
    %jit3A_666 = arith.constant 0.000000e+00 : f32
    %broadcast_in_dim3A_667 = vector.broadcast %jit3A_666 : f32 to vector<8x2048xf32>
    %select_n3A_668 = arith.select %eq3A_665, %get3A_662, %broadcast_in_dim3A_667 : vector<8x2048xi1>, vector<8x2048xf32>
    %add3A_669 = arith.addf %add3A_659, %select_n3A_668 : vector<8x2048xf32>
    %get3A_670 = arith.constant 536 : index
    %get3A_671 = arith.constant 0 : index
    %get3A_672 = vector.load %arg1[%get3A_670, %get3A_671] : memref<1000x2048xf32, #tpu.memory_space<vmem>>, vector<8x2048xf32>
    %eq3A_673 = arith.constant 536 : i32
    %eq3A_674 = vector.broadcast %eq3A_673 : i32 to vector<8x2048xi32>
    %eq3A_675 = arith.cmpi eq, %sub3A_1, %eq3A_674 : vector<8x2048xi32>
    %jit3A_676 = arith.constant 0.000000e+00 : f32
    %broadcast_in_dim3A_677 = vector.broadcast %jit3A_676 : f32 to vector<8x2048xf32>
    %select_n3A_678 = arith.select %eq3A_675, %get3A_672, %broadcast_in_dim3A_677 : vector<8x2048xi1>, vector<8x2048xf32>
    %add3A_679 = arith.addf %add3A_669, %select_n3A_678 : vector<8x2048xf32>
    %get3A_680 = arith.constant 544 : index
    %get3A_681 = arith.constant 0 : index
    %get3A_682 = vector.load %arg1[%get3A_680, %get3A_681] : memref<1000x2048xf32, #tpu.memory_space<vmem>>, vector<8x2048xf32>
    %eq3A_683 = arith.constant 544 : i32
    %eq3A_684 = vector.broadcast %eq3A_683 : i32 to vector<8x2048xi32>
    %eq3A_685 = arith.cmpi eq, %sub3A_1, %eq3A_684 : vector<8x2048xi32>
    %jit3A_686 = arith.constant 0.000000e+00 : f32
    %broadcast_in_dim3A_687 = vector.broadcast %jit3A_686 : f32 to vector<8x2048xf32>
    %select_n3A_688 = arith.select %eq3A_685, %get3A_682, %broadcast_in_dim3A_687 : vector<8x2048xi1>, vector<8x2048xf32>
    %add3A_689 = arith.addf %add3A_679, %select_n3A_688 : vector<8x2048xf32>
    %get3A_690 = arith.constant 552 : index
    %get3A_691 = arith.constant 0 : index
    %get3A_692 = vector.load %arg1[%get3A_690, %get3A_691] : memref<1000x2048xf32, #tpu.memory_space<vmem>>, vector<8x2048xf32>
    %eq3A_693 = arith.constant 552 : i32
    %eq3A_694 = vector.broadcast %eq3A_693 : i32 to vector<8x2048xi32>
    %eq3A_695 = arith.cmpi eq, %sub3A_1, %eq3A_694 : vector<8x2048xi32>
    %jit3A_696 = arith.constant 0.000000e+00 : f32
    %broadcast_in_dim3A_697 = vector.broadcast %jit3A_696 : f32 to vector<8x2048xf32>
    %select_n3A_698 = arith.select %eq3A_695, %get3A_692, %broadcast_in_dim3A_697 : vector<8x2048xi1>, vector<8x2048xf32>
    %add3A_699 = arith.addf %add3A_689, %select_n3A_698 : vector<8x2048xf32>
    %get3A_700 = arith.constant 560 : index
    %get3A_701 = arith.constant 0 : index
    %get3A_702 = vector.load %arg1[%get3A_700, %get3A_701] : memref<1000x2048xf32, #tpu.memory_space<vmem>>, vector<8x2048xf32>
    %eq3A_703 = arith.constant 560 : i32
    %eq3A_704 = vector.broadcast %eq3A_703 : i32 to vector<8x2048xi32>
    %eq3A_705 = arith.cmpi eq, %sub3A_1, %eq3A_704 : vector<8x2048xi32>
    %jit3A_706 = arith.constant 0.000000e+00 : f32
    %broadcast_in_dim3A_707 = vector.broadcast %jit3A_706 : f32 to vector<8x2048xf32>
    %select_n3A_708 = arith.select %eq3A_705, %get3A_702, %broadcast_in_dim3A_707 : vector<8x2048xi1>, vector<8x2048xf32>
    %add3A_709 = arith.addf %add3A_699, %select_n3A_708 : vector<8x2048xf32>
    %get3A_710 = arith.constant 568 : index
    %get3A_711 = arith.constant 0 : index
    %get3A_712 = vector.load %arg1[%get3A_710, %get3A_711] : memref<1000x2048xf32, #tpu.memory_space<vmem>>, vector<8x2048xf32>
    %eq3A_713 = arith.constant 568 : i32
    %eq3A_714 = vector.broadcast %eq3A_713 : i32 to vector<8x2048xi32>
    %eq3A_715 = arith.cmpi eq, %sub3A_1, %eq3A_714 : vector<8x2048xi32>
    %jit3A_716 = arith.constant 0.000000e+00 : f32
    %broadcast_in_dim3A_717 = vector.broadcast %jit3A_716 : f32 to vector<8x2048xf32>
    %select_n3A_718 = arith.select %eq3A_715, %get3A_712, %broadcast_in_dim3A_717 : vector<8x2048xi1>, vector<8x2048xf32>
    %add3A_719 = arith.addf %add3A_709, %select_n3A_718 : vector<8x2048xf32>
    %get3A_720 = arith.constant 576 : index
    %get3A_721 = arith.constant 0 : index
    %get3A_722 = vector.load %arg1[%get3A_720, %get3A_721] : memref<1000x2048xf32, #tpu.memory_space<vmem>>, vector<8x2048xf32>
    %eq3A_723 = arith.constant 576 : i32
    %eq3A_724 = vector.broadcast %eq3A_723 : i32 to vector<8x2048xi32>
    %eq3A_725 = arith.cmpi eq, %sub3A_1, %eq3A_724 : vector<8x2048xi32>
    %jit3A_726 = arith.constant 0.000000e+00 : f32
    %broadcast_in_dim3A_727 = vector.broadcast %jit3A_726 : f32 to vector<8x2048xf32>
    %select_n3A_728 = arith.select %eq3A_725, %get3A_722, %broadcast_in_dim3A_727 : vector<8x2048xi1>, vector<8x2048xf32>
    %add3A_729 = arith.addf %add3A_719, %select_n3A_728 : vector<8x2048xf32>
    %get3A_730 = arith.constant 584 : index
    %get3A_731 = arith.constant 0 : index
    %get3A_732 = vector.load %arg1[%get3A_730, %get3A_731] : memref<1000x2048xf32, #tpu.memory_space<vmem>>, vector<8x2048xf32>
    %eq3A_733 = arith.constant 584 : i32
    %eq3A_734 = vector.broadcast %eq3A_733 : i32 to vector<8x2048xi32>
    %eq3A_735 = arith.cmpi eq, %sub3A_1, %eq3A_734 : vector<8x2048xi32>
    %jit3A_736 = arith.constant 0.000000e+00 : f32
    %broadcast_in_dim3A_737 = vector.broadcast %jit3A_736 : f32 to vector<8x2048xf32>
    %select_n3A_738 = arith.select %eq3A_735, %get3A_732, %broadcast_in_dim3A_737 : vector<8x2048xi1>, vector<8x2048xf32>
    %add3A_739 = arith.addf %add3A_729, %select_n3A_738 : vector<8x2048xf32>
    %get3A_740 = arith.constant 592 : index
    %get3A_741 = arith.constant 0 : index
    %get3A_742 = vector.load %arg1[%get3A_740, %get3A_741] : memref<1000x2048xf32, #tpu.memory_space<vmem>>, vector<8x2048xf32>
    %eq3A_743 = arith.constant 592 : i32
    %eq3A_744 = vector.broadcast %eq3A_743 : i32 to vector<8x2048xi32>
    %eq3A_745 = arith.cmpi eq, %sub3A_1, %eq3A_744 : vector<8x2048xi32>
    %jit3A_746 = arith.constant 0.000000e+00 : f32
    %broadcast_in_dim3A_747 = vector.broadcast %jit3A_746 : f32 to vector<8x2048xf32>
    %select_n3A_748 = arith.select %eq3A_745, %get3A_742, %broadcast_in_dim3A_747 : vector<8x2048xi1>, vector<8x2048xf32>
    %add3A_749 = arith.addf %add3A_739, %select_n3A_748 : vector<8x2048xf32>
    %get3A_750 = arith.constant 600 : index
    %get3A_751 = arith.constant 0 : index
    %get3A_752 = vector.load %arg1[%get3A_750, %get3A_751] : memref<1000x2048xf32, #tpu.memory_space<vmem>>, vector<8x2048xf32>
    %eq3A_753 = arith.constant 600 : i32
    %eq3A_754 = vector.broadcast %eq3A_753 : i32 to vector<8x2048xi32>
    %eq3A_755 = arith.cmpi eq, %sub3A_1, %eq3A_754 : vector<8x2048xi32>
    %jit3A_756 = arith.constant 0.000000e+00 : f32
    %broadcast_in_dim3A_757 = vector.broadcast %jit3A_756 : f32 to vector<8x2048xf32>
    %select_n3A_758 = arith.select %eq3A_755, %get3A_752, %broadcast_in_dim3A_757 : vector<8x2048xi1>, vector<8x2048xf32>
    %add3A_759 = arith.addf %add3A_749, %select_n3A_758 : vector<8x2048xf32>
    %get3A_760 = arith.constant 608 : index
    %get3A_761 = arith.constant 0 : index
    %get3A_762 = vector.load %arg1[%get3A_760, %get3A_761] : memref<1000x2048xf32, #tpu.memory_space<vmem>>, vector<8x2048xf32>
    %eq3A_763 = arith.constant 608 : i32
    %eq3A_764 = vector.broadcast %eq3A_763 : i32 to vector<8x2048xi32>
    %eq3A_765 = arith.cmpi eq, %sub3A_1, %eq3A_764 : vector<8x2048xi32>
    %jit3A_766 = arith.constant 0.000000e+00 : f32
    %broadcast_in_dim3A_767 = vector.broadcast %jit3A_766 : f32 to vector<8x2048xf32>
    %select_n3A_768 = arith.select %eq3A_765, %get3A_762, %broadcast_in_dim3A_767 : vector<8x2048xi1>, vector<8x2048xf32>
    %add3A_769 = arith.addf %add3A_759, %select_n3A_768 : vector<8x2048xf32>
    %get3A_770 = arith.constant 616 : index
    %get3A_771 = arith.constant 0 : index
    %get3A_772 = vector.load %arg1[%get3A_770, %get3A_771] : memref<1000x2048xf32, #tpu.memory_space<vmem>>, vector<8x2048xf32>
    %eq3A_773 = arith.constant 616 : i32
    %eq3A_774 = vector.broadcast %eq3A_773 : i32 to vector<8x2048xi32>
    %eq3A_775 = arith.cmpi eq, %sub3A_1, %eq3A_774 : vector<8x2048xi32>
    %jit3A_776 = arith.constant 0.000000e+00 : f32
    %broadcast_in_dim3A_777 = vector.broadcast %jit3A_776 : f32 to vector<8x2048xf32>
    %select_n3A_778 = arith.select %eq3A_775, %get3A_772, %broadcast_in_dim3A_777 : vector<8x2048xi1>, vector<8x2048xf32>
    %add3A_779 = arith.addf %add3A_769, %select_n3A_778 : vector<8x2048xf32>
    %get3A_780 = arith.constant 624 : index
    %get3A_781 = arith.constant 0 : index
    %get3A_782 = vector.load %arg1[%get3A_780, %get3A_781] : memref<1000x2048xf32, #tpu.memory_space<vmem>>, vector<8x2048xf32>
    %eq3A_783 = arith.constant 624 : i32
    %eq3A_784 = vector.broadcast %eq3A_783 : i32 to vector<8x2048xi32>
    %eq3A_785 = arith.cmpi eq, %sub3A_1, %eq3A_784 : vector<8x2048xi32>
    %jit3A_786 = arith.constant 0.000000e+00 : f32
    %broadcast_in_dim3A_787 = vector.broadcast %jit3A_786 : f32 to vector<8x2048xf32>
    %select_n3A_788 = arith.select %eq3A_785, %get3A_782, %broadcast_in_dim3A_787 : vector<8x2048xi1>, vector<8x2048xf32>
    %add3A_789 = arith.addf %add3A_779, %select_n3A_788 : vector<8x2048xf32>
    %get3A_790 = arith.constant 632 : index
    %get3A_791 = arith.constant 0 : index
    %get3A_792 = vector.load %arg1[%get3A_790, %get3A_791] : memref<1000x2048xf32, #tpu.memory_space<vmem>>, vector<8x2048xf32>
    %eq3A_793 = arith.constant 632 : i32
    %eq3A_794 = vector.broadcast %eq3A_793 : i32 to vector<8x2048xi32>
    %eq3A_795 = arith.cmpi eq, %sub3A_1, %eq3A_794 : vector<8x2048xi32>
    %jit3A_796 = arith.constant 0.000000e+00 : f32
    %broadcast_in_dim3A_797 = vector.broadcast %jit3A_796 : f32 to vector<8x2048xf32>
    %select_n3A_798 = arith.select %eq3A_795, %get3A_792, %broadcast_in_dim3A_797 : vector<8x2048xi1>, vector<8x2048xf32>
    %add3A_799 = arith.addf %add3A_789, %select_n3A_798 : vector<8x2048xf32>
    %get3A_800 = arith.constant 640 : index
    %get3A_801 = arith.constant 0 : index
    %get3A_802 = vector.load %arg1[%get3A_800, %get3A_801] : memref<1000x2048xf32, #tpu.memory_space<vmem>>, vector<8x2048xf32>
    %eq3A_803 = arith.constant 640 : i32
    %eq3A_804 = vector.broadcast %eq3A_803 : i32 to vector<8x2048xi32>
    %eq3A_805 = arith.cmpi eq, %sub3A_1, %eq3A_804 : vector<8x2048xi32>
    %jit3A_806 = arith.constant 0.000000e+00 : f32
    %broadcast_in_dim3A_807 = vector.broadcast %jit3A_806 : f32 to vector<8x2048xf32>
    %select_n3A_808 = arith.select %eq3A_805, %get3A_802, %broadcast_in_dim3A_807 : vector<8x2048xi1>, vector<8x2048xf32>
    %add3A_809 = arith.addf %add3A_799, %select_n3A_808 : vector<8x2048xf32>
    %get3A_810 = arith.constant 648 : index
    %get3A_811 = arith.constant 0 : index
    %get3A_812 = vector.load %arg1[%get3A_810, %get3A_811] : memref<1000x2048xf32, #tpu.memory_space<vmem>>, vector<8x2048xf32>
    %eq3A_813 = arith.constant 648 : i32
    %eq3A_814 = vector.broadcast %eq3A_813 : i32 to vector<8x2048xi32>
    %eq3A_815 = arith.cmpi eq, %sub3A_1, %eq3A_814 : vector<8x2048xi32>
    %jit3A_816 = arith.constant 0.000000e+00 : f32
    %broadcast_in_dim3A_817 = vector.broadcast %jit3A_816 : f32 to vector<8x2048xf32>
    %select_n3A_818 = arith.select %eq3A_815, %get3A_812, %broadcast_in_dim3A_817 : vector<8x2048xi1>, vector<8x2048xf32>
    %add3A_819 = arith.addf %add3A_809, %select_n3A_818 : vector<8x2048xf32>
    %get3A_820 = arith.constant 656 : index
    %get3A_821 = arith.constant 0 : index
    %get3A_822 = vector.load %arg1[%get3A_820, %get3A_821] : memref<1000x2048xf32, #tpu.memory_space<vmem>>, vector<8x2048xf32>
    %eq3A_823 = arith.constant 656 : i32
    %eq3A_824 = vector.broadcast %eq3A_823 : i32 to vector<8x2048xi32>
    %eq3A_825 = arith.cmpi eq, %sub3A_1, %eq3A_824 : vector<8x2048xi32>
    %jit3A_826 = arith.constant 0.000000e+00 : f32
    %broadcast_in_dim3A_827 = vector.broadcast %jit3A_826 : f32 to vector<8x2048xf32>
    %select_n3A_828 = arith.select %eq3A_825, %get3A_822, %broadcast_in_dim3A_827 : vector<8x2048xi1>, vector<8x2048xf32>
    %add3A_829 = arith.addf %add3A_819, %select_n3A_828 : vector<8x2048xf32>
    %get3A_830 = arith.constant 664 : index
    %get3A_831 = arith.constant 0 : index
    %get3A_832 = vector.load %arg1[%get3A_830, %get3A_831] : memref<1000x2048xf32, #tpu.memory_space<vmem>>, vector<8x2048xf32>
    %eq3A_833 = arith.constant 664 : i32
    %eq3A_834 = vector.broadcast %eq3A_833 : i32 to vector<8x2048xi32>
    %eq3A_835 = arith.cmpi eq, %sub3A_1, %eq3A_834 : vector<8x2048xi32>
    %jit3A_836 = arith.constant 0.000000e+00 : f32
    %broadcast_in_dim3A_837 = vector.broadcast %jit3A_836 : f32 to vector<8x2048xf32>
    %select_n3A_838 = arith.select %eq3A_835, %get3A_832, %broadcast_in_dim3A_837 : vector<8x2048xi1>, vector<8x2048xf32>
    %add3A_839 = arith.addf %add3A_829, %select_n3A_838 : vector<8x2048xf32>
    %get3A_840 = arith.constant 672 : index
    %get3A_841 = arith.constant 0 : index
    %get3A_842 = vector.load %arg1[%get3A_840, %get3A_841] : memref<1000x2048xf32, #tpu.memory_space<vmem>>, vector<8x2048xf32>
    %eq3A_843 = arith.constant 672 : i32
    %eq3A_844 = vector.broadcast %eq3A_843 : i32 to vector<8x2048xi32>
    %eq3A_845 = arith.cmpi eq, %sub3A_1, %eq3A_844 : vector<8x2048xi32>
    %jit3A_846 = arith.constant 0.000000e+00 : f32
    %broadcast_in_dim3A_847 = vector.broadcast %jit3A_846 : f32 to vector<8x2048xf32>
    %select_n3A_848 = arith.select %eq3A_845, %get3A_842, %broadcast_in_dim3A_847 : vector<8x2048xi1>, vector<8x2048xf32>
    %add3A_849 = arith.addf %add3A_839, %select_n3A_848 : vector<8x2048xf32>
    %get3A_850 = arith.constant 680 : index
    %get3A_851 = arith.constant 0 : index
    %get3A_852 = vector.load %arg1[%get3A_850, %get3A_851] : memref<1000x2048xf32, #tpu.memory_space<vmem>>, vector<8x2048xf32>
    %eq3A_853 = arith.constant 680 : i32
    %eq3A_854 = vector.broadcast %eq3A_853 : i32 to vector<8x2048xi32>
    %eq3A_855 = arith.cmpi eq, %sub3A_1, %eq3A_854 : vector<8x2048xi32>
    %jit3A_856 = arith.constant 0.000000e+00 : f32
    %broadcast_in_dim3A_857 = vector.broadcast %jit3A_856 : f32 to vector<8x2048xf32>
    %select_n3A_858 = arith.select %eq3A_855, %get3A_852, %broadcast_in_dim3A_857 : vector<8x2048xi1>, vector<8x2048xf32>
    %add3A_859 = arith.addf %add3A_849, %select_n3A_858 : vector<8x2048xf32>
    %get3A_860 = arith.constant 688 : index
    %get3A_861 = arith.constant 0 : index
    %get3A_862 = vector.load %arg1[%get3A_860, %get3A_861] : memref<1000x2048xf32, #tpu.memory_space<vmem>>, vector<8x2048xf32>
    %eq3A_863 = arith.constant 688 : i32
    %eq3A_864 = vector.broadcast %eq3A_863 : i32 to vector<8x2048xi32>
    %eq3A_865 = arith.cmpi eq, %sub3A_1, %eq3A_864 : vector<8x2048xi32>
    %jit3A_866 = arith.constant 0.000000e+00 : f32
    %broadcast_in_dim3A_867 = vector.broadcast %jit3A_866 : f32 to vector<8x2048xf32>
    %select_n3A_868 = arith.select %eq3A_865, %get3A_862, %broadcast_in_dim3A_867 : vector<8x2048xi1>, vector<8x2048xf32>
    %add3A_869 = arith.addf %add3A_859, %select_n3A_868 : vector<8x2048xf32>
    %get3A_870 = arith.constant 696 : index
    %get3A_871 = arith.constant 0 : index
    %get3A_872 = vector.load %arg1[%get3A_870, %get3A_871] : memref<1000x2048xf32, #tpu.memory_space<vmem>>, vector<8x2048xf32>
    %eq3A_873 = arith.constant 696 : i32
    %eq3A_874 = vector.broadcast %eq3A_873 : i32 to vector<8x2048xi32>
    %eq3A_875 = arith.cmpi eq, %sub3A_1, %eq3A_874 : vector<8x2048xi32>
    %jit3A_876 = arith.constant 0.000000e+00 : f32
    %broadcast_in_dim3A_877 = vector.broadcast %jit3A_876 : f32 to vector<8x2048xf32>
    %select_n3A_878 = arith.select %eq3A_875, %get3A_872, %broadcast_in_dim3A_877 : vector<8x2048xi1>, vector<8x2048xf32>
    %add3A_879 = arith.addf %add3A_869, %select_n3A_878 : vector<8x2048xf32>
    %get3A_880 = arith.constant 704 : index
    %get3A_881 = arith.constant 0 : index
    %get3A_882 = vector.load %arg1[%get3A_880, %get3A_881] : memref<1000x2048xf32, #tpu.memory_space<vmem>>, vector<8x2048xf32>
    %eq3A_883 = arith.constant 704 : i32
    %eq3A_884 = vector.broadcast %eq3A_883 : i32 to vector<8x2048xi32>
    %eq3A_885 = arith.cmpi eq, %sub3A_1, %eq3A_884 : vector<8x2048xi32>
    %jit3A_886 = arith.constant 0.000000e+00 : f32
    %broadcast_in_dim3A_887 = vector.broadcast %jit3A_886 : f32 to vector<8x2048xf32>
    %select_n3A_888 = arith.select %eq3A_885, %get3A_882, %broadcast_in_dim3A_887 : vector<8x2048xi1>, vector<8x2048xf32>
    %add3A_889 = arith.addf %add3A_879, %select_n3A_888 : vector<8x2048xf32>
    %get3A_890 = arith.constant 712 : index
    %get3A_891 = arith.constant 0 : index
    %get3A_892 = vector.load %arg1[%get3A_890, %get3A_891] : memref<1000x2048xf32, #tpu.memory_space<vmem>>, vector<8x2048xf32>
    %eq3A_893 = arith.constant 712 : i32
    %eq3A_894 = vector.broadcast %eq3A_893 : i32 to vector<8x2048xi32>
    %eq3A_895 = arith.cmpi eq, %sub3A_1, %eq3A_894 : vector<8x2048xi32>
    %jit3A_896 = arith.constant 0.000000e+00 : f32
    %broadcast_in_dim3A_897 = vector.broadcast %jit3A_896 : f32 to vector<8x2048xf32>
    %select_n3A_898 = arith.select %eq3A_895, %get3A_892, %broadcast_in_dim3A_897 : vector<8x2048xi1>, vector<8x2048xf32>
    %add3A_899 = arith.addf %add3A_889, %select_n3A_898 : vector<8x2048xf32>
    %get3A_900 = arith.constant 720 : index
    %get3A_901 = arith.constant 0 : index
    %get3A_902 = vector.load %arg1[%get3A_900, %get3A_901] : memref<1000x2048xf32, #tpu.memory_space<vmem>>, vector<8x2048xf32>
    %eq3A_903 = arith.constant 720 : i32
    %eq3A_904 = vector.broadcast %eq3A_903 : i32 to vector<8x2048xi32>
    %eq3A_905 = arith.cmpi eq, %sub3A_1, %eq3A_904 : vector<8x2048xi32>
    %jit3A_906 = arith.constant 0.000000e+00 : f32
    %broadcast_in_dim3A_907 = vector.broadcast %jit3A_906 : f32 to vector<8x2048xf32>
    %select_n3A_908 = arith.select %eq3A_905, %get3A_902, %broadcast_in_dim3A_907 : vector<8x2048xi1>, vector<8x2048xf32>
    %add3A_909 = arith.addf %add3A_899, %select_n3A_908 : vector<8x2048xf32>
    %get3A_910 = arith.constant 728 : index
    %get3A_911 = arith.constant 0 : index
    %get3A_912 = vector.load %arg1[%get3A_910, %get3A_911] : memref<1000x2048xf32, #tpu.memory_space<vmem>>, vector<8x2048xf32>
    %eq3A_913 = arith.constant 728 : i32
    %eq3A_914 = vector.broadcast %eq3A_913 : i32 to vector<8x2048xi32>
    %eq3A_915 = arith.cmpi eq, %sub3A_1, %eq3A_914 : vector<8x2048xi32>
    %jit3A_916 = arith.constant 0.000000e+00 : f32
    %broadcast_in_dim3A_917 = vector.broadcast %jit3A_916 : f32 to vector<8x2048xf32>
    %select_n3A_918 = arith.select %eq3A_915, %get3A_912, %broadcast_in_dim3A_917 : vector<8x2048xi1>, vector<8x2048xf32>
    %add3A_919 = arith.addf %add3A_909, %select_n3A_918 : vector<8x2048xf32>
    %get3A_920 = arith.constant 736 : index
    %get3A_921 = arith.constant 0 : index
    %get3A_922 = vector.load %arg1[%get3A_920, %get3A_921] : memref<1000x2048xf32, #tpu.memory_space<vmem>>, vector<8x2048xf32>
    %eq3A_923 = arith.constant 736 : i32
    %eq3A_924 = vector.broadcast %eq3A_923 : i32 to vector<8x2048xi32>
    %eq3A_925 = arith.cmpi eq, %sub3A_1, %eq3A_924 : vector<8x2048xi32>
    %jit3A_926 = arith.constant 0.000000e+00 : f32
    %broadcast_in_dim3A_927 = vector.broadcast %jit3A_926 : f32 to vector<8x2048xf32>
    %select_n3A_928 = arith.select %eq3A_925, %get3A_922, %broadcast_in_dim3A_927 : vector<8x2048xi1>, vector<8x2048xf32>
    %add3A_929 = arith.addf %add3A_919, %select_n3A_928 : vector<8x2048xf32>
    %get3A_930 = arith.constant 744 : index
    %get3A_931 = arith.constant 0 : index
    %get3A_932 = vector.load %arg1[%get3A_930, %get3A_931] : memref<1000x2048xf32, #tpu.memory_space<vmem>>, vector<8x2048xf32>
    %eq3A_933 = arith.constant 744 : i32
    %eq3A_934 = vector.broadcast %eq3A_933 : i32 to vector<8x2048xi32>
    %eq3A_935 = arith.cmpi eq, %sub3A_1, %eq3A_934 : vector<8x2048xi32>
    %jit3A_936 = arith.constant 0.000000e+00 : f32
    %broadcast_in_dim3A_937 = vector.broadcast %jit3A_936 : f32 to vector<8x2048xf32>
    %select_n3A_938 = arith.select %eq3A_935, %get3A_932, %broadcast_in_dim3A_937 : vector<8x2048xi1>, vector<8x2048xf32>
    %add3A_939 = arith.addf %add3A_929, %select_n3A_938 : vector<8x2048xf32>
    %get3A_940 = arith.constant 752 : index
    %get3A_941 = arith.constant 0 : index
    %get3A_942 = vector.load %arg1[%get3A_940, %get3A_941] : memref<1000x2048xf32, #tpu.memory_space<vmem>>, vector<8x2048xf32>
    %eq3A_943 = arith.constant 752 : i32
    %eq3A_944 = vector.broadcast %eq3A_943 : i32 to vector<8x2048xi32>
    %eq3A_945 = arith.cmpi eq, %sub3A_1, %eq3A_944 : vector<8x2048xi32>
    %jit3A_946 = arith.constant 0.000000e+00 : f32
    %broadcast_in_dim3A_947 = vector.broadcast %jit3A_946 : f32 to vector<8x2048xf32>
    %select_n3A_948 = arith.select %eq3A_945, %get3A_942, %broadcast_in_dim3A_947 : vector<8x2048xi1>, vector<8x2048xf32>
    %add3A_949 = arith.addf %add3A_939, %select_n3A_948 : vector<8x2048xf32>
    %get3A_950 = arith.constant 760 : index
    %get3A_951 = arith.constant 0 : index
    %get3A_952 = vector.load %arg1[%get3A_950, %get3A_951] : memref<1000x2048xf32, #tpu.memory_space<vmem>>, vector<8x2048xf32>
    %eq3A_953 = arith.constant 760 : i32
    %eq3A_954 = vector.broadcast %eq3A_953 : i32 to vector<8x2048xi32>
    %eq3A_955 = arith.cmpi eq, %sub3A_1, %eq3A_954 : vector<8x2048xi32>
    %jit3A_956 = arith.constant 0.000000e+00 : f32
    %broadcast_in_dim3A_957 = vector.broadcast %jit3A_956 : f32 to vector<8x2048xf32>
    %select_n3A_958 = arith.select %eq3A_955, %get3A_952, %broadcast_in_dim3A_957 : vector<8x2048xi1>, vector<8x2048xf32>
    %add3A_959 = arith.addf %add3A_949, %select_n3A_958 : vector<8x2048xf32>
    %get3A_960 = arith.constant 768 : index
    %get3A_961 = arith.constant 0 : index
    %get3A_962 = vector.load %arg1[%get3A_960, %get3A_961] : memref<1000x2048xf32, #tpu.memory_space<vmem>>, vector<8x2048xf32>
    %eq3A_963 = arith.constant 768 : i32
    %eq3A_964 = vector.broadcast %eq3A_963 : i32 to vector<8x2048xi32>
    %eq3A_965 = arith.cmpi eq, %sub3A_1, %eq3A_964 : vector<8x2048xi32>
    %jit3A_966 = arith.constant 0.000000e+00 : f32
    %broadcast_in_dim3A_967 = vector.broadcast %jit3A_966 : f32 to vector<8x2048xf32>
    %select_n3A_968 = arith.select %eq3A_965, %get3A_962, %broadcast_in_dim3A_967 : vector<8x2048xi1>, vector<8x2048xf32>
    %add3A_969 = arith.addf %add3A_959, %select_n3A_968 : vector<8x2048xf32>
    %get3A_970 = arith.constant 776 : index
    %get3A_971 = arith.constant 0 : index
    %get3A_972 = vector.load %arg1[%get3A_970, %get3A_971] : memref<1000x2048xf32, #tpu.memory_space<vmem>>, vector<8x2048xf32>
    %eq3A_973 = arith.constant 776 : i32
    %eq3A_974 = vector.broadcast %eq3A_973 : i32 to vector<8x2048xi32>
    %eq3A_975 = arith.cmpi eq, %sub3A_1, %eq3A_974 : vector<8x2048xi32>
    %jit3A_976 = arith.constant 0.000000e+00 : f32
    %broadcast_in_dim3A_977 = vector.broadcast %jit3A_976 : f32 to vector<8x2048xf32>
    %select_n3A_978 = arith.select %eq3A_975, %get3A_972, %broadcast_in_dim3A_977 : vector<8x2048xi1>, vector<8x2048xf32>
    %add3A_979 = arith.addf %add3A_969, %select_n3A_978 : vector<8x2048xf32>
    %get3A_980 = arith.constant 784 : index
    %get3A_981 = arith.constant 0 : index
    %get3A_982 = vector.load %arg1[%get3A_980, %get3A_981] : memref<1000x2048xf32, #tpu.memory_space<vmem>>, vector<8x2048xf32>
    %eq3A_983 = arith.constant 784 : i32
    %eq3A_984 = vector.broadcast %eq3A_983 : i32 to vector<8x2048xi32>
    %eq3A_985 = arith.cmpi eq, %sub3A_1, %eq3A_984 : vector<8x2048xi32>
    %jit3A_986 = arith.constant 0.000000e+00 : f32
    %broadcast_in_dim3A_987 = vector.broadcast %jit3A_986 : f32 to vector<8x2048xf32>
    %select_n3A_988 = arith.select %eq3A_985, %get3A_982, %broadcast_in_dim3A_987 : vector<8x2048xi1>, vector<8x2048xf32>
    %add3A_989 = arith.addf %add3A_979, %select_n3A_988 : vector<8x2048xf32>
    %get3A_990 = arith.constant 792 : index
    %get3A_991 = arith.constant 0 : index
    %get3A_992 = vector.load %arg1[%get3A_990, %get3A_991] : memref<1000x2048xf32, #tpu.memory_space<vmem>>, vector<8x2048xf32>
    %eq3A_993 = arith.constant 792 : i32
    %eq3A_994 = vector.broadcast %eq3A_993 : i32 to vector<8x2048xi32>
    %eq3A_995 = arith.cmpi eq, %sub3A_1, %eq3A_994 : vector<8x2048xi32>
    %jit3A_996 = arith.constant 0.000000e+00 : f32
    %broadcast_in_dim3A_997 = vector.broadcast %jit3A_996 : f32 to vector<8x2048xf32>
    %select_n3A_998 = arith.select %eq3A_995, %get3A_992, %broadcast_in_dim3A_997 : vector<8x2048xi1>, vector<8x2048xf32>
    %add3A_999 = arith.addf %add3A_989, %select_n3A_998 : vector<8x2048xf32>
    %get3A_1000 = arith.constant 800 : index
    %get3A_1001 = arith.constant 0 : index
    %get3A_1002 = vector.load %arg1[%get3A_1000, %get3A_1001] : memref<1000x2048xf32, #tpu.memory_space<vmem>>, vector<8x2048xf32>
    %eq3A_1003 = arith.constant 800 : i32
    %eq3A_1004 = vector.broadcast %eq3A_1003 : i32 to vector<8x2048xi32>
    %eq3A_1005 = arith.cmpi eq, %sub3A_1, %eq3A_1004 : vector<8x2048xi32>
    %jit3A_1006 = arith.constant 0.000000e+00 : f32
    %broadcast_in_dim3A_1007 = vector.broadcast %jit3A_1006 : f32 to vector<8x2048xf32>
    %select_n3A_1008 = arith.select %eq3A_1005, %get3A_1002, %broadcast_in_dim3A_1007 : vector<8x2048xi1>, vector<8x2048xf32>
    %add3A_1009 = arith.addf %add3A_999, %select_n3A_1008 : vector<8x2048xf32>
    %get3A_1010 = arith.constant 808 : index
    %get3A_1011 = arith.constant 0 : index
    %get3A_1012 = vector.load %arg1[%get3A_1010, %get3A_1011] : memref<1000x2048xf32, #tpu.memory_space<vmem>>, vector<8x2048xf32>
    %eq3A_1013 = arith.constant 808 : i32
    %eq3A_1014 = vector.broadcast %eq3A_1013 : i32 to vector<8x2048xi32>
    %eq3A_1015 = arith.cmpi eq, %sub3A_1, %eq3A_1014 : vector<8x2048xi32>
    %jit3A_1016 = arith.constant 0.000000e+00 : f32
    %broadcast_in_dim3A_1017 = vector.broadcast %jit3A_1016 : f32 to vector<8x2048xf32>
    %select_n3A_1018 = arith.select %eq3A_1015, %get3A_1012, %broadcast_in_dim3A_1017 : vector<8x2048xi1>, vector<8x2048xf32>
    %add3A_1019 = arith.addf %add3A_1009, %select_n3A_1018 : vector<8x2048xf32>
    %get3A_1020 = arith.constant 816 : index
    %get3A_1021 = arith.constant 0 : index
    %get3A_1022 = vector.load %arg1[%get3A_1020, %get3A_1021] : memref<1000x2048xf32, #tpu.memory_space<vmem>>, vector<8x2048xf32>
    %eq3A_1023 = arith.constant 816 : i32
    %eq3A_1024 = vector.broadcast %eq3A_1023 : i32 to vector<8x2048xi32>
    %eq3A_1025 = arith.cmpi eq, %sub3A_1, %eq3A_1024 : vector<8x2048xi32>
    %jit3A_1026 = arith.constant 0.000000e+00 : f32
    %broadcast_in_dim3A_1027 = vector.broadcast %jit3A_1026 : f32 to vector<8x2048xf32>
    %select_n3A_1028 = arith.select %eq3A_1025, %get3A_1022, %broadcast_in_dim3A_1027 : vector<8x2048xi1>, vector<8x2048xf32>
    %add3A_1029 = arith.addf %add3A_1019, %select_n3A_1028 : vector<8x2048xf32>
    %get3A_1030 = arith.constant 824 : index
    %get3A_1031 = arith.constant 0 : index
    %get3A_1032 = vector.load %arg1[%get3A_1030, %get3A_1031] : memref<1000x2048xf32, #tpu.memory_space<vmem>>, vector<8x2048xf32>
    %eq3A_1033 = arith.constant 824 : i32
    %eq3A_1034 = vector.broadcast %eq3A_1033 : i32 to vector<8x2048xi32>
    %eq3A_1035 = arith.cmpi eq, %sub3A_1, %eq3A_1034 : vector<8x2048xi32>
    %jit3A_1036 = arith.constant 0.000000e+00 : f32
    %broadcast_in_dim3A_1037 = vector.broadcast %jit3A_1036 : f32 to vector<8x2048xf32>
    %select_n3A_1038 = arith.select %eq3A_1035, %get3A_1032, %broadcast_in_dim3A_1037 : vector<8x2048xi1>, vector<8x2048xf32>
    %add3A_1039 = arith.addf %add3A_1029, %select_n3A_1038 : vector<8x2048xf32>
    %get3A_1040 = arith.constant 832 : index
    %get3A_1041 = arith.constant 0 : index
    %get3A_1042 = vector.load %arg1[%get3A_1040, %get3A_1041] : memref<1000x2048xf32, #tpu.memory_space<vmem>>, vector<8x2048xf32>
    %eq3A_1043 = arith.constant 832 : i32
    %eq3A_1044 = vector.broadcast %eq3A_1043 : i32 to vector<8x2048xi32>
    %eq3A_1045 = arith.cmpi eq, %sub3A_1, %eq3A_1044 : vector<8x2048xi32>
    %jit3A_1046 = arith.constant 0.000000e+00 : f32
    %broadcast_in_dim3A_1047 = vector.broadcast %jit3A_1046 : f32 to vector<8x2048xf32>
    %select_n3A_1048 = arith.select %eq3A_1045, %get3A_1042, %broadcast_in_dim3A_1047 : vector<8x2048xi1>, vector<8x2048xf32>
    %add3A_1049 = arith.addf %add3A_1039, %select_n3A_1048 : vector<8x2048xf32>
    %get3A_1050 = arith.constant 840 : index
    %get3A_1051 = arith.constant 0 : index
    %get3A_1052 = vector.load %arg1[%get3A_1050, %get3A_1051] : memref<1000x2048xf32, #tpu.memory_space<vmem>>, vector<8x2048xf32>
    %eq3A_1053 = arith.constant 840 : i32
    %eq3A_1054 = vector.broadcast %eq3A_1053 : i32 to vector<8x2048xi32>
    %eq3A_1055 = arith.cmpi eq, %sub3A_1, %eq3A_1054 : vector<8x2048xi32>
    %jit3A_1056 = arith.constant 0.000000e+00 : f32
    %broadcast_in_dim3A_1057 = vector.broadcast %jit3A_1056 : f32 to vector<8x2048xf32>
    %select_n3A_1058 = arith.select %eq3A_1055, %get3A_1052, %broadcast_in_dim3A_1057 : vector<8x2048xi1>, vector<8x2048xf32>
    %add3A_1059 = arith.addf %add3A_1049, %select_n3A_1058 : vector<8x2048xf32>
    %get3A_1060 = arith.constant 848 : index
    %get3A_1061 = arith.constant 0 : index
    %get3A_1062 = vector.load %arg1[%get3A_1060, %get3A_1061] : memref<1000x2048xf32, #tpu.memory_space<vmem>>, vector<8x2048xf32>
    %eq3A_1063 = arith.constant 848 : i32
    %eq3A_1064 = vector.broadcast %eq3A_1063 : i32 to vector<8x2048xi32>
    %eq3A_1065 = arith.cmpi eq, %sub3A_1, %eq3A_1064 : vector<8x2048xi32>
    %jit3A_1066 = arith.constant 0.000000e+00 : f32
    %broadcast_in_dim3A_1067 = vector.broadcast %jit3A_1066 : f32 to vector<8x2048xf32>
    %select_n3A_1068 = arith.select %eq3A_1065, %get3A_1062, %broadcast_in_dim3A_1067 : vector<8x2048xi1>, vector<8x2048xf32>
    %add3A_1069 = arith.addf %add3A_1059, %select_n3A_1068 : vector<8x2048xf32>
    %get3A_1070 = arith.constant 856 : index
    %get3A_1071 = arith.constant 0 : index
    %get3A_1072 = vector.load %arg1[%get3A_1070, %get3A_1071] : memref<1000x2048xf32, #tpu.memory_space<vmem>>, vector<8x2048xf32>
    %eq3A_1073 = arith.constant 856 : i32
    %eq3A_1074 = vector.broadcast %eq3A_1073 : i32 to vector<8x2048xi32>
    %eq3A_1075 = arith.cmpi eq, %sub3A_1, %eq3A_1074 : vector<8x2048xi32>
    %jit3A_1076 = arith.constant 0.000000e+00 : f32
    %broadcast_in_dim3A_1077 = vector.broadcast %jit3A_1076 : f32 to vector<8x2048xf32>
    %select_n3A_1078 = arith.select %eq3A_1075, %get3A_1072, %broadcast_in_dim3A_1077 : vector<8x2048xi1>, vector<8x2048xf32>
    %add3A_1079 = arith.addf %add3A_1069, %select_n3A_1078 : vector<8x2048xf32>
    %get3A_1080 = arith.constant 864 : index
    %get3A_1081 = arith.constant 0 : index
    %get3A_1082 = vector.load %arg1[%get3A_1080, %get3A_1081] : memref<1000x2048xf32, #tpu.memory_space<vmem>>, vector<8x2048xf32>
    %eq3A_1083 = arith.constant 864 : i32
    %eq3A_1084 = vector.broadcast %eq3A_1083 : i32 to vector<8x2048xi32>
    %eq3A_1085 = arith.cmpi eq, %sub3A_1, %eq3A_1084 : vector<8x2048xi32>
    %jit3A_1086 = arith.constant 0.000000e+00 : f32
    %broadcast_in_dim3A_1087 = vector.broadcast %jit3A_1086 : f32 to vector<8x2048xf32>
    %select_n3A_1088 = arith.select %eq3A_1085, %get3A_1082, %broadcast_in_dim3A_1087 : vector<8x2048xi1>, vector<8x2048xf32>
    %add3A_1089 = arith.addf %add3A_1079, %select_n3A_1088 : vector<8x2048xf32>
    %get3A_1090 = arith.constant 872 : index
    %get3A_1091 = arith.constant 0 : index
    %get3A_1092 = vector.load %arg1[%get3A_1090, %get3A_1091] : memref<1000x2048xf32, #tpu.memory_space<vmem>>, vector<8x2048xf32>
    %eq3A_1093 = arith.constant 872 : i32
    %eq3A_1094 = vector.broadcast %eq3A_1093 : i32 to vector<8x2048xi32>
    %eq3A_1095 = arith.cmpi eq, %sub3A_1, %eq3A_1094 : vector<8x2048xi32>
    %jit3A_1096 = arith.constant 0.000000e+00 : f32
    %broadcast_in_dim3A_1097 = vector.broadcast %jit3A_1096 : f32 to vector<8x2048xf32>
    %select_n3A_1098 = arith.select %eq3A_1095, %get3A_1092, %broadcast_in_dim3A_1097 : vector<8x2048xi1>, vector<8x2048xf32>
    %add3A_1099 = arith.addf %add3A_1089, %select_n3A_1098 : vector<8x2048xf32>
    %get3A_1100 = arith.constant 880 : index
    %get3A_1101 = arith.constant 0 : index
    %get3A_1102 = vector.load %arg1[%get3A_1100, %get3A_1101] : memref<1000x2048xf32, #tpu.memory_space<vmem>>, vector<8x2048xf32>
    %eq3A_1103 = arith.constant 880 : i32
    %eq3A_1104 = vector.broadcast %eq3A_1103 : i32 to vector<8x2048xi32>
    %eq3A_1105 = arith.cmpi eq, %sub3A_1, %eq3A_1104 : vector<8x2048xi32>
    %jit3A_1106 = arith.constant 0.000000e+00 : f32
    %broadcast_in_dim3A_1107 = vector.broadcast %jit3A_1106 : f32 to vector<8x2048xf32>
    %select_n3A_1108 = arith.select %eq3A_1105, %get3A_1102, %broadcast_in_dim3A_1107 : vector<8x2048xi1>, vector<8x2048xf32>
    %add3A_1109 = arith.addf %add3A_1099, %select_n3A_1108 : vector<8x2048xf32>
    %get3A_1110 = arith.constant 888 : index
    %get3A_1111 = arith.constant 0 : index
    %get3A_1112 = vector.load %arg1[%get3A_1110, %get3A_1111] : memref<1000x2048xf32, #tpu.memory_space<vmem>>, vector<8x2048xf32>
    %eq3A_1113 = arith.constant 888 : i32
    %eq3A_1114 = vector.broadcast %eq3A_1113 : i32 to vector<8x2048xi32>
    %eq3A_1115 = arith.cmpi eq, %sub3A_1, %eq3A_1114 : vector<8x2048xi32>
    %jit3A_1116 = arith.constant 0.000000e+00 : f32
    %broadcast_in_dim3A_1117 = vector.broadcast %jit3A_1116 : f32 to vector<8x2048xf32>
    %select_n3A_1118 = arith.select %eq3A_1115, %get3A_1112, %broadcast_in_dim3A_1117 : vector<8x2048xi1>, vector<8x2048xf32>
    %add3A_1119 = arith.addf %add3A_1109, %select_n3A_1118 : vector<8x2048xf32>
    %get3A_1120 = arith.constant 896 : index
    %get3A_1121 = arith.constant 0 : index
    %get3A_1122 = vector.load %arg1[%get3A_1120, %get3A_1121] : memref<1000x2048xf32, #tpu.memory_space<vmem>>, vector<8x2048xf32>
    %eq3A_1123 = arith.constant 896 : i32
    %eq3A_1124 = vector.broadcast %eq3A_1123 : i32 to vector<8x2048xi32>
    %eq3A_1125 = arith.cmpi eq, %sub3A_1, %eq3A_1124 : vector<8x2048xi32>
    %jit3A_1126 = arith.constant 0.000000e+00 : f32
    %broadcast_in_dim3A_1127 = vector.broadcast %jit3A_1126 : f32 to vector<8x2048xf32>
    %select_n3A_1128 = arith.select %eq3A_1125, %get3A_1122, %broadcast_in_dim3A_1127 : vector<8x2048xi1>, vector<8x2048xf32>
    %add3A_1129 = arith.addf %add3A_1119, %select_n3A_1128 : vector<8x2048xf32>
    %get3A_1130 = arith.constant 904 : index
    %get3A_1131 = arith.constant 0 : index
    %get3A_1132 = vector.load %arg1[%get3A_1130, %get3A_1131] : memref<1000x2048xf32, #tpu.memory_space<vmem>>, vector<8x2048xf32>
    %eq3A_1133 = arith.constant 904 : i32
    %eq3A_1134 = vector.broadcast %eq3A_1133 : i32 to vector<8x2048xi32>
    %eq3A_1135 = arith.cmpi eq, %sub3A_1, %eq3A_1134 : vector<8x2048xi32>
    %jit3A_1136 = arith.constant 0.000000e+00 : f32
    %broadcast_in_dim3A_1137 = vector.broadcast %jit3A_1136 : f32 to vector<8x2048xf32>
    %select_n3A_1138 = arith.select %eq3A_1135, %get3A_1132, %broadcast_in_dim3A_1137 : vector<8x2048xi1>, vector<8x2048xf32>
    %add3A_1139 = arith.addf %add3A_1129, %select_n3A_1138 : vector<8x2048xf32>
    %get3A_1140 = arith.constant 912 : index
    %get3A_1141 = arith.constant 0 : index
    %get3A_1142 = vector.load %arg1[%get3A_1140, %get3A_1141] : memref<1000x2048xf32, #tpu.memory_space<vmem>>, vector<8x2048xf32>
    %eq3A_1143 = arith.constant 912 : i32
    %eq3A_1144 = vector.broadcast %eq3A_1143 : i32 to vector<8x2048xi32>
    %eq3A_1145 = arith.cmpi eq, %sub3A_1, %eq3A_1144 : vector<8x2048xi32>
    %jit3A_1146 = arith.constant 0.000000e+00 : f32
    %broadcast_in_dim3A_1147 = vector.broadcast %jit3A_1146 : f32 to vector<8x2048xf32>
    %select_n3A_1148 = arith.select %eq3A_1145, %get3A_1142, %broadcast_in_dim3A_1147 : vector<8x2048xi1>, vector<8x2048xf32>
    %add3A_1149 = arith.addf %add3A_1139, %select_n3A_1148 : vector<8x2048xf32>
    %get3A_1150 = arith.constant 920 : index
    %get3A_1151 = arith.constant 0 : index
    %get3A_1152 = vector.load %arg1[%get3A_1150, %get3A_1151] : memref<1000x2048xf32, #tpu.memory_space<vmem>>, vector<8x2048xf32>
    %eq3A_1153 = arith.constant 920 : i32
    %eq3A_1154 = vector.broadcast %eq3A_1153 : i32 to vector<8x2048xi32>
    %eq3A_1155 = arith.cmpi eq, %sub3A_1, %eq3A_1154 : vector<8x2048xi32>
    %jit3A_1156 = arith.constant 0.000000e+00 : f32
    %broadcast_in_dim3A_1157 = vector.broadcast %jit3A_1156 : f32 to vector<8x2048xf32>
    %select_n3A_1158 = arith.select %eq3A_1155, %get3A_1152, %broadcast_in_dim3A_1157 : vector<8x2048xi1>, vector<8x2048xf32>
    %add3A_1159 = arith.addf %add3A_1149, %select_n3A_1158 : vector<8x2048xf32>
    %get3A_1160 = arith.constant 928 : index
    %get3A_1161 = arith.constant 0 : index
    %get3A_1162 = vector.load %arg1[%get3A_1160, %get3A_1161] : memref<1000x2048xf32, #tpu.memory_space<vmem>>, vector<8x2048xf32>
    %eq3A_1163 = arith.constant 928 : i32
    %eq3A_1164 = vector.broadcast %eq3A_1163 : i32 to vector<8x2048xi32>
    %eq3A_1165 = arith.cmpi eq, %sub3A_1, %eq3A_1164 : vector<8x2048xi32>
    %jit3A_1166 = arith.constant 0.000000e+00 : f32
    %broadcast_in_dim3A_1167 = vector.broadcast %jit3A_1166 : f32 to vector<8x2048xf32>
    %select_n3A_1168 = arith.select %eq3A_1165, %get3A_1162, %broadcast_in_dim3A_1167 : vector<8x2048xi1>, vector<8x2048xf32>
    %add3A_1169 = arith.addf %add3A_1159, %select_n3A_1168 : vector<8x2048xf32>
    %get3A_1170 = arith.constant 936 : index
    %get3A_1171 = arith.constant 0 : index
    %get3A_1172 = vector.load %arg1[%get3A_1170, %get3A_1171] : memref<1000x2048xf32, #tpu.memory_space<vmem>>, vector<8x2048xf32>
    %eq3A_1173 = arith.constant 936 : i32
    %eq3A_1174 = vector.broadcast %eq3A_1173 : i32 to vector<8x2048xi32>
    %eq3A_1175 = arith.cmpi eq, %sub3A_1, %eq3A_1174 : vector<8x2048xi32>
    %jit3A_1176 = arith.constant 0.000000e+00 : f32
    %broadcast_in_dim3A_1177 = vector.broadcast %jit3A_1176 : f32 to vector<8x2048xf32>
    %select_n3A_1178 = arith.select %eq3A_1175, %get3A_1172, %broadcast_in_dim3A_1177 : vector<8x2048xi1>, vector<8x2048xf32>
    %add3A_1179 = arith.addf %add3A_1169, %select_n3A_1178 : vector<8x2048xf32>
    %get3A_1180 = arith.constant 944 : index
    %get3A_1181 = arith.constant 0 : index
    %get3A_1182 = vector.load %arg1[%get3A_1180, %get3A_1181] : memref<1000x2048xf32, #tpu.memory_space<vmem>>, vector<8x2048xf32>
    %eq3A_1183 = arith.constant 944 : i32
    %eq3A_1184 = vector.broadcast %eq3A_1183 : i32 to vector<8x2048xi32>
    %eq3A_1185 = arith.cmpi eq, %sub3A_1, %eq3A_1184 : vector<8x2048xi32>
    %jit3A_1186 = arith.constant 0.000000e+00 : f32
    %broadcast_in_dim3A_1187 = vector.broadcast %jit3A_1186 : f32 to vector<8x2048xf32>
    %select_n3A_1188 = arith.select %eq3A_1185, %get3A_1182, %broadcast_in_dim3A_1187 : vector<8x2048xi1>, vector<8x2048xf32>
    %add3A_1189 = arith.addf %add3A_1179, %select_n3A_1188 : vector<8x2048xf32>
    %get3A_1190 = arith.constant 952 : index
    %get3A_1191 = arith.constant 0 : index
    %get3A_1192 = vector.load %arg1[%get3A_1190, %get3A_1191] : memref<1000x2048xf32, #tpu.memory_space<vmem>>, vector<8x2048xf32>
    %eq3A_1193 = arith.constant 952 : i32
    %eq3A_1194 = vector.broadcast %eq3A_1193 : i32 to vector<8x2048xi32>
    %eq3A_1195 = arith.cmpi eq, %sub3A_1, %eq3A_1194 : vector<8x2048xi32>
    %jit3A_1196 = arith.constant 0.000000e+00 : f32
    %broadcast_in_dim3A_1197 = vector.broadcast %jit3A_1196 : f32 to vector<8x2048xf32>
    %select_n3A_1198 = arith.select %eq3A_1195, %get3A_1192, %broadcast_in_dim3A_1197 : vector<8x2048xi1>, vector<8x2048xf32>
    %add3A_1199 = arith.addf %add3A_1189, %select_n3A_1198 : vector<8x2048xf32>
    %get3A_1200 = arith.constant 960 : index
    %get3A_1201 = arith.constant 0 : index
    %get3A_1202 = vector.load %arg1[%get3A_1200, %get3A_1201] : memref<1000x2048xf32, #tpu.memory_space<vmem>>, vector<8x2048xf32>
    %eq3A_1203 = arith.constant 960 : i32
    %eq3A_1204 = vector.broadcast %eq3A_1203 : i32 to vector<8x2048xi32>
    %eq3A_1205 = arith.cmpi eq, %sub3A_1, %eq3A_1204 : vector<8x2048xi32>
    %jit3A_1206 = arith.constant 0.000000e+00 : f32
    %broadcast_in_dim3A_1207 = vector.broadcast %jit3A_1206 : f32 to vector<8x2048xf32>
    %select_n3A_1208 = arith.select %eq3A_1205, %get3A_1202, %broadcast_in_dim3A_1207 : vector<8x2048xi1>, vector<8x2048xf32>
    %add3A_1209 = arith.addf %add3A_1199, %select_n3A_1208 : vector<8x2048xf32>
    %get3A_1210 = arith.constant 968 : index
    %get3A_1211 = arith.constant 0 : index
    %get3A_1212 = vector.load %arg1[%get3A_1210, %get3A_1211] : memref<1000x2048xf32, #tpu.memory_space<vmem>>, vector<8x2048xf32>
    %eq3A_1213 = arith.constant 968 : i32
    %eq3A_1214 = vector.broadcast %eq3A_1213 : i32 to vector<8x2048xi32>
    %eq3A_1215 = arith.cmpi eq, %sub3A_1, %eq3A_1214 : vector<8x2048xi32>
    %jit3A_1216 = arith.constant 0.000000e+00 : f32
    %broadcast_in_dim3A_1217 = vector.broadcast %jit3A_1216 : f32 to vector<8x2048xf32>
    %select_n3A_1218 = arith.select %eq3A_1215, %get3A_1212, %broadcast_in_dim3A_1217 : vector<8x2048xi1>, vector<8x2048xf32>
    %add3A_1219 = arith.addf %add3A_1209, %select_n3A_1218 : vector<8x2048xf32>
    %get3A_1220 = arith.constant 976 : index
    %get3A_1221 = arith.constant 0 : index
    %get3A_1222 = vector.load %arg1[%get3A_1220, %get3A_1221] : memref<1000x2048xf32, #tpu.memory_space<vmem>>, vector<8x2048xf32>
    %eq3A_1223 = arith.constant 976 : i32
    %eq3A_1224 = vector.broadcast %eq3A_1223 : i32 to vector<8x2048xi32>
    %eq3A_1225 = arith.cmpi eq, %sub3A_1, %eq3A_1224 : vector<8x2048xi32>
    %jit3A_1226 = arith.constant 0.000000e+00 : f32
    %broadcast_in_dim3A_1227 = vector.broadcast %jit3A_1226 : f32 to vector<8x2048xf32>
    %select_n3A_1228 = arith.select %eq3A_1225, %get3A_1222, %broadcast_in_dim3A_1227 : vector<8x2048xi1>, vector<8x2048xf32>
    %add3A_1229 = arith.addf %add3A_1219, %select_n3A_1228 : vector<8x2048xf32>
    %get3A_1230 = arith.constant 984 : index
    %get3A_1231 = arith.constant 0 : index
    %get3A_1232 = vector.load %arg1[%get3A_1230, %get3A_1231] : memref<1000x2048xf32, #tpu.memory_space<vmem>>, vector<8x2048xf32>
    %eq3A_1233 = arith.constant 984 : i32
    %eq3A_1234 = vector.broadcast %eq3A_1233 : i32 to vector<8x2048xi32>
    %eq3A_1235 = arith.cmpi eq, %sub3A_1, %eq3A_1234 : vector<8x2048xi32>
    %jit3A_1236 = arith.constant 0.000000e+00 : f32
    %broadcast_in_dim3A_1237 = vector.broadcast %jit3A_1236 : f32 to vector<8x2048xf32>
    %select_n3A_1238 = arith.select %eq3A_1235, %get3A_1232, %broadcast_in_dim3A_1237 : vector<8x2048xi1>, vector<8x2048xf32>
    %add3A_1239 = arith.addf %add3A_1229, %select_n3A_1238 : vector<8x2048xf32>
    %get3A_1240 = arith.constant 992 : index
    %get3A_1241 = arith.constant 0 : index
    %get3A_1242 = vector.load %arg1[%get3A_1240, %get3A_1241] : memref<1000x2048xf32, #tpu.memory_space<vmem>>, vector<8x2048xf32>
    %eq3A_1243 = arith.constant 992 : i32
    %eq3A_1244 = vector.broadcast %eq3A_1243 : i32 to vector<8x2048xi32>
    %eq3A_1245 = arith.cmpi eq, %sub3A_1, %eq3A_1244 : vector<8x2048xi32>
    %jit3A_1246 = arith.constant 0.000000e+00 : f32
    %broadcast_in_dim3A_1247 = vector.broadcast %jit3A_1246 : f32 to vector<8x2048xf32>
    %select_n3A_1248 = arith.select %eq3A_1245, %get3A_1242, %broadcast_in_dim3A_1247 : vector<8x2048xi1>, vector<8x2048xf32>
    %add3A_1249 = arith.addf %add3A_1239, %select_n3A_1248 : vector<8x2048xf32>
    %reduce_sum3A = arith.constant dense<0.000000e+00> : vector<2048xf32>
    %reduce_sum3A_1250 = vector.multi_reduction <add>, %add3A_1249, %reduce_sum3A [0] : vector<8x2048xf32> to vector<2048xf32>
    %sub3A_1251 = arith.constant 1.000000e+00 : f32
    %sub3A_1252 = vector.broadcast %sub3A_1251 : f32 to vector<2048xf32>
    %sub3A_1253 = arith.subf %reduce_sum3A_1250, %sub3A_1252 : vector<2048xf32>
    %broadcast_in_dim3A_1254 = arith.constant 0.000000e+00 : f32
    %broadcast_in_dim3A_1255 = vector.broadcast %broadcast_in_dim3A_1254 : f32 to vector<8x2048xf32>
    %get3A_1256 = arith.constant 0 : index
    %get3A_1257 = arith.constant 0 : index
    %get3A_1258 = vector.load %arg1[%get3A_1256, %get3A_1257] : memref<1000x2048xf32, #tpu.memory_space<vmem>>, vector<8x2048xf32>
    %broadcast_in_dim3A_1259 = vector.shape_cast %sub3A_1253 : vector<2048xf32> to vector<1x2048xf32>
    %sub3A_1260 = vector.broadcast %broadcast_in_dim3A_1259 : vector<1x2048xf32> to vector<8x2048xf32>
    %sub3A_1261 = arith.subf %get3A_1258, %sub3A_1260 : vector<8x2048xf32>
    %max3A = arith.constant 0.000000e+00 : f32
    %max3A_1262 = vector.broadcast %max3A : f32 to vector<8x2048xf32>
    %max3A_1263 = arith.maximumf %sub3A_1261, %max3A_1262 : vector<8x2048xf32>
    %add3A_1264 = arith.addf %broadcast_in_dim3A_1255, %max3A_1263 : vector<8x2048xf32>
    %get3A_1265 = arith.constant 8 : index
    %get3A_1266 = arith.constant 0 : index
    %get3A_1267 = vector.load %arg1[%get3A_1265, %get3A_1266] : memref<1000x2048xf32, #tpu.memory_space<vmem>>, vector<8x2048xf32>
    %broadcast_in_dim3A_1268 = vector.shape_cast %sub3A_1253 : vector<2048xf32> to vector<1x2048xf32>
    %sub3A_1269 = vector.broadcast %broadcast_in_dim3A_1268 : vector<1x2048xf32> to vector<8x2048xf32>
    %sub3A_1270 = arith.subf %get3A_1267, %sub3A_1269 : vector<8x2048xf32>
    %max3A_1271 = arith.constant 0.000000e+00 : f32
    %max3A_1272 = vector.broadcast %max3A_1271 : f32 to vector<8x2048xf32>
    %max3A_1273 = arith.maximumf %sub3A_1270, %max3A_1272 : vector<8x2048xf32>
    %add3A_1274 = arith.addf %add3A_1264, %max3A_1273 : vector<8x2048xf32>
    %get3A_1275 = arith.constant 16 : index
    %get3A_1276 = arith.constant 0 : index
    %get3A_1277 = vector.load %arg1[%get3A_1275, %get3A_1276] : memref<1000x2048xf32, #tpu.memory_space<vmem>>, vector<8x2048xf32>
    %broadcast_in_dim3A_1278 = vector.shape_cast %sub3A_1253 : vector<2048xf32> to vector<1x2048xf32>
    %sub3A_1279 = vector.broadcast %broadcast_in_dim3A_1278 : vector<1x2048xf32> to vector<8x2048xf32>
    %sub3A_1280 = arith.subf %get3A_1277, %sub3A_1279 : vector<8x2048xf32>
    %max3A_1281 = arith.constant 0.000000e+00 : f32
    %max3A_1282 = vector.broadcast %max3A_1281 : f32 to vector<8x2048xf32>
    %max3A_1283 = arith.maximumf %sub3A_1280, %max3A_1282 : vector<8x2048xf32>
    %add3A_1284 = arith.addf %add3A_1274, %max3A_1283 : vector<8x2048xf32>
    %get3A_1285 = arith.constant 24 : index
    %get3A_1286 = arith.constant 0 : index
    %get3A_1287 = vector.load %arg1[%get3A_1285, %get3A_1286] : memref<1000x2048xf32, #tpu.memory_space<vmem>>, vector<8x2048xf32>
    %broadcast_in_dim3A_1288 = vector.shape_cast %sub3A_1253 : vector<2048xf32> to vector<1x2048xf32>
    %sub3A_1289 = vector.broadcast %broadcast_in_dim3A_1288 : vector<1x2048xf32> to vector<8x2048xf32>
    %sub3A_1290 = arith.subf %get3A_1287, %sub3A_1289 : vector<8x2048xf32>
    %max3A_1291 = arith.constant 0.000000e+00 : f32
    %max3A_1292 = vector.broadcast %max3A_1291 : f32 to vector<8x2048xf32>
    %max3A_1293 = arith.maximumf %sub3A_1290, %max3A_1292 : vector<8x2048xf32>
    %add3A_1294 = arith.addf %add3A_1284, %max3A_1293 : vector<8x2048xf32>
    %get3A_1295 = arith.constant 32 : index
    %get3A_1296 = arith.constant 0 : index
    %get3A_1297 = vector.load %arg1[%get3A_1295, %get3A_1296] : memref<1000x2048xf32, #tpu.memory_space<vmem>>, vector<8x2048xf32>
    %broadcast_in_dim3A_1298 = vector.shape_cast %sub3A_1253 : vector<2048xf32> to vector<1x2048xf32>
    %sub3A_1299 = vector.broadcast %broadcast_in_dim3A_1298 : vector<1x2048xf32> to vector<8x2048xf32>
    %sub3A_1300 = arith.subf %get3A_1297, %sub3A_1299 : vector<8x2048xf32>
    %max3A_1301 = arith.constant 0.000000e+00 : f32
    %max3A_1302 = vector.broadcast %max3A_1301 : f32 to vector<8x2048xf32>
    %max3A_1303 = arith.maximumf %sub3A_1300, %max3A_1302 : vector<8x2048xf32>
    %add3A_1304 = arith.addf %add3A_1294, %max3A_1303 : vector<8x2048xf32>
    %get3A_1305 = arith.constant 40 : index
    %get3A_1306 = arith.constant 0 : index
    %get3A_1307 = vector.load %arg1[%get3A_1305, %get3A_1306] : memref<1000x2048xf32, #tpu.memory_space<vmem>>, vector<8x2048xf32>
    %broadcast_in_dim3A_1308 = vector.shape_cast %sub3A_1253 : vector<2048xf32> to vector<1x2048xf32>
    %sub3A_1309 = vector.broadcast %broadcast_in_dim3A_1308 : vector<1x2048xf32> to vector<8x2048xf32>
    %sub3A_1310 = arith.subf %get3A_1307, %sub3A_1309 : vector<8x2048xf32>
    %max3A_1311 = arith.constant 0.000000e+00 : f32
    %max3A_1312 = vector.broadcast %max3A_1311 : f32 to vector<8x2048xf32>
    %max3A_1313 = arith.maximumf %sub3A_1310, %max3A_1312 : vector<8x2048xf32>
    %add3A_1314 = arith.addf %add3A_1304, %max3A_1313 : vector<8x2048xf32>
    %get3A_1315 = arith.constant 48 : index
    %get3A_1316 = arith.constant 0 : index
    %get3A_1317 = vector.load %arg1[%get3A_1315, %get3A_1316] : memref<1000x2048xf32, #tpu.memory_space<vmem>>, vector<8x2048xf32>
    %broadcast_in_dim3A_1318 = vector.shape_cast %sub3A_1253 : vector<2048xf32> to vector<1x2048xf32>
    %sub3A_1319 = vector.broadcast %broadcast_in_dim3A_1318 : vector<1x2048xf32> to vector<8x2048xf32>
    %sub3A_1320 = arith.subf %get3A_1317, %sub3A_1319 : vector<8x2048xf32>
    %max3A_1321 = arith.constant 0.000000e+00 : f32
    %max3A_1322 = vector.broadcast %max3A_1321 : f32 to vector<8x2048xf32>
    %max3A_1323 = arith.maximumf %sub3A_1320, %max3A_1322 : vector<8x2048xf32>
    %add3A_1324 = arith.addf %add3A_1314, %max3A_1323 : vector<8x2048xf32>
    %get3A_1325 = arith.constant 56 : index
    %get3A_1326 = arith.constant 0 : index
    %get3A_1327 = vector.load %arg1[%get3A_1325, %get3A_1326] : memref<1000x2048xf32, #tpu.memory_space<vmem>>, vector<8x2048xf32>
    %broadcast_in_dim3A_1328 = vector.shape_cast %sub3A_1253 : vector<2048xf32> to vector<1x2048xf32>
    %sub3A_1329 = vector.broadcast %broadcast_in_dim3A_1328 : vector<1x2048xf32> to vector<8x2048xf32>
    %sub3A_1330 = arith.subf %get3A_1327, %sub3A_1329 : vector<8x2048xf32>
    %max3A_1331 = arith.constant 0.000000e+00 : f32
    %max3A_1332 = vector.broadcast %max3A_1331 : f32 to vector<8x2048xf32>
    %max3A_1333 = arith.maximumf %sub3A_1330, %max3A_1332 : vector<8x2048xf32>
    %add3A_1334 = arith.addf %add3A_1324, %max3A_1333 : vector<8x2048xf32>
    %get3A_1335 = arith.constant 64 : index
    %get3A_1336 = arith.constant 0 : index
    %get3A_1337 = vector.load %arg1[%get3A_1335, %get3A_1336] : memref<1000x2048xf32, #tpu.memory_space<vmem>>, vector<8x2048xf32>
    %broadcast_in_dim3A_1338 = vector.shape_cast %sub3A_1253 : vector<2048xf32> to vector<1x2048xf32>
    %sub3A_1339 = vector.broadcast %broadcast_in_dim3A_1338 : vector<1x2048xf32> to vector<8x2048xf32>
    %sub3A_1340 = arith.subf %get3A_1337, %sub3A_1339 : vector<8x2048xf32>
    %max3A_1341 = arith.constant 0.000000e+00 : f32
    %max3A_1342 = vector.broadcast %max3A_1341 : f32 to vector<8x2048xf32>
    %max3A_1343 = arith.maximumf %sub3A_1340, %max3A_1342 : vector<8x2048xf32>
    %add3A_1344 = arith.addf %add3A_1334, %max3A_1343 : vector<8x2048xf32>
    %get3A_1345 = arith.constant 72 : index
    %get3A_1346 = arith.constant 0 : index
    %get3A_1347 = vector.load %arg1[%get3A_1345, %get3A_1346] : memref<1000x2048xf32, #tpu.memory_space<vmem>>, vector<8x2048xf32>
    %broadcast_in_dim3A_1348 = vector.shape_cast %sub3A_1253 : vector<2048xf32> to vector<1x2048xf32>
    %sub3A_1349 = vector.broadcast %broadcast_in_dim3A_1348 : vector<1x2048xf32> to vector<8x2048xf32>
    %sub3A_1350 = arith.subf %get3A_1347, %sub3A_1349 : vector<8x2048xf32>
    %max3A_1351 = arith.constant 0.000000e+00 : f32
    %max3A_1352 = vector.broadcast %max3A_1351 : f32 to vector<8x2048xf32>
    %max3A_1353 = arith.maximumf %sub3A_1350, %max3A_1352 : vector<8x2048xf32>
    %add3A_1354 = arith.addf %add3A_1344, %max3A_1353 : vector<8x2048xf32>
    %get3A_1355 = arith.constant 80 : index
    %get3A_1356 = arith.constant 0 : index
    %get3A_1357 = vector.load %arg1[%get3A_1355, %get3A_1356] : memref<1000x2048xf32, #tpu.memory_space<vmem>>, vector<8x2048xf32>
    %broadcast_in_dim3A_1358 = vector.shape_cast %sub3A_1253 : vector<2048xf32> to vector<1x2048xf32>
    %sub3A_1359 = vector.broadcast %broadcast_in_dim3A_1358 : vector<1x2048xf32> to vector<8x2048xf32>
    %sub3A_1360 = arith.subf %get3A_1357, %sub3A_1359 : vector<8x2048xf32>
    %max3A_1361 = arith.constant 0.000000e+00 : f32
    %max3A_1362 = vector.broadcast %max3A_1361 : f32 to vector<8x2048xf32>
    %max3A_1363 = arith.maximumf %sub3A_1360, %max3A_1362 : vector<8x2048xf32>
    %add3A_1364 = arith.addf %add3A_1354, %max3A_1363 : vector<8x2048xf32>
    %get3A_1365 = arith.constant 88 : index
    %get3A_1366 = arith.constant 0 : index
    %get3A_1367 = vector.load %arg1[%get3A_1365, %get3A_1366] : memref<1000x2048xf32, #tpu.memory_space<vmem>>, vector<8x2048xf32>
    %broadcast_in_dim3A_1368 = vector.shape_cast %sub3A_1253 : vector<2048xf32> to vector<1x2048xf32>
    %sub3A_1369 = vector.broadcast %broadcast_in_dim3A_1368 : vector<1x2048xf32> to vector<8x2048xf32>
    %sub3A_1370 = arith.subf %get3A_1367, %sub3A_1369 : vector<8x2048xf32>
    %max3A_1371 = arith.constant 0.000000e+00 : f32
    %max3A_1372 = vector.broadcast %max3A_1371 : f32 to vector<8x2048xf32>
    %max3A_1373 = arith.maximumf %sub3A_1370, %max3A_1372 : vector<8x2048xf32>
    %add3A_1374 = arith.addf %add3A_1364, %max3A_1373 : vector<8x2048xf32>
    %get3A_1375 = arith.constant 96 : index
    %get3A_1376 = arith.constant 0 : index
    %get3A_1377 = vector.load %arg1[%get3A_1375, %get3A_1376] : memref<1000x2048xf32, #tpu.memory_space<vmem>>, vector<8x2048xf32>
    %broadcast_in_dim3A_1378 = vector.shape_cast %sub3A_1253 : vector<2048xf32> to vector<1x2048xf32>
    %sub3A_1379 = vector.broadcast %broadcast_in_dim3A_1378 : vector<1x2048xf32> to vector<8x2048xf32>
    %sub3A_1380 = arith.subf %get3A_1377, %sub3A_1379 : vector<8x2048xf32>
    %max3A_1381 = arith.constant 0.000000e+00 : f32
    %max3A_1382 = vector.broadcast %max3A_1381 : f32 to vector<8x2048xf32>
    %max3A_1383 = arith.maximumf %sub3A_1380, %max3A_1382 : vector<8x2048xf32>
    %add3A_1384 = arith.addf %add3A_1374, %max3A_1383 : vector<8x2048xf32>
    %get3A_1385 = arith.constant 104 : index
    %get3A_1386 = arith.constant 0 : index
    %get3A_1387 = vector.load %arg1[%get3A_1385, %get3A_1386] : memref<1000x2048xf32, #tpu.memory_space<vmem>>, vector<8x2048xf32>
    %broadcast_in_dim3A_1388 = vector.shape_cast %sub3A_1253 : vector<2048xf32> to vector<1x2048xf32>
    %sub3A_1389 = vector.broadcast %broadcast_in_dim3A_1388 : vector<1x2048xf32> to vector<8x2048xf32>
    %sub3A_1390 = arith.subf %get3A_1387, %sub3A_1389 : vector<8x2048xf32>
    %max3A_1391 = arith.constant 0.000000e+00 : f32
    %max3A_1392 = vector.broadcast %max3A_1391 : f32 to vector<8x2048xf32>
    %max3A_1393 = arith.maximumf %sub3A_1390, %max3A_1392 : vector<8x2048xf32>
    %add3A_1394 = arith.addf %add3A_1384, %max3A_1393 : vector<8x2048xf32>
    %get3A_1395 = arith.constant 112 : index
    %get3A_1396 = arith.constant 0 : index
    %get3A_1397 = vector.load %arg1[%get3A_1395, %get3A_1396] : memref<1000x2048xf32, #tpu.memory_space<vmem>>, vector<8x2048xf32>
    %broadcast_in_dim3A_1398 = vector.shape_cast %sub3A_1253 : vector<2048xf32> to vector<1x2048xf32>
    %sub3A_1399 = vector.broadcast %broadcast_in_dim3A_1398 : vector<1x2048xf32> to vector<8x2048xf32>
    %sub3A_1400 = arith.subf %get3A_1397, %sub3A_1399 : vector<8x2048xf32>
    %max3A_1401 = arith.constant 0.000000e+00 : f32
    %max3A_1402 = vector.broadcast %max3A_1401 : f32 to vector<8x2048xf32>
    %max3A_1403 = arith.maximumf %sub3A_1400, %max3A_1402 : vector<8x2048xf32>
    %add3A_1404 = arith.addf %add3A_1394, %max3A_1403 : vector<8x2048xf32>
    %get3A_1405 = arith.constant 120 : index
    %get3A_1406 = arith.constant 0 : index
    %get3A_1407 = vector.load %arg1[%get3A_1405, %get3A_1406] : memref<1000x2048xf32, #tpu.memory_space<vmem>>, vector<8x2048xf32>
    %broadcast_in_dim3A_1408 = vector.shape_cast %sub3A_1253 : vector<2048xf32> to vector<1x2048xf32>
    %sub3A_1409 = vector.broadcast %broadcast_in_dim3A_1408 : vector<1x2048xf32> to vector<8x2048xf32>
    %sub3A_1410 = arith.subf %get3A_1407, %sub3A_1409 : vector<8x2048xf32>
    %max3A_1411 = arith.constant 0.000000e+00 : f32
    %max3A_1412 = vector.broadcast %max3A_1411 : f32 to vector<8x2048xf32>
    %max3A_1413 = arith.maximumf %sub3A_1410, %max3A_1412 : vector<8x2048xf32>
    %add3A_1414 = arith.addf %add3A_1404, %max3A_1413 : vector<8x2048xf32>
    %get3A_1415 = arith.constant 128 : index
    %get3A_1416 = arith.constant 0 : index
    %get3A_1417 = vector.load %arg1[%get3A_1415, %get3A_1416] : memref<1000x2048xf32, #tpu.memory_space<vmem>>, vector<8x2048xf32>
    %broadcast_in_dim3A_1418 = vector.shape_cast %sub3A_1253 : vector<2048xf32> to vector<1x2048xf32>
    %sub3A_1419 = vector.broadcast %broadcast_in_dim3A_1418 : vector<1x2048xf32> to vector<8x2048xf32>
    %sub3A_1420 = arith.subf %get3A_1417, %sub3A_1419 : vector<8x2048xf32>
    %max3A_1421 = arith.constant 0.000000e+00 : f32
    %max3A_1422 = vector.broadcast %max3A_1421 : f32 to vector<8x2048xf32>
    %max3A_1423 = arith.maximumf %sub3A_1420, %max3A_1422 : vector<8x2048xf32>
    %add3A_1424 = arith.addf %add3A_1414, %max3A_1423 : vector<8x2048xf32>
    %get3A_1425 = arith.constant 136 : index
    %get3A_1426 = arith.constant 0 : index
    %get3A_1427 = vector.load %arg1[%get3A_1425, %get3A_1426] : memref<1000x2048xf32, #tpu.memory_space<vmem>>, vector<8x2048xf32>
    %broadcast_in_dim3A_1428 = vector.shape_cast %sub3A_1253 : vector<2048xf32> to vector<1x2048xf32>
    %sub3A_1429 = vector.broadcast %broadcast_in_dim3A_1428 : vector<1x2048xf32> to vector<8x2048xf32>
    %sub3A_1430 = arith.subf %get3A_1427, %sub3A_1429 : vector<8x2048xf32>
    %max3A_1431 = arith.constant 0.000000e+00 : f32
    %max3A_1432 = vector.broadcast %max3A_1431 : f32 to vector<8x2048xf32>
    %max3A_1433 = arith.maximumf %sub3A_1430, %max3A_1432 : vector<8x2048xf32>
    %add3A_1434 = arith.addf %add3A_1424, %max3A_1433 : vector<8x2048xf32>
    %get3A_1435 = arith.constant 144 : index
    %get3A_1436 = arith.constant 0 : index
    %get3A_1437 = vector.load %arg1[%get3A_1435, %get3A_1436] : memref<1000x2048xf32, #tpu.memory_space<vmem>>, vector<8x2048xf32>
    %broadcast_in_dim3A_1438 = vector.shape_cast %sub3A_1253 : vector<2048xf32> to vector<1x2048xf32>
    %sub3A_1439 = vector.broadcast %broadcast_in_dim3A_1438 : vector<1x2048xf32> to vector<8x2048xf32>
    %sub3A_1440 = arith.subf %get3A_1437, %sub3A_1439 : vector<8x2048xf32>
    %max3A_1441 = arith.constant 0.000000e+00 : f32
    %max3A_1442 = vector.broadcast %max3A_1441 : f32 to vector<8x2048xf32>
    %max3A_1443 = arith.maximumf %sub3A_1440, %max3A_1442 : vector<8x2048xf32>
    %add3A_1444 = arith.addf %add3A_1434, %max3A_1443 : vector<8x2048xf32>
    %get3A_1445 = arith.constant 152 : index
    %get3A_1446 = arith.constant 0 : index
    %get3A_1447 = vector.load %arg1[%get3A_1445, %get3A_1446] : memref<1000x2048xf32, #tpu.memory_space<vmem>>, vector<8x2048xf32>
    %broadcast_in_dim3A_1448 = vector.shape_cast %sub3A_1253 : vector<2048xf32> to vector<1x2048xf32>
    %sub3A_1449 = vector.broadcast %broadcast_in_dim3A_1448 : vector<1x2048xf32> to vector<8x2048xf32>
    %sub3A_1450 = arith.subf %get3A_1447, %sub3A_1449 : vector<8x2048xf32>
    %max3A_1451 = arith.constant 0.000000e+00 : f32
    %max3A_1452 = vector.broadcast %max3A_1451 : f32 to vector<8x2048xf32>
    %max3A_1453 = arith.maximumf %sub3A_1450, %max3A_1452 : vector<8x2048xf32>
    %add3A_1454 = arith.addf %add3A_1444, %max3A_1453 : vector<8x2048xf32>
    %get3A_1455 = arith.constant 160 : index
    %get3A_1456 = arith.constant 0 : index
    %get3A_1457 = vector.load %arg1[%get3A_1455, %get3A_1456] : memref<1000x2048xf32, #tpu.memory_space<vmem>>, vector<8x2048xf32>
    %broadcast_in_dim3A_1458 = vector.shape_cast %sub3A_1253 : vector<2048xf32> to vector<1x2048xf32>
    %sub3A_1459 = vector.broadcast %broadcast_in_dim3A_1458 : vector<1x2048xf32> to vector<8x2048xf32>
    %sub3A_1460 = arith.subf %get3A_1457, %sub3A_1459 : vector<8x2048xf32>
    %max3A_1461 = arith.constant 0.000000e+00 : f32
    %max3A_1462 = vector.broadcast %max3A_1461 : f32 to vector<8x2048xf32>
    %max3A_1463 = arith.maximumf %sub3A_1460, %max3A_1462 : vector<8x2048xf32>
    %add3A_1464 = arith.addf %add3A_1454, %max3A_1463 : vector<8x2048xf32>
    %get3A_1465 = arith.constant 168 : index
    %get3A_1466 = arith.constant 0 : index
    %get3A_1467 = vector.load %arg1[%get3A_1465, %get3A_1466] : memref<1000x2048xf32, #tpu.memory_space<vmem>>, vector<8x2048xf32>
    %broadcast_in_dim3A_1468 = vector.shape_cast %sub3A_1253 : vector<2048xf32> to vector<1x2048xf32>
    %sub3A_1469 = vector.broadcast %broadcast_in_dim3A_1468 : vector<1x2048xf32> to vector<8x2048xf32>
    %sub3A_1470 = arith.subf %get3A_1467, %sub3A_1469 : vector<8x2048xf32>
    %max3A_1471 = arith.constant 0.000000e+00 : f32
    %max3A_1472 = vector.broadcast %max3A_1471 : f32 to vector<8x2048xf32>
    %max3A_1473 = arith.maximumf %sub3A_1470, %max3A_1472 : vector<8x2048xf32>
    %add3A_1474 = arith.addf %add3A_1464, %max3A_1473 : vector<8x2048xf32>
    %get3A_1475 = arith.constant 176 : index
    %get3A_1476 = arith.constant 0 : index
    %get3A_1477 = vector.load %arg1[%get3A_1475, %get3A_1476] : memref<1000x2048xf32, #tpu.memory_space<vmem>>, vector<8x2048xf32>
    %broadcast_in_dim3A_1478 = vector.shape_cast %sub3A_1253 : vector<2048xf32> to vector<1x2048xf32>
    %sub3A_1479 = vector.broadcast %broadcast_in_dim3A_1478 : vector<1x2048xf32> to vector<8x2048xf32>
    %sub3A_1480 = arith.subf %get3A_1477, %sub3A_1479 : vector<8x2048xf32>
    %max3A_1481 = arith.constant 0.000000e+00 : f32
    %max3A_1482 = vector.broadcast %max3A_1481 : f32 to vector<8x2048xf32>
    %max3A_1483 = arith.maximumf %sub3A_1480, %max3A_1482 : vector<8x2048xf32>
    %add3A_1484 = arith.addf %add3A_1474, %max3A_1483 : vector<8x2048xf32>
    %get3A_1485 = arith.constant 184 : index
    %get3A_1486 = arith.constant 0 : index
    %get3A_1487 = vector.load %arg1[%get3A_1485, %get3A_1486] : memref<1000x2048xf32, #tpu.memory_space<vmem>>, vector<8x2048xf32>
    %broadcast_in_dim3A_1488 = vector.shape_cast %sub3A_1253 : vector<2048xf32> to vector<1x2048xf32>
    %sub3A_1489 = vector.broadcast %broadcast_in_dim3A_1488 : vector<1x2048xf32> to vector<8x2048xf32>
    %sub3A_1490 = arith.subf %get3A_1487, %sub3A_1489 : vector<8x2048xf32>
    %max3A_1491 = arith.constant 0.000000e+00 : f32
    %max3A_1492 = vector.broadcast %max3A_1491 : f32 to vector<8x2048xf32>
    %max3A_1493 = arith.maximumf %sub3A_1490, %max3A_1492 : vector<8x2048xf32>
    %add3A_1494 = arith.addf %add3A_1484, %max3A_1493 : vector<8x2048xf32>
    %get3A_1495 = arith.constant 192 : index
    %get3A_1496 = arith.constant 0 : index
    %get3A_1497 = vector.load %arg1[%get3A_1495, %get3A_1496] : memref<1000x2048xf32, #tpu.memory_space<vmem>>, vector<8x2048xf32>
    %broadcast_in_dim3A_1498 = vector.shape_cast %sub3A_1253 : vector<2048xf32> to vector<1x2048xf32>
    %sub3A_1499 = vector.broadcast %broadcast_in_dim3A_1498 : vector<1x2048xf32> to vector<8x2048xf32>
    %sub3A_1500 = arith.subf %get3A_1497, %sub3A_1499 : vector<8x2048xf32>
    %max3A_1501 = arith.constant 0.000000e+00 : f32
    %max3A_1502 = vector.broadcast %max3A_1501 : f32 to vector<8x2048xf32>
    %max3A_1503 = arith.maximumf %sub3A_1500, %max3A_1502 : vector<8x2048xf32>
    %add3A_1504 = arith.addf %add3A_1494, %max3A_1503 : vector<8x2048xf32>
    %get3A_1505 = arith.constant 200 : index
    %get3A_1506 = arith.constant 0 : index
    %get3A_1507 = vector.load %arg1[%get3A_1505, %get3A_1506] : memref<1000x2048xf32, #tpu.memory_space<vmem>>, vector<8x2048xf32>
    %broadcast_in_dim3A_1508 = vector.shape_cast %sub3A_1253 : vector<2048xf32> to vector<1x2048xf32>
    %sub3A_1509 = vector.broadcast %broadcast_in_dim3A_1508 : vector<1x2048xf32> to vector<8x2048xf32>
    %sub3A_1510 = arith.subf %get3A_1507, %sub3A_1509 : vector<8x2048xf32>
    %max3A_1511 = arith.constant 0.000000e+00 : f32
    %max3A_1512 = vector.broadcast %max3A_1511 : f32 to vector<8x2048xf32>
    %max3A_1513 = arith.maximumf %sub3A_1510, %max3A_1512 : vector<8x2048xf32>
    %add3A_1514 = arith.addf %add3A_1504, %max3A_1513 : vector<8x2048xf32>
    %get3A_1515 = arith.constant 208 : index
    %get3A_1516 = arith.constant 0 : index
    %get3A_1517 = vector.load %arg1[%get3A_1515, %get3A_1516] : memref<1000x2048xf32, #tpu.memory_space<vmem>>, vector<8x2048xf32>
    %broadcast_in_dim3A_1518 = vector.shape_cast %sub3A_1253 : vector<2048xf32> to vector<1x2048xf32>
    %sub3A_1519 = vector.broadcast %broadcast_in_dim3A_1518 : vector<1x2048xf32> to vector<8x2048xf32>
    %sub3A_1520 = arith.subf %get3A_1517, %sub3A_1519 : vector<8x2048xf32>
    %max3A_1521 = arith.constant 0.000000e+00 : f32
    %max3A_1522 = vector.broadcast %max3A_1521 : f32 to vector<8x2048xf32>
    %max3A_1523 = arith.maximumf %sub3A_1520, %max3A_1522 : vector<8x2048xf32>
    %add3A_1524 = arith.addf %add3A_1514, %max3A_1523 : vector<8x2048xf32>
    %get3A_1525 = arith.constant 216 : index
    %get3A_1526 = arith.constant 0 : index
    %get3A_1527 = vector.load %arg1[%get3A_1525, %get3A_1526] : memref<1000x2048xf32, #tpu.memory_space<vmem>>, vector<8x2048xf32>
    %broadcast_in_dim3A_1528 = vector.shape_cast %sub3A_1253 : vector<2048xf32> to vector<1x2048xf32>
    %sub3A_1529 = vector.broadcast %broadcast_in_dim3A_1528 : vector<1x2048xf32> to vector<8x2048xf32>
    %sub3A_1530 = arith.subf %get3A_1527, %sub3A_1529 : vector<8x2048xf32>
    %max3A_1531 = arith.constant 0.000000e+00 : f32
    %max3A_1532 = vector.broadcast %max3A_1531 : f32 to vector<8x2048xf32>
    %max3A_1533 = arith.maximumf %sub3A_1530, %max3A_1532 : vector<8x2048xf32>
    %add3A_1534 = arith.addf %add3A_1524, %max3A_1533 : vector<8x2048xf32>
    %get3A_1535 = arith.constant 224 : index
    %get3A_1536 = arith.constant 0 : index
    %get3A_1537 = vector.load %arg1[%get3A_1535, %get3A_1536] : memref<1000x2048xf32, #tpu.memory_space<vmem>>, vector<8x2048xf32>
    %broadcast_in_dim3A_1538 = vector.shape_cast %sub3A_1253 : vector<2048xf32> to vector<1x2048xf32>
    %sub3A_1539 = vector.broadcast %broadcast_in_dim3A_1538 : vector<1x2048xf32> to vector<8x2048xf32>
    %sub3A_1540 = arith.subf %get3A_1537, %sub3A_1539 : vector<8x2048xf32>
    %max3A_1541 = arith.constant 0.000000e+00 : f32
    %max3A_1542 = vector.broadcast %max3A_1541 : f32 to vector<8x2048xf32>
    %max3A_1543 = arith.maximumf %sub3A_1540, %max3A_1542 : vector<8x2048xf32>
    %add3A_1544 = arith.addf %add3A_1534, %max3A_1543 : vector<8x2048xf32>
    %get3A_1545 = arith.constant 232 : index
    %get3A_1546 = arith.constant 0 : index
    %get3A_1547 = vector.load %arg1[%get3A_1545, %get3A_1546] : memref<1000x2048xf32, #tpu.memory_space<vmem>>, vector<8x2048xf32>
    %broadcast_in_dim3A_1548 = vector.shape_cast %sub3A_1253 : vector<2048xf32> to vector<1x2048xf32>
    %sub3A_1549 = vector.broadcast %broadcast_in_dim3A_1548 : vector<1x2048xf32> to vector<8x2048xf32>
    %sub3A_1550 = arith.subf %get3A_1547, %sub3A_1549 : vector<8x2048xf32>
    %max3A_1551 = arith.constant 0.000000e+00 : f32
    %max3A_1552 = vector.broadcast %max3A_1551 : f32 to vector<8x2048xf32>
    %max3A_1553 = arith.maximumf %sub3A_1550, %max3A_1552 : vector<8x2048xf32>
    %add3A_1554 = arith.addf %add3A_1544, %max3A_1553 : vector<8x2048xf32>
    %get3A_1555 = arith.constant 240 : index
    %get3A_1556 = arith.constant 0 : index
    %get3A_1557 = vector.load %arg1[%get3A_1555, %get3A_1556] : memref<1000x2048xf32, #tpu.memory_space<vmem>>, vector<8x2048xf32>
    %broadcast_in_dim3A_1558 = vector.shape_cast %sub3A_1253 : vector<2048xf32> to vector<1x2048xf32>
    %sub3A_1559 = vector.broadcast %broadcast_in_dim3A_1558 : vector<1x2048xf32> to vector<8x2048xf32>
    %sub3A_1560 = arith.subf %get3A_1557, %sub3A_1559 : vector<8x2048xf32>
    %max3A_1561 = arith.constant 0.000000e+00 : f32
    %max3A_1562 = vector.broadcast %max3A_1561 : f32 to vector<8x2048xf32>
    %max3A_1563 = arith.maximumf %sub3A_1560, %max3A_1562 : vector<8x2048xf32>
    %add3A_1564 = arith.addf %add3A_1554, %max3A_1563 : vector<8x2048xf32>
    %get3A_1565 = arith.constant 248 : index
    %get3A_1566 = arith.constant 0 : index
    %get3A_1567 = vector.load %arg1[%get3A_1565, %get3A_1566] : memref<1000x2048xf32, #tpu.memory_space<vmem>>, vector<8x2048xf32>
    %broadcast_in_dim3A_1568 = vector.shape_cast %sub3A_1253 : vector<2048xf32> to vector<1x2048xf32>
    %sub3A_1569 = vector.broadcast %broadcast_in_dim3A_1568 : vector<1x2048xf32> to vector<8x2048xf32>
    %sub3A_1570 = arith.subf %get3A_1567, %sub3A_1569 : vector<8x2048xf32>
    %max3A_1571 = arith.constant 0.000000e+00 : f32
    %max3A_1572 = vector.broadcast %max3A_1571 : f32 to vector<8x2048xf32>
    %max3A_1573 = arith.maximumf %sub3A_1570, %max3A_1572 : vector<8x2048xf32>
    %add3A_1574 = arith.addf %add3A_1564, %max3A_1573 : vector<8x2048xf32>
    %get3A_1575 = arith.constant 256 : index
    %get3A_1576 = arith.constant 0 : index
    %get3A_1577 = vector.load %arg1[%get3A_1575, %get3A_1576] : memref<1000x2048xf32, #tpu.memory_space<vmem>>, vector<8x2048xf32>
    %broadcast_in_dim3A_1578 = vector.shape_cast %sub3A_1253 : vector<2048xf32> to vector<1x2048xf32>
    %sub3A_1579 = vector.broadcast %broadcast_in_dim3A_1578 : vector<1x2048xf32> to vector<8x2048xf32>
    %sub3A_1580 = arith.subf %get3A_1577, %sub3A_1579 : vector<8x2048xf32>
    %max3A_1581 = arith.constant 0.000000e+00 : f32
    %max3A_1582 = vector.broadcast %max3A_1581 : f32 to vector<8x2048xf32>
    %max3A_1583 = arith.maximumf %sub3A_1580, %max3A_1582 : vector<8x2048xf32>
    %add3A_1584 = arith.addf %add3A_1574, %max3A_1583 : vector<8x2048xf32>
    %get3A_1585 = arith.constant 264 : index
    %get3A_1586 = arith.constant 0 : index
    %get3A_1587 = vector.load %arg1[%get3A_1585, %get3A_1586] : memref<1000x2048xf32, #tpu.memory_space<vmem>>, vector<8x2048xf32>
    %broadcast_in_dim3A_1588 = vector.shape_cast %sub3A_1253 : vector<2048xf32> to vector<1x2048xf32>
    %sub3A_1589 = vector.broadcast %broadcast_in_dim3A_1588 : vector<1x2048xf32> to vector<8x2048xf32>
    %sub3A_1590 = arith.subf %get3A_1587, %sub3A_1589 : vector<8x2048xf32>
    %max3A_1591 = arith.constant 0.000000e+00 : f32
    %max3A_1592 = vector.broadcast %max3A_1591 : f32 to vector<8x2048xf32>
    %max3A_1593 = arith.maximumf %sub3A_1590, %max3A_1592 : vector<8x2048xf32>
    %add3A_1594 = arith.addf %add3A_1584, %max3A_1593 : vector<8x2048xf32>
    %get3A_1595 = arith.constant 272 : index
    %get3A_1596 = arith.constant 0 : index
    %get3A_1597 = vector.load %arg1[%get3A_1595, %get3A_1596] : memref<1000x2048xf32, #tpu.memory_space<vmem>>, vector<8x2048xf32>
    %broadcast_in_dim3A_1598 = vector.shape_cast %sub3A_1253 : vector<2048xf32> to vector<1x2048xf32>
    %sub3A_1599 = vector.broadcast %broadcast_in_dim3A_1598 : vector<1x2048xf32> to vector<8x2048xf32>
    %sub3A_1600 = arith.subf %get3A_1597, %sub3A_1599 : vector<8x2048xf32>
    %max3A_1601 = arith.constant 0.000000e+00 : f32
    %max3A_1602 = vector.broadcast %max3A_1601 : f32 to vector<8x2048xf32>
    %max3A_1603 = arith.maximumf %sub3A_1600, %max3A_1602 : vector<8x2048xf32>
    %add3A_1604 = arith.addf %add3A_1594, %max3A_1603 : vector<8x2048xf32>
    %get3A_1605 = arith.constant 280 : index
    %get3A_1606 = arith.constant 0 : index
    %get3A_1607 = vector.load %arg1[%get3A_1605, %get3A_1606] : memref<1000x2048xf32, #tpu.memory_space<vmem>>, vector<8x2048xf32>
    %broadcast_in_dim3A_1608 = vector.shape_cast %sub3A_1253 : vector<2048xf32> to vector<1x2048xf32>
    %sub3A_1609 = vector.broadcast %broadcast_in_dim3A_1608 : vector<1x2048xf32> to vector<8x2048xf32>
    %sub3A_1610 = arith.subf %get3A_1607, %sub3A_1609 : vector<8x2048xf32>
    %max3A_1611 = arith.constant 0.000000e+00 : f32
    %max3A_1612 = vector.broadcast %max3A_1611 : f32 to vector<8x2048xf32>
    %max3A_1613 = arith.maximumf %sub3A_1610, %max3A_1612 : vector<8x2048xf32>
    %add3A_1614 = arith.addf %add3A_1604, %max3A_1613 : vector<8x2048xf32>
    %get3A_1615 = arith.constant 288 : index
    %get3A_1616 = arith.constant 0 : index
    %get3A_1617 = vector.load %arg1[%get3A_1615, %get3A_1616] : memref<1000x2048xf32, #tpu.memory_space<vmem>>, vector<8x2048xf32>
    %broadcast_in_dim3A_1618 = vector.shape_cast %sub3A_1253 : vector<2048xf32> to vector<1x2048xf32>
    %sub3A_1619 = vector.broadcast %broadcast_in_dim3A_1618 : vector<1x2048xf32> to vector<8x2048xf32>
    %sub3A_1620 = arith.subf %get3A_1617, %sub3A_1619 : vector<8x2048xf32>
    %max3A_1621 = arith.constant 0.000000e+00 : f32
    %max3A_1622 = vector.broadcast %max3A_1621 : f32 to vector<8x2048xf32>
    %max3A_1623 = arith.maximumf %sub3A_1620, %max3A_1622 : vector<8x2048xf32>
    %add3A_1624 = arith.addf %add3A_1614, %max3A_1623 : vector<8x2048xf32>
    %get3A_1625 = arith.constant 296 : index
    %get3A_1626 = arith.constant 0 : index
    %get3A_1627 = vector.load %arg1[%get3A_1625, %get3A_1626] : memref<1000x2048xf32, #tpu.memory_space<vmem>>, vector<8x2048xf32>
    %broadcast_in_dim3A_1628 = vector.shape_cast %sub3A_1253 : vector<2048xf32> to vector<1x2048xf32>
    %sub3A_1629 = vector.broadcast %broadcast_in_dim3A_1628 : vector<1x2048xf32> to vector<8x2048xf32>
    %sub3A_1630 = arith.subf %get3A_1627, %sub3A_1629 : vector<8x2048xf32>
    %max3A_1631 = arith.constant 0.000000e+00 : f32
    %max3A_1632 = vector.broadcast %max3A_1631 : f32 to vector<8x2048xf32>
    %max3A_1633 = arith.maximumf %sub3A_1630, %max3A_1632 : vector<8x2048xf32>
    %add3A_1634 = arith.addf %add3A_1624, %max3A_1633 : vector<8x2048xf32>
    %get3A_1635 = arith.constant 304 : index
    %get3A_1636 = arith.constant 0 : index
    %get3A_1637 = vector.load %arg1[%get3A_1635, %get3A_1636] : memref<1000x2048xf32, #tpu.memory_space<vmem>>, vector<8x2048xf32>
    %broadcast_in_dim3A_1638 = vector.shape_cast %sub3A_1253 : vector<2048xf32> to vector<1x2048xf32>
    %sub3A_1639 = vector.broadcast %broadcast_in_dim3A_1638 : vector<1x2048xf32> to vector<8x2048xf32>
    %sub3A_1640 = arith.subf %get3A_1637, %sub3A_1639 : vector<8x2048xf32>
    %max3A_1641 = arith.constant 0.000000e+00 : f32
    %max3A_1642 = vector.broadcast %max3A_1641 : f32 to vector<8x2048xf32>
    %max3A_1643 = arith.maximumf %sub3A_1640, %max3A_1642 : vector<8x2048xf32>
    %add3A_1644 = arith.addf %add3A_1634, %max3A_1643 : vector<8x2048xf32>
    %get3A_1645 = arith.constant 312 : index
    %get3A_1646 = arith.constant 0 : index
    %get3A_1647 = vector.load %arg1[%get3A_1645, %get3A_1646] : memref<1000x2048xf32, #tpu.memory_space<vmem>>, vector<8x2048xf32>
    %broadcast_in_dim3A_1648 = vector.shape_cast %sub3A_1253 : vector<2048xf32> to vector<1x2048xf32>
    %sub3A_1649 = vector.broadcast %broadcast_in_dim3A_1648 : vector<1x2048xf32> to vector<8x2048xf32>
    %sub3A_1650 = arith.subf %get3A_1647, %sub3A_1649 : vector<8x2048xf32>
    %max3A_1651 = arith.constant 0.000000e+00 : f32
    %max3A_1652 = vector.broadcast %max3A_1651 : f32 to vector<8x2048xf32>
    %max3A_1653 = arith.maximumf %sub3A_1650, %max3A_1652 : vector<8x2048xf32>
    %add3A_1654 = arith.addf %add3A_1644, %max3A_1653 : vector<8x2048xf32>
    %get3A_1655 = arith.constant 320 : index
    %get3A_1656 = arith.constant 0 : index
    %get3A_1657 = vector.load %arg1[%get3A_1655, %get3A_1656] : memref<1000x2048xf32, #tpu.memory_space<vmem>>, vector<8x2048xf32>
    %broadcast_in_dim3A_1658 = vector.shape_cast %sub3A_1253 : vector<2048xf32> to vector<1x2048xf32>
    %sub3A_1659 = vector.broadcast %broadcast_in_dim3A_1658 : vector<1x2048xf32> to vector<8x2048xf32>
    %sub3A_1660 = arith.subf %get3A_1657, %sub3A_1659 : vector<8x2048xf32>
    %max3A_1661 = arith.constant 0.000000e+00 : f32
    %max3A_1662 = vector.broadcast %max3A_1661 : f32 to vector<8x2048xf32>
    %max3A_1663 = arith.maximumf %sub3A_1660, %max3A_1662 : vector<8x2048xf32>
    %add3A_1664 = arith.addf %add3A_1654, %max3A_1663 : vector<8x2048xf32>
    %get3A_1665 = arith.constant 328 : index
    %get3A_1666 = arith.constant 0 : index
    %get3A_1667 = vector.load %arg1[%get3A_1665, %get3A_1666] : memref<1000x2048xf32, #tpu.memory_space<vmem>>, vector<8x2048xf32>
    %broadcast_in_dim3A_1668 = vector.shape_cast %sub3A_1253 : vector<2048xf32> to vector<1x2048xf32>
    %sub3A_1669 = vector.broadcast %broadcast_in_dim3A_1668 : vector<1x2048xf32> to vector<8x2048xf32>
    %sub3A_1670 = arith.subf %get3A_1667, %sub3A_1669 : vector<8x2048xf32>
    %max3A_1671 = arith.constant 0.000000e+00 : f32
    %max3A_1672 = vector.broadcast %max3A_1671 : f32 to vector<8x2048xf32>
    %max3A_1673 = arith.maximumf %sub3A_1670, %max3A_1672 : vector<8x2048xf32>
    %add3A_1674 = arith.addf %add3A_1664, %max3A_1673 : vector<8x2048xf32>
    %get3A_1675 = arith.constant 336 : index
    %get3A_1676 = arith.constant 0 : index
    %get3A_1677 = vector.load %arg1[%get3A_1675, %get3A_1676] : memref<1000x2048xf32, #tpu.memory_space<vmem>>, vector<8x2048xf32>
    %broadcast_in_dim3A_1678 = vector.shape_cast %sub3A_1253 : vector<2048xf32> to vector<1x2048xf32>
    %sub3A_1679 = vector.broadcast %broadcast_in_dim3A_1678 : vector<1x2048xf32> to vector<8x2048xf32>
    %sub3A_1680 = arith.subf %get3A_1677, %sub3A_1679 : vector<8x2048xf32>
    %max3A_1681 = arith.constant 0.000000e+00 : f32
    %max3A_1682 = vector.broadcast %max3A_1681 : f32 to vector<8x2048xf32>
    %max3A_1683 = arith.maximumf %sub3A_1680, %max3A_1682 : vector<8x2048xf32>
    %add3A_1684 = arith.addf %add3A_1674, %max3A_1683 : vector<8x2048xf32>
    %get3A_1685 = arith.constant 344 : index
    %get3A_1686 = arith.constant 0 : index
    %get3A_1687 = vector.load %arg1[%get3A_1685, %get3A_1686] : memref<1000x2048xf32, #tpu.memory_space<vmem>>, vector<8x2048xf32>
    %broadcast_in_dim3A_1688 = vector.shape_cast %sub3A_1253 : vector<2048xf32> to vector<1x2048xf32>
    %sub3A_1689 = vector.broadcast %broadcast_in_dim3A_1688 : vector<1x2048xf32> to vector<8x2048xf32>
    %sub3A_1690 = arith.subf %get3A_1687, %sub3A_1689 : vector<8x2048xf32>
    %max3A_1691 = arith.constant 0.000000e+00 : f32
    %max3A_1692 = vector.broadcast %max3A_1691 : f32 to vector<8x2048xf32>
    %max3A_1693 = arith.maximumf %sub3A_1690, %max3A_1692 : vector<8x2048xf32>
    %add3A_1694 = arith.addf %add3A_1684, %max3A_1693 : vector<8x2048xf32>
    %get3A_1695 = arith.constant 352 : index
    %get3A_1696 = arith.constant 0 : index
    %get3A_1697 = vector.load %arg1[%get3A_1695, %get3A_1696] : memref<1000x2048xf32, #tpu.memory_space<vmem>>, vector<8x2048xf32>
    %broadcast_in_dim3A_1698 = vector.shape_cast %sub3A_1253 : vector<2048xf32> to vector<1x2048xf32>
    %sub3A_1699 = vector.broadcast %broadcast_in_dim3A_1698 : vector<1x2048xf32> to vector<8x2048xf32>
    %sub3A_1700 = arith.subf %get3A_1697, %sub3A_1699 : vector<8x2048xf32>
    %max3A_1701 = arith.constant 0.000000e+00 : f32
    %max3A_1702 = vector.broadcast %max3A_1701 : f32 to vector<8x2048xf32>
    %max3A_1703 = arith.maximumf %sub3A_1700, %max3A_1702 : vector<8x2048xf32>
    %add3A_1704 = arith.addf %add3A_1694, %max3A_1703 : vector<8x2048xf32>
    %get3A_1705 = arith.constant 360 : index
    %get3A_1706 = arith.constant 0 : index
    %get3A_1707 = vector.load %arg1[%get3A_1705, %get3A_1706] : memref<1000x2048xf32, #tpu.memory_space<vmem>>, vector<8x2048xf32>
    %broadcast_in_dim3A_1708 = vector.shape_cast %sub3A_1253 : vector<2048xf32> to vector<1x2048xf32>
    %sub3A_1709 = vector.broadcast %broadcast_in_dim3A_1708 : vector<1x2048xf32> to vector<8x2048xf32>
    %sub3A_1710 = arith.subf %get3A_1707, %sub3A_1709 : vector<8x2048xf32>
    %max3A_1711 = arith.constant 0.000000e+00 : f32
    %max3A_1712 = vector.broadcast %max3A_1711 : f32 to vector<8x2048xf32>
    %max3A_1713 = arith.maximumf %sub3A_1710, %max3A_1712 : vector<8x2048xf32>
    %add3A_1714 = arith.addf %add3A_1704, %max3A_1713 : vector<8x2048xf32>
    %get3A_1715 = arith.constant 368 : index
    %get3A_1716 = arith.constant 0 : index
    %get3A_1717 = vector.load %arg1[%get3A_1715, %get3A_1716] : memref<1000x2048xf32, #tpu.memory_space<vmem>>, vector<8x2048xf32>
    %broadcast_in_dim3A_1718 = vector.shape_cast %sub3A_1253 : vector<2048xf32> to vector<1x2048xf32>
    %sub3A_1719 = vector.broadcast %broadcast_in_dim3A_1718 : vector<1x2048xf32> to vector<8x2048xf32>
    %sub3A_1720 = arith.subf %get3A_1717, %sub3A_1719 : vector<8x2048xf32>
    %max3A_1721 = arith.constant 0.000000e+00 : f32
    %max3A_1722 = vector.broadcast %max3A_1721 : f32 to vector<8x2048xf32>
    %max3A_1723 = arith.maximumf %sub3A_1720, %max3A_1722 : vector<8x2048xf32>
    %add3A_1724 = arith.addf %add3A_1714, %max3A_1723 : vector<8x2048xf32>
    %get3A_1725 = arith.constant 376 : index
    %get3A_1726 = arith.constant 0 : index
    %get3A_1727 = vector.load %arg1[%get3A_1725, %get3A_1726] : memref<1000x2048xf32, #tpu.memory_space<vmem>>, vector<8x2048xf32>
    %broadcast_in_dim3A_1728 = vector.shape_cast %sub3A_1253 : vector<2048xf32> to vector<1x2048xf32>
    %sub3A_1729 = vector.broadcast %broadcast_in_dim3A_1728 : vector<1x2048xf32> to vector<8x2048xf32>
    %sub3A_1730 = arith.subf %get3A_1727, %sub3A_1729 : vector<8x2048xf32>
    %max3A_1731 = arith.constant 0.000000e+00 : f32
    %max3A_1732 = vector.broadcast %max3A_1731 : f32 to vector<8x2048xf32>
    %max3A_1733 = arith.maximumf %sub3A_1730, %max3A_1732 : vector<8x2048xf32>
    %add3A_1734 = arith.addf %add3A_1724, %max3A_1733 : vector<8x2048xf32>
    %get3A_1735 = arith.constant 384 : index
    %get3A_1736 = arith.constant 0 : index
    %get3A_1737 = vector.load %arg1[%get3A_1735, %get3A_1736] : memref<1000x2048xf32, #tpu.memory_space<vmem>>, vector<8x2048xf32>
    %broadcast_in_dim3A_1738 = vector.shape_cast %sub3A_1253 : vector<2048xf32> to vector<1x2048xf32>
    %sub3A_1739 = vector.broadcast %broadcast_in_dim3A_1738 : vector<1x2048xf32> to vector<8x2048xf32>
    %sub3A_1740 = arith.subf %get3A_1737, %sub3A_1739 : vector<8x2048xf32>
    %max3A_1741 = arith.constant 0.000000e+00 : f32
    %max3A_1742 = vector.broadcast %max3A_1741 : f32 to vector<8x2048xf32>
    %max3A_1743 = arith.maximumf %sub3A_1740, %max3A_1742 : vector<8x2048xf32>
    %add3A_1744 = arith.addf %add3A_1734, %max3A_1743 : vector<8x2048xf32>
    %get3A_1745 = arith.constant 392 : index
    %get3A_1746 = arith.constant 0 : index
    %get3A_1747 = vector.load %arg1[%get3A_1745, %get3A_1746] : memref<1000x2048xf32, #tpu.memory_space<vmem>>, vector<8x2048xf32>
    %broadcast_in_dim3A_1748 = vector.shape_cast %sub3A_1253 : vector<2048xf32> to vector<1x2048xf32>
    %sub3A_1749 = vector.broadcast %broadcast_in_dim3A_1748 : vector<1x2048xf32> to vector<8x2048xf32>
    %sub3A_1750 = arith.subf %get3A_1747, %sub3A_1749 : vector<8x2048xf32>
    %max3A_1751 = arith.constant 0.000000e+00 : f32
    %max3A_1752 = vector.broadcast %max3A_1751 : f32 to vector<8x2048xf32>
    %max3A_1753 = arith.maximumf %sub3A_1750, %max3A_1752 : vector<8x2048xf32>
    %add3A_1754 = arith.addf %add3A_1744, %max3A_1753 : vector<8x2048xf32>
    %get3A_1755 = arith.constant 400 : index
    %get3A_1756 = arith.constant 0 : index
    %get3A_1757 = vector.load %arg1[%get3A_1755, %get3A_1756] : memref<1000x2048xf32, #tpu.memory_space<vmem>>, vector<8x2048xf32>
    %broadcast_in_dim3A_1758 = vector.shape_cast %sub3A_1253 : vector<2048xf32> to vector<1x2048xf32>
    %sub3A_1759 = vector.broadcast %broadcast_in_dim3A_1758 : vector<1x2048xf32> to vector<8x2048xf32>
    %sub3A_1760 = arith.subf %get3A_1757, %sub3A_1759 : vector<8x2048xf32>
    %max3A_1761 = arith.constant 0.000000e+00 : f32
    %max3A_1762 = vector.broadcast %max3A_1761 : f32 to vector<8x2048xf32>
    %max3A_1763 = arith.maximumf %sub3A_1760, %max3A_1762 : vector<8x2048xf32>
    %add3A_1764 = arith.addf %add3A_1754, %max3A_1763 : vector<8x2048xf32>
    %get3A_1765 = arith.constant 408 : index
    %get3A_1766 = arith.constant 0 : index
    %get3A_1767 = vector.load %arg1[%get3A_1765, %get3A_1766] : memref<1000x2048xf32, #tpu.memory_space<vmem>>, vector<8x2048xf32>
    %broadcast_in_dim3A_1768 = vector.shape_cast %sub3A_1253 : vector<2048xf32> to vector<1x2048xf32>
    %sub3A_1769 = vector.broadcast %broadcast_in_dim3A_1768 : vector<1x2048xf32> to vector<8x2048xf32>
    %sub3A_1770 = arith.subf %get3A_1767, %sub3A_1769 : vector<8x2048xf32>
    %max3A_1771 = arith.constant 0.000000e+00 : f32
    %max3A_1772 = vector.broadcast %max3A_1771 : f32 to vector<8x2048xf32>
    %max3A_1773 = arith.maximumf %sub3A_1770, %max3A_1772 : vector<8x2048xf32>
    %add3A_1774 = arith.addf %add3A_1764, %max3A_1773 : vector<8x2048xf32>
    %get3A_1775 = arith.constant 416 : index
    %get3A_1776 = arith.constant 0 : index
    %get3A_1777 = vector.load %arg1[%get3A_1775, %get3A_1776] : memref<1000x2048xf32, #tpu.memory_space<vmem>>, vector<8x2048xf32>
    %broadcast_in_dim3A_1778 = vector.shape_cast %sub3A_1253 : vector<2048xf32> to vector<1x2048xf32>
    %sub3A_1779 = vector.broadcast %broadcast_in_dim3A_1778 : vector<1x2048xf32> to vector<8x2048xf32>
    %sub3A_1780 = arith.subf %get3A_1777, %sub3A_1779 : vector<8x2048xf32>
    %max3A_1781 = arith.constant 0.000000e+00 : f32
    %max3A_1782 = vector.broadcast %max3A_1781 : f32 to vector<8x2048xf32>
    %max3A_1783 = arith.maximumf %sub3A_1780, %max3A_1782 : vector<8x2048xf32>
    %add3A_1784 = arith.addf %add3A_1774, %max3A_1783 : vector<8x2048xf32>
    %get3A_1785 = arith.constant 424 : index
    %get3A_1786 = arith.constant 0 : index
    %get3A_1787 = vector.load %arg1[%get3A_1785, %get3A_1786] : memref<1000x2048xf32, #tpu.memory_space<vmem>>, vector<8x2048xf32>
    %broadcast_in_dim3A_1788 = vector.shape_cast %sub3A_1253 : vector<2048xf32> to vector<1x2048xf32>
    %sub3A_1789 = vector.broadcast %broadcast_in_dim3A_1788 : vector<1x2048xf32> to vector<8x2048xf32>
    %sub3A_1790 = arith.subf %get3A_1787, %sub3A_1789 : vector<8x2048xf32>
    %max3A_1791 = arith.constant 0.000000e+00 : f32
    %max3A_1792 = vector.broadcast %max3A_1791 : f32 to vector<8x2048xf32>
    %max3A_1793 = arith.maximumf %sub3A_1790, %max3A_1792 : vector<8x2048xf32>
    %add3A_1794 = arith.addf %add3A_1784, %max3A_1793 : vector<8x2048xf32>
    %get3A_1795 = arith.constant 432 : index
    %get3A_1796 = arith.constant 0 : index
    %get3A_1797 = vector.load %arg1[%get3A_1795, %get3A_1796] : memref<1000x2048xf32, #tpu.memory_space<vmem>>, vector<8x2048xf32>
    %broadcast_in_dim3A_1798 = vector.shape_cast %sub3A_1253 : vector<2048xf32> to vector<1x2048xf32>
    %sub3A_1799 = vector.broadcast %broadcast_in_dim3A_1798 : vector<1x2048xf32> to vector<8x2048xf32>
    %sub3A_1800 = arith.subf %get3A_1797, %sub3A_1799 : vector<8x2048xf32>
    %max3A_1801 = arith.constant 0.000000e+00 : f32
    %max3A_1802 = vector.broadcast %max3A_1801 : f32 to vector<8x2048xf32>
    %max3A_1803 = arith.maximumf %sub3A_1800, %max3A_1802 : vector<8x2048xf32>
    %add3A_1804 = arith.addf %add3A_1794, %max3A_1803 : vector<8x2048xf32>
    %get3A_1805 = arith.constant 440 : index
    %get3A_1806 = arith.constant 0 : index
    %get3A_1807 = vector.load %arg1[%get3A_1805, %get3A_1806] : memref<1000x2048xf32, #tpu.memory_space<vmem>>, vector<8x2048xf32>
    %broadcast_in_dim3A_1808 = vector.shape_cast %sub3A_1253 : vector<2048xf32> to vector<1x2048xf32>
    %sub3A_1809 = vector.broadcast %broadcast_in_dim3A_1808 : vector<1x2048xf32> to vector<8x2048xf32>
    %sub3A_1810 = arith.subf %get3A_1807, %sub3A_1809 : vector<8x2048xf32>
    %max3A_1811 = arith.constant 0.000000e+00 : f32
    %max3A_1812 = vector.broadcast %max3A_1811 : f32 to vector<8x2048xf32>
    %max3A_1813 = arith.maximumf %sub3A_1810, %max3A_1812 : vector<8x2048xf32>
    %add3A_1814 = arith.addf %add3A_1804, %max3A_1813 : vector<8x2048xf32>
    %get3A_1815 = arith.constant 448 : index
    %get3A_1816 = arith.constant 0 : index
    %get3A_1817 = vector.load %arg1[%get3A_1815, %get3A_1816] : memref<1000x2048xf32, #tpu.memory_space<vmem>>, vector<8x2048xf32>
    %broadcast_in_dim3A_1818 = vector.shape_cast %sub3A_1253 : vector<2048xf32> to vector<1x2048xf32>
    %sub3A_1819 = vector.broadcast %broadcast_in_dim3A_1818 : vector<1x2048xf32> to vector<8x2048xf32>
    %sub3A_1820 = arith.subf %get3A_1817, %sub3A_1819 : vector<8x2048xf32>
    %max3A_1821 = arith.constant 0.000000e+00 : f32
    %max3A_1822 = vector.broadcast %max3A_1821 : f32 to vector<8x2048xf32>
    %max3A_1823 = arith.maximumf %sub3A_1820, %max3A_1822 : vector<8x2048xf32>
    %add3A_1824 = arith.addf %add3A_1814, %max3A_1823 : vector<8x2048xf32>
    %get3A_1825 = arith.constant 456 : index
    %get3A_1826 = arith.constant 0 : index
    %get3A_1827 = vector.load %arg1[%get3A_1825, %get3A_1826] : memref<1000x2048xf32, #tpu.memory_space<vmem>>, vector<8x2048xf32>
    %broadcast_in_dim3A_1828 = vector.shape_cast %sub3A_1253 : vector<2048xf32> to vector<1x2048xf32>
    %sub3A_1829 = vector.broadcast %broadcast_in_dim3A_1828 : vector<1x2048xf32> to vector<8x2048xf32>
    %sub3A_1830 = arith.subf %get3A_1827, %sub3A_1829 : vector<8x2048xf32>
    %max3A_1831 = arith.constant 0.000000e+00 : f32
    %max3A_1832 = vector.broadcast %max3A_1831 : f32 to vector<8x2048xf32>
    %max3A_1833 = arith.maximumf %sub3A_1830, %max3A_1832 : vector<8x2048xf32>
    %add3A_1834 = arith.addf %add3A_1824, %max3A_1833 : vector<8x2048xf32>
    %get3A_1835 = arith.constant 464 : index
    %get3A_1836 = arith.constant 0 : index
    %get3A_1837 = vector.load %arg1[%get3A_1835, %get3A_1836] : memref<1000x2048xf32, #tpu.memory_space<vmem>>, vector<8x2048xf32>
    %broadcast_in_dim3A_1838 = vector.shape_cast %sub3A_1253 : vector<2048xf32> to vector<1x2048xf32>
    %sub3A_1839 = vector.broadcast %broadcast_in_dim3A_1838 : vector<1x2048xf32> to vector<8x2048xf32>
    %sub3A_1840 = arith.subf %get3A_1837, %sub3A_1839 : vector<8x2048xf32>
    %max3A_1841 = arith.constant 0.000000e+00 : f32
    %max3A_1842 = vector.broadcast %max3A_1841 : f32 to vector<8x2048xf32>
    %max3A_1843 = arith.maximumf %sub3A_1840, %max3A_1842 : vector<8x2048xf32>
    %add3A_1844 = arith.addf %add3A_1834, %max3A_1843 : vector<8x2048xf32>
    %get3A_1845 = arith.constant 472 : index
    %get3A_1846 = arith.constant 0 : index
    %get3A_1847 = vector.load %arg1[%get3A_1845, %get3A_1846] : memref<1000x2048xf32, #tpu.memory_space<vmem>>, vector<8x2048xf32>
    %broadcast_in_dim3A_1848 = vector.shape_cast %sub3A_1253 : vector<2048xf32> to vector<1x2048xf32>
    %sub3A_1849 = vector.broadcast %broadcast_in_dim3A_1848 : vector<1x2048xf32> to vector<8x2048xf32>
    %sub3A_1850 = arith.subf %get3A_1847, %sub3A_1849 : vector<8x2048xf32>
    %max3A_1851 = arith.constant 0.000000e+00 : f32
    %max3A_1852 = vector.broadcast %max3A_1851 : f32 to vector<8x2048xf32>
    %max3A_1853 = arith.maximumf %sub3A_1850, %max3A_1852 : vector<8x2048xf32>
    %add3A_1854 = arith.addf %add3A_1844, %max3A_1853 : vector<8x2048xf32>
    %get3A_1855 = arith.constant 480 : index
    %get3A_1856 = arith.constant 0 : index
    %get3A_1857 = vector.load %arg1[%get3A_1855, %get3A_1856] : memref<1000x2048xf32, #tpu.memory_space<vmem>>, vector<8x2048xf32>
    %broadcast_in_dim3A_1858 = vector.shape_cast %sub3A_1253 : vector<2048xf32> to vector<1x2048xf32>
    %sub3A_1859 = vector.broadcast %broadcast_in_dim3A_1858 : vector<1x2048xf32> to vector<8x2048xf32>
    %sub3A_1860 = arith.subf %get3A_1857, %sub3A_1859 : vector<8x2048xf32>
    %max3A_1861 = arith.constant 0.000000e+00 : f32
    %max3A_1862 = vector.broadcast %max3A_1861 : f32 to vector<8x2048xf32>
    %max3A_1863 = arith.maximumf %sub3A_1860, %max3A_1862 : vector<8x2048xf32>
    %add3A_1864 = arith.addf %add3A_1854, %max3A_1863 : vector<8x2048xf32>
    %get3A_1865 = arith.constant 488 : index
    %get3A_1866 = arith.constant 0 : index
    %get3A_1867 = vector.load %arg1[%get3A_1865, %get3A_1866] : memref<1000x2048xf32, #tpu.memory_space<vmem>>, vector<8x2048xf32>
    %broadcast_in_dim3A_1868 = vector.shape_cast %sub3A_1253 : vector<2048xf32> to vector<1x2048xf32>
    %sub3A_1869 = vector.broadcast %broadcast_in_dim3A_1868 : vector<1x2048xf32> to vector<8x2048xf32>
    %sub3A_1870 = arith.subf %get3A_1867, %sub3A_1869 : vector<8x2048xf32>
    %max3A_1871 = arith.constant 0.000000e+00 : f32
    %max3A_1872 = vector.broadcast %max3A_1871 : f32 to vector<8x2048xf32>
    %max3A_1873 = arith.maximumf %sub3A_1870, %max3A_1872 : vector<8x2048xf32>
    %add3A_1874 = arith.addf %add3A_1864, %max3A_1873 : vector<8x2048xf32>
    %get3A_1875 = arith.constant 496 : index
    %get3A_1876 = arith.constant 0 : index
    %get3A_1877 = vector.load %arg1[%get3A_1875, %get3A_1876] : memref<1000x2048xf32, #tpu.memory_space<vmem>>, vector<8x2048xf32>
    %broadcast_in_dim3A_1878 = vector.shape_cast %sub3A_1253 : vector<2048xf32> to vector<1x2048xf32>
    %sub3A_1879 = vector.broadcast %broadcast_in_dim3A_1878 : vector<1x2048xf32> to vector<8x2048xf32>
    %sub3A_1880 = arith.subf %get3A_1877, %sub3A_1879 : vector<8x2048xf32>
    %max3A_1881 = arith.constant 0.000000e+00 : f32
    %max3A_1882 = vector.broadcast %max3A_1881 : f32 to vector<8x2048xf32>
    %max3A_1883 = arith.maximumf %sub3A_1880, %max3A_1882 : vector<8x2048xf32>
    %add3A_1884 = arith.addf %add3A_1874, %max3A_1883 : vector<8x2048xf32>
    %get3A_1885 = arith.constant 504 : index
    %get3A_1886 = arith.constant 0 : index
    %get3A_1887 = vector.load %arg1[%get3A_1885, %get3A_1886] : memref<1000x2048xf32, #tpu.memory_space<vmem>>, vector<8x2048xf32>
    %broadcast_in_dim3A_1888 = vector.shape_cast %sub3A_1253 : vector<2048xf32> to vector<1x2048xf32>
    %sub3A_1889 = vector.broadcast %broadcast_in_dim3A_1888 : vector<1x2048xf32> to vector<8x2048xf32>
    %sub3A_1890 = arith.subf %get3A_1887, %sub3A_1889 : vector<8x2048xf32>
    %max3A_1891 = arith.constant 0.000000e+00 : f32
    %max3A_1892 = vector.broadcast %max3A_1891 : f32 to vector<8x2048xf32>
    %max3A_1893 = arith.maximumf %sub3A_1890, %max3A_1892 : vector<8x2048xf32>
    %add3A_1894 = arith.addf %add3A_1884, %max3A_1893 : vector<8x2048xf32>
    %get3A_1895 = arith.constant 512 : index
    %get3A_1896 = arith.constant 0 : index
    %get3A_1897 = vector.load %arg1[%get3A_1895, %get3A_1896] : memref<1000x2048xf32, #tpu.memory_space<vmem>>, vector<8x2048xf32>
    %broadcast_in_dim3A_1898 = vector.shape_cast %sub3A_1253 : vector<2048xf32> to vector<1x2048xf32>
    %sub3A_1899 = vector.broadcast %broadcast_in_dim3A_1898 : vector<1x2048xf32> to vector<8x2048xf32>
    %sub3A_1900 = arith.subf %get3A_1897, %sub3A_1899 : vector<8x2048xf32>
    %max3A_1901 = arith.constant 0.000000e+00 : f32
    %max3A_1902 = vector.broadcast %max3A_1901 : f32 to vector<8x2048xf32>
    %max3A_1903 = arith.maximumf %sub3A_1900, %max3A_1902 : vector<8x2048xf32>
    %add3A_1904 = arith.addf %add3A_1894, %max3A_1903 : vector<8x2048xf32>
    %get3A_1905 = arith.constant 520 : index
    %get3A_1906 = arith.constant 0 : index
    %get3A_1907 = vector.load %arg1[%get3A_1905, %get3A_1906] : memref<1000x2048xf32, #tpu.memory_space<vmem>>, vector<8x2048xf32>
    %broadcast_in_dim3A_1908 = vector.shape_cast %sub3A_1253 : vector<2048xf32> to vector<1x2048xf32>
    %sub3A_1909 = vector.broadcast %broadcast_in_dim3A_1908 : vector<1x2048xf32> to vector<8x2048xf32>
    %sub3A_1910 = arith.subf %get3A_1907, %sub3A_1909 : vector<8x2048xf32>
    %max3A_1911 = arith.constant 0.000000e+00 : f32
    %max3A_1912 = vector.broadcast %max3A_1911 : f32 to vector<8x2048xf32>
    %max3A_1913 = arith.maximumf %sub3A_1910, %max3A_1912 : vector<8x2048xf32>
    %add3A_1914 = arith.addf %add3A_1904, %max3A_1913 : vector<8x2048xf32>
    %get3A_1915 = arith.constant 528 : index
    %get3A_1916 = arith.constant 0 : index
    %get3A_1917 = vector.load %arg1[%get3A_1915, %get3A_1916] : memref<1000x2048xf32, #tpu.memory_space<vmem>>, vector<8x2048xf32>
    %broadcast_in_dim3A_1918 = vector.shape_cast %sub3A_1253 : vector<2048xf32> to vector<1x2048xf32>
    %sub3A_1919 = vector.broadcast %broadcast_in_dim3A_1918 : vector<1x2048xf32> to vector<8x2048xf32>
    %sub3A_1920 = arith.subf %get3A_1917, %sub3A_1919 : vector<8x2048xf32>
    %max3A_1921 = arith.constant 0.000000e+00 : f32
    %max3A_1922 = vector.broadcast %max3A_1921 : f32 to vector<8x2048xf32>
    %max3A_1923 = arith.maximumf %sub3A_1920, %max3A_1922 : vector<8x2048xf32>
    %add3A_1924 = arith.addf %add3A_1914, %max3A_1923 : vector<8x2048xf32>
    %get3A_1925 = arith.constant 536 : index
    %get3A_1926 = arith.constant 0 : index
    %get3A_1927 = vector.load %arg1[%get3A_1925, %get3A_1926] : memref<1000x2048xf32, #tpu.memory_space<vmem>>, vector<8x2048xf32>
    %broadcast_in_dim3A_1928 = vector.shape_cast %sub3A_1253 : vector<2048xf32> to vector<1x2048xf32>
    %sub3A_1929 = vector.broadcast %broadcast_in_dim3A_1928 : vector<1x2048xf32> to vector<8x2048xf32>
    %sub3A_1930 = arith.subf %get3A_1927, %sub3A_1929 : vector<8x2048xf32>
    %max3A_1931 = arith.constant 0.000000e+00 : f32
    %max3A_1932 = vector.broadcast %max3A_1931 : f32 to vector<8x2048xf32>
    %max3A_1933 = arith.maximumf %sub3A_1930, %max3A_1932 : vector<8x2048xf32>
    %add3A_1934 = arith.addf %add3A_1924, %max3A_1933 : vector<8x2048xf32>
    %get3A_1935 = arith.constant 544 : index
    %get3A_1936 = arith.constant 0 : index
    %get3A_1937 = vector.load %arg1[%get3A_1935, %get3A_1936] : memref<1000x2048xf32, #tpu.memory_space<vmem>>, vector<8x2048xf32>
    %broadcast_in_dim3A_1938 = vector.shape_cast %sub3A_1253 : vector<2048xf32> to vector<1x2048xf32>
    %sub3A_1939 = vector.broadcast %broadcast_in_dim3A_1938 : vector<1x2048xf32> to vector<8x2048xf32>
    %sub3A_1940 = arith.subf %get3A_1937, %sub3A_1939 : vector<8x2048xf32>
    %max3A_1941 = arith.constant 0.000000e+00 : f32
    %max3A_1942 = vector.broadcast %max3A_1941 : f32 to vector<8x2048xf32>
    %max3A_1943 = arith.maximumf %sub3A_1940, %max3A_1942 : vector<8x2048xf32>
    %add3A_1944 = arith.addf %add3A_1934, %max3A_1943 : vector<8x2048xf32>
    %get3A_1945 = arith.constant 552 : index
    %get3A_1946 = arith.constant 0 : index
    %get3A_1947 = vector.load %arg1[%get3A_1945, %get3A_1946] : memref<1000x2048xf32, #tpu.memory_space<vmem>>, vector<8x2048xf32>
    %broadcast_in_dim3A_1948 = vector.shape_cast %sub3A_1253 : vector<2048xf32> to vector<1x2048xf32>
    %sub3A_1949 = vector.broadcast %broadcast_in_dim3A_1948 : vector<1x2048xf32> to vector<8x2048xf32>
    %sub3A_1950 = arith.subf %get3A_1947, %sub3A_1949 : vector<8x2048xf32>
    %max3A_1951 = arith.constant 0.000000e+00 : f32
    %max3A_1952 = vector.broadcast %max3A_1951 : f32 to vector<8x2048xf32>
    %max3A_1953 = arith.maximumf %sub3A_1950, %max3A_1952 : vector<8x2048xf32>
    %add3A_1954 = arith.addf %add3A_1944, %max3A_1953 : vector<8x2048xf32>
    %get3A_1955 = arith.constant 560 : index
    %get3A_1956 = arith.constant 0 : index
    %get3A_1957 = vector.load %arg1[%get3A_1955, %get3A_1956] : memref<1000x2048xf32, #tpu.memory_space<vmem>>, vector<8x2048xf32>
    %broadcast_in_dim3A_1958 = vector.shape_cast %sub3A_1253 : vector<2048xf32> to vector<1x2048xf32>
    %sub3A_1959 = vector.broadcast %broadcast_in_dim3A_1958 : vector<1x2048xf32> to vector<8x2048xf32>
    %sub3A_1960 = arith.subf %get3A_1957, %sub3A_1959 : vector<8x2048xf32>
    %max3A_1961 = arith.constant 0.000000e+00 : f32
    %max3A_1962 = vector.broadcast %max3A_1961 : f32 to vector<8x2048xf32>
    %max3A_1963 = arith.maximumf %sub3A_1960, %max3A_1962 : vector<8x2048xf32>
    %add3A_1964 = arith.addf %add3A_1954, %max3A_1963 : vector<8x2048xf32>
    %get3A_1965 = arith.constant 568 : index
    %get3A_1966 = arith.constant 0 : index
    %get3A_1967 = vector.load %arg1[%get3A_1965, %get3A_1966] : memref<1000x2048xf32, #tpu.memory_space<vmem>>, vector<8x2048xf32>
    %broadcast_in_dim3A_1968 = vector.shape_cast %sub3A_1253 : vector<2048xf32> to vector<1x2048xf32>
    %sub3A_1969 = vector.broadcast %broadcast_in_dim3A_1968 : vector<1x2048xf32> to vector<8x2048xf32>
    %sub3A_1970 = arith.subf %get3A_1967, %sub3A_1969 : vector<8x2048xf32>
    %max3A_1971 = arith.constant 0.000000e+00 : f32
    %max3A_1972 = vector.broadcast %max3A_1971 : f32 to vector<8x2048xf32>
    %max3A_1973 = arith.maximumf %sub3A_1970, %max3A_1972 : vector<8x2048xf32>
    %add3A_1974 = arith.addf %add3A_1964, %max3A_1973 : vector<8x2048xf32>
    %get3A_1975 = arith.constant 576 : index
    %get3A_1976 = arith.constant 0 : index
    %get3A_1977 = vector.load %arg1[%get3A_1975, %get3A_1976] : memref<1000x2048xf32, #tpu.memory_space<vmem>>, vector<8x2048xf32>
    %broadcast_in_dim3A_1978 = vector.shape_cast %sub3A_1253 : vector<2048xf32> to vector<1x2048xf32>
    %sub3A_1979 = vector.broadcast %broadcast_in_dim3A_1978 : vector<1x2048xf32> to vector<8x2048xf32>
    %sub3A_1980 = arith.subf %get3A_1977, %sub3A_1979 : vector<8x2048xf32>
    %max3A_1981 = arith.constant 0.000000e+00 : f32
    %max3A_1982 = vector.broadcast %max3A_1981 : f32 to vector<8x2048xf32>
    %max3A_1983 = arith.maximumf %sub3A_1980, %max3A_1982 : vector<8x2048xf32>
    %add3A_1984 = arith.addf %add3A_1974, %max3A_1983 : vector<8x2048xf32>
    %get3A_1985 = arith.constant 584 : index
    %get3A_1986 = arith.constant 0 : index
    %get3A_1987 = vector.load %arg1[%get3A_1985, %get3A_1986] : memref<1000x2048xf32, #tpu.memory_space<vmem>>, vector<8x2048xf32>
    %broadcast_in_dim3A_1988 = vector.shape_cast %sub3A_1253 : vector<2048xf32> to vector<1x2048xf32>
    %sub3A_1989 = vector.broadcast %broadcast_in_dim3A_1988 : vector<1x2048xf32> to vector<8x2048xf32>
    %sub3A_1990 = arith.subf %get3A_1987, %sub3A_1989 : vector<8x2048xf32>
    %max3A_1991 = arith.constant 0.000000e+00 : f32
    %max3A_1992 = vector.broadcast %max3A_1991 : f32 to vector<8x2048xf32>
    %max3A_1993 = arith.maximumf %sub3A_1990, %max3A_1992 : vector<8x2048xf32>
    %add3A_1994 = arith.addf %add3A_1984, %max3A_1993 : vector<8x2048xf32>
    %get3A_1995 = arith.constant 592 : index
    %get3A_1996 = arith.constant 0 : index
    %get3A_1997 = vector.load %arg1[%get3A_1995, %get3A_1996] : memref<1000x2048xf32, #tpu.memory_space<vmem>>, vector<8x2048xf32>
    %broadcast_in_dim3A_1998 = vector.shape_cast %sub3A_1253 : vector<2048xf32> to vector<1x2048xf32>
    %sub3A_1999 = vector.broadcast %broadcast_in_dim3A_1998 : vector<1x2048xf32> to vector<8x2048xf32>
    %sub3A_2000 = arith.subf %get3A_1997, %sub3A_1999 : vector<8x2048xf32>
    %max3A_2001 = arith.constant 0.000000e+00 : f32
    %max3A_2002 = vector.broadcast %max3A_2001 : f32 to vector<8x2048xf32>
    %max3A_2003 = arith.maximumf %sub3A_2000, %max3A_2002 : vector<8x2048xf32>
    %add3A_2004 = arith.addf %add3A_1994, %max3A_2003 : vector<8x2048xf32>
    %get3A_2005 = arith.constant 600 : index
    %get3A_2006 = arith.constant 0 : index
    %get3A_2007 = vector.load %arg1[%get3A_2005, %get3A_2006] : memref<1000x2048xf32, #tpu.memory_space<vmem>>, vector<8x2048xf32>
    %broadcast_in_dim3A_2008 = vector.shape_cast %sub3A_1253 : vector<2048xf32> to vector<1x2048xf32>
    %sub3A_2009 = vector.broadcast %broadcast_in_dim3A_2008 : vector<1x2048xf32> to vector<8x2048xf32>
    %sub3A_2010 = arith.subf %get3A_2007, %sub3A_2009 : vector<8x2048xf32>
    %max3A_2011 = arith.constant 0.000000e+00 : f32
    %max3A_2012 = vector.broadcast %max3A_2011 : f32 to vector<8x2048xf32>
    %max3A_2013 = arith.maximumf %sub3A_2010, %max3A_2012 : vector<8x2048xf32>
    %add3A_2014 = arith.addf %add3A_2004, %max3A_2013 : vector<8x2048xf32>
    %get3A_2015 = arith.constant 608 : index
    %get3A_2016 = arith.constant 0 : index
    %get3A_2017 = vector.load %arg1[%get3A_2015, %get3A_2016] : memref<1000x2048xf32, #tpu.memory_space<vmem>>, vector<8x2048xf32>
    %broadcast_in_dim3A_2018 = vector.shape_cast %sub3A_1253 : vector<2048xf32> to vector<1x2048xf32>
    %sub3A_2019 = vector.broadcast %broadcast_in_dim3A_2018 : vector<1x2048xf32> to vector<8x2048xf32>
    %sub3A_2020 = arith.subf %get3A_2017, %sub3A_2019 : vector<8x2048xf32>
    %max3A_2021 = arith.constant 0.000000e+00 : f32
    %max3A_2022 = vector.broadcast %max3A_2021 : f32 to vector<8x2048xf32>
    %max3A_2023 = arith.maximumf %sub3A_2020, %max3A_2022 : vector<8x2048xf32>
    %add3A_2024 = arith.addf %add3A_2014, %max3A_2023 : vector<8x2048xf32>
    %get3A_2025 = arith.constant 616 : index
    %get3A_2026 = arith.constant 0 : index
    %get3A_2027 = vector.load %arg1[%get3A_2025, %get3A_2026] : memref<1000x2048xf32, #tpu.memory_space<vmem>>, vector<8x2048xf32>
    %broadcast_in_dim3A_2028 = vector.shape_cast %sub3A_1253 : vector<2048xf32> to vector<1x2048xf32>
    %sub3A_2029 = vector.broadcast %broadcast_in_dim3A_2028 : vector<1x2048xf32> to vector<8x2048xf32>
    %sub3A_2030 = arith.subf %get3A_2027, %sub3A_2029 : vector<8x2048xf32>
    %max3A_2031 = arith.constant 0.000000e+00 : f32
    %max3A_2032 = vector.broadcast %max3A_2031 : f32 to vector<8x2048xf32>
    %max3A_2033 = arith.maximumf %sub3A_2030, %max3A_2032 : vector<8x2048xf32>
    %add3A_2034 = arith.addf %add3A_2024, %max3A_2033 : vector<8x2048xf32>
    %get3A_2035 = arith.constant 624 : index
    %get3A_2036 = arith.constant 0 : index
    %get3A_2037 = vector.load %arg1[%get3A_2035, %get3A_2036] : memref<1000x2048xf32, #tpu.memory_space<vmem>>, vector<8x2048xf32>
    %broadcast_in_dim3A_2038 = vector.shape_cast %sub3A_1253 : vector<2048xf32> to vector<1x2048xf32>
    %sub3A_2039 = vector.broadcast %broadcast_in_dim3A_2038 : vector<1x2048xf32> to vector<8x2048xf32>
    %sub3A_2040 = arith.subf %get3A_2037, %sub3A_2039 : vector<8x2048xf32>
    %max3A_2041 = arith.constant 0.000000e+00 : f32
    %max3A_2042 = vector.broadcast %max3A_2041 : f32 to vector<8x2048xf32>
    %max3A_2043 = arith.maximumf %sub3A_2040, %max3A_2042 : vector<8x2048xf32>
    %add3A_2044 = arith.addf %add3A_2034, %max3A_2043 : vector<8x2048xf32>
    %get3A_2045 = arith.constant 632 : index
    %get3A_2046 = arith.constant 0 : index
    %get3A_2047 = vector.load %arg1[%get3A_2045, %get3A_2046] : memref<1000x2048xf32, #tpu.memory_space<vmem>>, vector<8x2048xf32>
    %broadcast_in_dim3A_2048 = vector.shape_cast %sub3A_1253 : vector<2048xf32> to vector<1x2048xf32>
    %sub3A_2049 = vector.broadcast %broadcast_in_dim3A_2048 : vector<1x2048xf32> to vector<8x2048xf32>
    %sub3A_2050 = arith.subf %get3A_2047, %sub3A_2049 : vector<8x2048xf32>
    %max3A_2051 = arith.constant 0.000000e+00 : f32
    %max3A_2052 = vector.broadcast %max3A_2051 : f32 to vector<8x2048xf32>
    %max3A_2053 = arith.maximumf %sub3A_2050, %max3A_2052 : vector<8x2048xf32>
    %add3A_2054 = arith.addf %add3A_2044, %max3A_2053 : vector<8x2048xf32>
    %get3A_2055 = arith.constant 640 : index
    %get3A_2056 = arith.constant 0 : index
    %get3A_2057 = vector.load %arg1[%get3A_2055, %get3A_2056] : memref<1000x2048xf32, #tpu.memory_space<vmem>>, vector<8x2048xf32>
    %broadcast_in_dim3A_2058 = vector.shape_cast %sub3A_1253 : vector<2048xf32> to vector<1x2048xf32>
    %sub3A_2059 = vector.broadcast %broadcast_in_dim3A_2058 : vector<1x2048xf32> to vector<8x2048xf32>
    %sub3A_2060 = arith.subf %get3A_2057, %sub3A_2059 : vector<8x2048xf32>
    %max3A_2061 = arith.constant 0.000000e+00 : f32
    %max3A_2062 = vector.broadcast %max3A_2061 : f32 to vector<8x2048xf32>
    %max3A_2063 = arith.maximumf %sub3A_2060, %max3A_2062 : vector<8x2048xf32>
    %add3A_2064 = arith.addf %add3A_2054, %max3A_2063 : vector<8x2048xf32>
    %get3A_2065 = arith.constant 648 : index
    %get3A_2066 = arith.constant 0 : index
    %get3A_2067 = vector.load %arg1[%get3A_2065, %get3A_2066] : memref<1000x2048xf32, #tpu.memory_space<vmem>>, vector<8x2048xf32>
    %broadcast_in_dim3A_2068 = vector.shape_cast %sub3A_1253 : vector<2048xf32> to vector<1x2048xf32>
    %sub3A_2069 = vector.broadcast %broadcast_in_dim3A_2068 : vector<1x2048xf32> to vector<8x2048xf32>
    %sub3A_2070 = arith.subf %get3A_2067, %sub3A_2069 : vector<8x2048xf32>
    %max3A_2071 = arith.constant 0.000000e+00 : f32
    %max3A_2072 = vector.broadcast %max3A_2071 : f32 to vector<8x2048xf32>
    %max3A_2073 = arith.maximumf %sub3A_2070, %max3A_2072 : vector<8x2048xf32>
    %add3A_2074 = arith.addf %add3A_2064, %max3A_2073 : vector<8x2048xf32>
    %get3A_2075 = arith.constant 656 : index
    %get3A_2076 = arith.constant 0 : index
    %get3A_2077 = vector.load %arg1[%get3A_2075, %get3A_2076] : memref<1000x2048xf32, #tpu.memory_space<vmem>>, vector<8x2048xf32>
    %broadcast_in_dim3A_2078 = vector.shape_cast %sub3A_1253 : vector<2048xf32> to vector<1x2048xf32>
    %sub3A_2079 = vector.broadcast %broadcast_in_dim3A_2078 : vector<1x2048xf32> to vector<8x2048xf32>
    %sub3A_2080 = arith.subf %get3A_2077, %sub3A_2079 : vector<8x2048xf32>
    %max3A_2081 = arith.constant 0.000000e+00 : f32
    %max3A_2082 = vector.broadcast %max3A_2081 : f32 to vector<8x2048xf32>
    %max3A_2083 = arith.maximumf %sub3A_2080, %max3A_2082 : vector<8x2048xf32>
    %add3A_2084 = arith.addf %add3A_2074, %max3A_2083 : vector<8x2048xf32>
    %get3A_2085 = arith.constant 664 : index
    %get3A_2086 = arith.constant 0 : index
    %get3A_2087 = vector.load %arg1[%get3A_2085, %get3A_2086] : memref<1000x2048xf32, #tpu.memory_space<vmem>>, vector<8x2048xf32>
    %broadcast_in_dim3A_2088 = vector.shape_cast %sub3A_1253 : vector<2048xf32> to vector<1x2048xf32>
    %sub3A_2089 = vector.broadcast %broadcast_in_dim3A_2088 : vector<1x2048xf32> to vector<8x2048xf32>
    %sub3A_2090 = arith.subf %get3A_2087, %sub3A_2089 : vector<8x2048xf32>
    %max3A_2091 = arith.constant 0.000000e+00 : f32
    %max3A_2092 = vector.broadcast %max3A_2091 : f32 to vector<8x2048xf32>
    %max3A_2093 = arith.maximumf %sub3A_2090, %max3A_2092 : vector<8x2048xf32>
    %add3A_2094 = arith.addf %add3A_2084, %max3A_2093 : vector<8x2048xf32>
    %get3A_2095 = arith.constant 672 : index
    %get3A_2096 = arith.constant 0 : index
    %get3A_2097 = vector.load %arg1[%get3A_2095, %get3A_2096] : memref<1000x2048xf32, #tpu.memory_space<vmem>>, vector<8x2048xf32>
    %broadcast_in_dim3A_2098 = vector.shape_cast %sub3A_1253 : vector<2048xf32> to vector<1x2048xf32>
    %sub3A_2099 = vector.broadcast %broadcast_in_dim3A_2098 : vector<1x2048xf32> to vector<8x2048xf32>
    %sub3A_2100 = arith.subf %get3A_2097, %sub3A_2099 : vector<8x2048xf32>
    %max3A_2101 = arith.constant 0.000000e+00 : f32
    %max3A_2102 = vector.broadcast %max3A_2101 : f32 to vector<8x2048xf32>
    %max3A_2103 = arith.maximumf %sub3A_2100, %max3A_2102 : vector<8x2048xf32>
    %add3A_2104 = arith.addf %add3A_2094, %max3A_2103 : vector<8x2048xf32>
    %get3A_2105 = arith.constant 680 : index
    %get3A_2106 = arith.constant 0 : index
    %get3A_2107 = vector.load %arg1[%get3A_2105, %get3A_2106] : memref<1000x2048xf32, #tpu.memory_space<vmem>>, vector<8x2048xf32>
    %broadcast_in_dim3A_2108 = vector.shape_cast %sub3A_1253 : vector<2048xf32> to vector<1x2048xf32>
    %sub3A_2109 = vector.broadcast %broadcast_in_dim3A_2108 : vector<1x2048xf32> to vector<8x2048xf32>
    %sub3A_2110 = arith.subf %get3A_2107, %sub3A_2109 : vector<8x2048xf32>
    %max3A_2111 = arith.constant 0.000000e+00 : f32
    %max3A_2112 = vector.broadcast %max3A_2111 : f32 to vector<8x2048xf32>
    %max3A_2113 = arith.maximumf %sub3A_2110, %max3A_2112 : vector<8x2048xf32>
    %add3A_2114 = arith.addf %add3A_2104, %max3A_2113 : vector<8x2048xf32>
    %get3A_2115 = arith.constant 688 : index
    %get3A_2116 = arith.constant 0 : index
    %get3A_2117 = vector.load %arg1[%get3A_2115, %get3A_2116] : memref<1000x2048xf32, #tpu.memory_space<vmem>>, vector<8x2048xf32>
    %broadcast_in_dim3A_2118 = vector.shape_cast %sub3A_1253 : vector<2048xf32> to vector<1x2048xf32>
    %sub3A_2119 = vector.broadcast %broadcast_in_dim3A_2118 : vector<1x2048xf32> to vector<8x2048xf32>
    %sub3A_2120 = arith.subf %get3A_2117, %sub3A_2119 : vector<8x2048xf32>
    %max3A_2121 = arith.constant 0.000000e+00 : f32
    %max3A_2122 = vector.broadcast %max3A_2121 : f32 to vector<8x2048xf32>
    %max3A_2123 = arith.maximumf %sub3A_2120, %max3A_2122 : vector<8x2048xf32>
    %add3A_2124 = arith.addf %add3A_2114, %max3A_2123 : vector<8x2048xf32>
    %get3A_2125 = arith.constant 696 : index
    %get3A_2126 = arith.constant 0 : index
    %get3A_2127 = vector.load %arg1[%get3A_2125, %get3A_2126] : memref<1000x2048xf32, #tpu.memory_space<vmem>>, vector<8x2048xf32>
    %broadcast_in_dim3A_2128 = vector.shape_cast %sub3A_1253 : vector<2048xf32> to vector<1x2048xf32>
    %sub3A_2129 = vector.broadcast %broadcast_in_dim3A_2128 : vector<1x2048xf32> to vector<8x2048xf32>
    %sub3A_2130 = arith.subf %get3A_2127, %sub3A_2129 : vector<8x2048xf32>
    %max3A_2131 = arith.constant 0.000000e+00 : f32
    %max3A_2132 = vector.broadcast %max3A_2131 : f32 to vector<8x2048xf32>
    %max3A_2133 = arith.maximumf %sub3A_2130, %max3A_2132 : vector<8x2048xf32>
    %add3A_2134 = arith.addf %add3A_2124, %max3A_2133 : vector<8x2048xf32>
    %get3A_2135 = arith.constant 704 : index
    %get3A_2136 = arith.constant 0 : index
    %get3A_2137 = vector.load %arg1[%get3A_2135, %get3A_2136] : memref<1000x2048xf32, #tpu.memory_space<vmem>>, vector<8x2048xf32>
    %broadcast_in_dim3A_2138 = vector.shape_cast %sub3A_1253 : vector<2048xf32> to vector<1x2048xf32>
    %sub3A_2139 = vector.broadcast %broadcast_in_dim3A_2138 : vector<1x2048xf32> to vector<8x2048xf32>
    %sub3A_2140 = arith.subf %get3A_2137, %sub3A_2139 : vector<8x2048xf32>
    %max3A_2141 = arith.constant 0.000000e+00 : f32
    %max3A_2142 = vector.broadcast %max3A_2141 : f32 to vector<8x2048xf32>
    %max3A_2143 = arith.maximumf %sub3A_2140, %max3A_2142 : vector<8x2048xf32>
    %add3A_2144 = arith.addf %add3A_2134, %max3A_2143 : vector<8x2048xf32>
    %get3A_2145 = arith.constant 712 : index
    %get3A_2146 = arith.constant 0 : index
    %get3A_2147 = vector.load %arg1[%get3A_2145, %get3A_2146] : memref<1000x2048xf32, #tpu.memory_space<vmem>>, vector<8x2048xf32>
    %broadcast_in_dim3A_2148 = vector.shape_cast %sub3A_1253 : vector<2048xf32> to vector<1x2048xf32>
    %sub3A_2149 = vector.broadcast %broadcast_in_dim3A_2148 : vector<1x2048xf32> to vector<8x2048xf32>
    %sub3A_2150 = arith.subf %get3A_2147, %sub3A_2149 : vector<8x2048xf32>
    %max3A_2151 = arith.constant 0.000000e+00 : f32
    %max3A_2152 = vector.broadcast %max3A_2151 : f32 to vector<8x2048xf32>
    %max3A_2153 = arith.maximumf %sub3A_2150, %max3A_2152 : vector<8x2048xf32>
    %add3A_2154 = arith.addf %add3A_2144, %max3A_2153 : vector<8x2048xf32>
    %get3A_2155 = arith.constant 720 : index
    %get3A_2156 = arith.constant 0 : index
    %get3A_2157 = vector.load %arg1[%get3A_2155, %get3A_2156] : memref<1000x2048xf32, #tpu.memory_space<vmem>>, vector<8x2048xf32>
    %broadcast_in_dim3A_2158 = vector.shape_cast %sub3A_1253 : vector<2048xf32> to vector<1x2048xf32>
    %sub3A_2159 = vector.broadcast %broadcast_in_dim3A_2158 : vector<1x2048xf32> to vector<8x2048xf32>
    %sub3A_2160 = arith.subf %get3A_2157, %sub3A_2159 : vector<8x2048xf32>
    %max3A_2161 = arith.constant 0.000000e+00 : f32
    %max3A_2162 = vector.broadcast %max3A_2161 : f32 to vector<8x2048xf32>
    %max3A_2163 = arith.maximumf %sub3A_2160, %max3A_2162 : vector<8x2048xf32>
    %add3A_2164 = arith.addf %add3A_2154, %max3A_2163 : vector<8x2048xf32>
    %get3A_2165 = arith.constant 728 : index
    %get3A_2166 = arith.constant 0 : index
    %get3A_2167 = vector.load %arg1[%get3A_2165, %get3A_2166] : memref<1000x2048xf32, #tpu.memory_space<vmem>>, vector<8x2048xf32>
    %broadcast_in_dim3A_2168 = vector.shape_cast %sub3A_1253 : vector<2048xf32> to vector<1x2048xf32>
    %sub3A_2169 = vector.broadcast %broadcast_in_dim3A_2168 : vector<1x2048xf32> to vector<8x2048xf32>
    %sub3A_2170 = arith.subf %get3A_2167, %sub3A_2169 : vector<8x2048xf32>
    %max3A_2171 = arith.constant 0.000000e+00 : f32
    %max3A_2172 = vector.broadcast %max3A_2171 : f32 to vector<8x2048xf32>
    %max3A_2173 = arith.maximumf %sub3A_2170, %max3A_2172 : vector<8x2048xf32>
    %add3A_2174 = arith.addf %add3A_2164, %max3A_2173 : vector<8x2048xf32>
    %get3A_2175 = arith.constant 736 : index
    %get3A_2176 = arith.constant 0 : index
    %get3A_2177 = vector.load %arg1[%get3A_2175, %get3A_2176] : memref<1000x2048xf32, #tpu.memory_space<vmem>>, vector<8x2048xf32>
    %broadcast_in_dim3A_2178 = vector.shape_cast %sub3A_1253 : vector<2048xf32> to vector<1x2048xf32>
    %sub3A_2179 = vector.broadcast %broadcast_in_dim3A_2178 : vector<1x2048xf32> to vector<8x2048xf32>
    %sub3A_2180 = arith.subf %get3A_2177, %sub3A_2179 : vector<8x2048xf32>
    %max3A_2181 = arith.constant 0.000000e+00 : f32
    %max3A_2182 = vector.broadcast %max3A_2181 : f32 to vector<8x2048xf32>
    %max3A_2183 = arith.maximumf %sub3A_2180, %max3A_2182 : vector<8x2048xf32>
    %add3A_2184 = arith.addf %add3A_2174, %max3A_2183 : vector<8x2048xf32>
    %get3A_2185 = arith.constant 744 : index
    %get3A_2186 = arith.constant 0 : index
    %get3A_2187 = vector.load %arg1[%get3A_2185, %get3A_2186] : memref<1000x2048xf32, #tpu.memory_space<vmem>>, vector<8x2048xf32>
    %broadcast_in_dim3A_2188 = vector.shape_cast %sub3A_1253 : vector<2048xf32> to vector<1x2048xf32>
    %sub3A_2189 = vector.broadcast %broadcast_in_dim3A_2188 : vector<1x2048xf32> to vector<8x2048xf32>
    %sub3A_2190 = arith.subf %get3A_2187, %sub3A_2189 : vector<8x2048xf32>
    %max3A_2191 = arith.constant 0.000000e+00 : f32
    %max3A_2192 = vector.broadcast %max3A_2191 : f32 to vector<8x2048xf32>
    %max3A_2193 = arith.maximumf %sub3A_2190, %max3A_2192 : vector<8x2048xf32>
    %add3A_2194 = arith.addf %add3A_2184, %max3A_2193 : vector<8x2048xf32>
    %get3A_2195 = arith.constant 752 : index
    %get3A_2196 = arith.constant 0 : index
    %get3A_2197 = vector.load %arg1[%get3A_2195, %get3A_2196] : memref<1000x2048xf32, #tpu.memory_space<vmem>>, vector<8x2048xf32>
    %broadcast_in_dim3A_2198 = vector.shape_cast %sub3A_1253 : vector<2048xf32> to vector<1x2048xf32>
    %sub3A_2199 = vector.broadcast %broadcast_in_dim3A_2198 : vector<1x2048xf32> to vector<8x2048xf32>
    %sub3A_2200 = arith.subf %get3A_2197, %sub3A_2199 : vector<8x2048xf32>
    %max3A_2201 = arith.constant 0.000000e+00 : f32
    %max3A_2202 = vector.broadcast %max3A_2201 : f32 to vector<8x2048xf32>
    %max3A_2203 = arith.maximumf %sub3A_2200, %max3A_2202 : vector<8x2048xf32>
    %add3A_2204 = arith.addf %add3A_2194, %max3A_2203 : vector<8x2048xf32>
    %get3A_2205 = arith.constant 760 : index
    %get3A_2206 = arith.constant 0 : index
    %get3A_2207 = vector.load %arg1[%get3A_2205, %get3A_2206] : memref<1000x2048xf32, #tpu.memory_space<vmem>>, vector<8x2048xf32>
    %broadcast_in_dim3A_2208 = vector.shape_cast %sub3A_1253 : vector<2048xf32> to vector<1x2048xf32>
    %sub3A_2209 = vector.broadcast %broadcast_in_dim3A_2208 : vector<1x2048xf32> to vector<8x2048xf32>
    %sub3A_2210 = arith.subf %get3A_2207, %sub3A_2209 : vector<8x2048xf32>
    %max3A_2211 = arith.constant 0.000000e+00 : f32
    %max3A_2212 = vector.broadcast %max3A_2211 : f32 to vector<8x2048xf32>
    %max3A_2213 = arith.maximumf %sub3A_2210, %max3A_2212 : vector<8x2048xf32>
    %add3A_2214 = arith.addf %add3A_2204, %max3A_2213 : vector<8x2048xf32>
    %get3A_2215 = arith.constant 768 : index
    %get3A_2216 = arith.constant 0 : index
    %get3A_2217 = vector.load %arg1[%get3A_2215, %get3A_2216] : memref<1000x2048xf32, #tpu.memory_space<vmem>>, vector<8x2048xf32>
    %broadcast_in_dim3A_2218 = vector.shape_cast %sub3A_1253 : vector<2048xf32> to vector<1x2048xf32>
    %sub3A_2219 = vector.broadcast %broadcast_in_dim3A_2218 : vector<1x2048xf32> to vector<8x2048xf32>
    %sub3A_2220 = arith.subf %get3A_2217, %sub3A_2219 : vector<8x2048xf32>
    %max3A_2221 = arith.constant 0.000000e+00 : f32
    %max3A_2222 = vector.broadcast %max3A_2221 : f32 to vector<8x2048xf32>
    %max3A_2223 = arith.maximumf %sub3A_2220, %max3A_2222 : vector<8x2048xf32>
    %add3A_2224 = arith.addf %add3A_2214, %max3A_2223 : vector<8x2048xf32>
    %get3A_2225 = arith.constant 776 : index
    %get3A_2226 = arith.constant 0 : index
    %get3A_2227 = vector.load %arg1[%get3A_2225, %get3A_2226] : memref<1000x2048xf32, #tpu.memory_space<vmem>>, vector<8x2048xf32>
    %broadcast_in_dim3A_2228 = vector.shape_cast %sub3A_1253 : vector<2048xf32> to vector<1x2048xf32>
    %sub3A_2229 = vector.broadcast %broadcast_in_dim3A_2228 : vector<1x2048xf32> to vector<8x2048xf32>
    %sub3A_2230 = arith.subf %get3A_2227, %sub3A_2229 : vector<8x2048xf32>
    %max3A_2231 = arith.constant 0.000000e+00 : f32
    %max3A_2232 = vector.broadcast %max3A_2231 : f32 to vector<8x2048xf32>
    %max3A_2233 = arith.maximumf %sub3A_2230, %max3A_2232 : vector<8x2048xf32>
    %add3A_2234 = arith.addf %add3A_2224, %max3A_2233 : vector<8x2048xf32>
    %get3A_2235 = arith.constant 784 : index
    %get3A_2236 = arith.constant 0 : index
    %get3A_2237 = vector.load %arg1[%get3A_2235, %get3A_2236] : memref<1000x2048xf32, #tpu.memory_space<vmem>>, vector<8x2048xf32>
    %broadcast_in_dim3A_2238 = vector.shape_cast %sub3A_1253 : vector<2048xf32> to vector<1x2048xf32>
    %sub3A_2239 = vector.broadcast %broadcast_in_dim3A_2238 : vector<1x2048xf32> to vector<8x2048xf32>
    %sub3A_2240 = arith.subf %get3A_2237, %sub3A_2239 : vector<8x2048xf32>
    %max3A_2241 = arith.constant 0.000000e+00 : f32
    %max3A_2242 = vector.broadcast %max3A_2241 : f32 to vector<8x2048xf32>
    %max3A_2243 = arith.maximumf %sub3A_2240, %max3A_2242 : vector<8x2048xf32>
    %add3A_2244 = arith.addf %add3A_2234, %max3A_2243 : vector<8x2048xf32>
    %get3A_2245 = arith.constant 792 : index
    %get3A_2246 = arith.constant 0 : index
    %get3A_2247 = vector.load %arg1[%get3A_2245, %get3A_2246] : memref<1000x2048xf32, #tpu.memory_space<vmem>>, vector<8x2048xf32>
    %broadcast_in_dim3A_2248 = vector.shape_cast %sub3A_1253 : vector<2048xf32> to vector<1x2048xf32>
    %sub3A_2249 = vector.broadcast %broadcast_in_dim3A_2248 : vector<1x2048xf32> to vector<8x2048xf32>
    %sub3A_2250 = arith.subf %get3A_2247, %sub3A_2249 : vector<8x2048xf32>
    %max3A_2251 = arith.constant 0.000000e+00 : f32
    %max3A_2252 = vector.broadcast %max3A_2251 : f32 to vector<8x2048xf32>
    %max3A_2253 = arith.maximumf %sub3A_2250, %max3A_2252 : vector<8x2048xf32>
    %add3A_2254 = arith.addf %add3A_2244, %max3A_2253 : vector<8x2048xf32>
    %get3A_2255 = arith.constant 800 : index
    %get3A_2256 = arith.constant 0 : index
    %get3A_2257 = vector.load %arg1[%get3A_2255, %get3A_2256] : memref<1000x2048xf32, #tpu.memory_space<vmem>>, vector<8x2048xf32>
    %broadcast_in_dim3A_2258 = vector.shape_cast %sub3A_1253 : vector<2048xf32> to vector<1x2048xf32>
    %sub3A_2259 = vector.broadcast %broadcast_in_dim3A_2258 : vector<1x2048xf32> to vector<8x2048xf32>
    %sub3A_2260 = arith.subf %get3A_2257, %sub3A_2259 : vector<8x2048xf32>
    %max3A_2261 = arith.constant 0.000000e+00 : f32
    %max3A_2262 = vector.broadcast %max3A_2261 : f32 to vector<8x2048xf32>
    %max3A_2263 = arith.maximumf %sub3A_2260, %max3A_2262 : vector<8x2048xf32>
    %add3A_2264 = arith.addf %add3A_2254, %max3A_2263 : vector<8x2048xf32>
    %get3A_2265 = arith.constant 808 : index
    %get3A_2266 = arith.constant 0 : index
    %get3A_2267 = vector.load %arg1[%get3A_2265, %get3A_2266] : memref<1000x2048xf32, #tpu.memory_space<vmem>>, vector<8x2048xf32>
    %broadcast_in_dim3A_2268 = vector.shape_cast %sub3A_1253 : vector<2048xf32> to vector<1x2048xf32>
    %sub3A_2269 = vector.broadcast %broadcast_in_dim3A_2268 : vector<1x2048xf32> to vector<8x2048xf32>
    %sub3A_2270 = arith.subf %get3A_2267, %sub3A_2269 : vector<8x2048xf32>
    %max3A_2271 = arith.constant 0.000000e+00 : f32
    %max3A_2272 = vector.broadcast %max3A_2271 : f32 to vector<8x2048xf32>
    %max3A_2273 = arith.maximumf %sub3A_2270, %max3A_2272 : vector<8x2048xf32>
    %add3A_2274 = arith.addf %add3A_2264, %max3A_2273 : vector<8x2048xf32>
    %get3A_2275 = arith.constant 816 : index
    %get3A_2276 = arith.constant 0 : index
    %get3A_2277 = vector.load %arg1[%get3A_2275, %get3A_2276] : memref<1000x2048xf32, #tpu.memory_space<vmem>>, vector<8x2048xf32>
    %broadcast_in_dim3A_2278 = vector.shape_cast %sub3A_1253 : vector<2048xf32> to vector<1x2048xf32>
    %sub3A_2279 = vector.broadcast %broadcast_in_dim3A_2278 : vector<1x2048xf32> to vector<8x2048xf32>
    %sub3A_2280 = arith.subf %get3A_2277, %sub3A_2279 : vector<8x2048xf32>
    %max3A_2281 = arith.constant 0.000000e+00 : f32
    %max3A_2282 = vector.broadcast %max3A_2281 : f32 to vector<8x2048xf32>
    %max3A_2283 = arith.maximumf %sub3A_2280, %max3A_2282 : vector<8x2048xf32>
    %add3A_2284 = arith.addf %add3A_2274, %max3A_2283 : vector<8x2048xf32>
    %get3A_2285 = arith.constant 824 : index
    %get3A_2286 = arith.constant 0 : index
    %get3A_2287 = vector.load %arg1[%get3A_2285, %get3A_2286] : memref<1000x2048xf32, #tpu.memory_space<vmem>>, vector<8x2048xf32>
    %broadcast_in_dim3A_2288 = vector.shape_cast %sub3A_1253 : vector<2048xf32> to vector<1x2048xf32>
    %sub3A_2289 = vector.broadcast %broadcast_in_dim3A_2288 : vector<1x2048xf32> to vector<8x2048xf32>
    %sub3A_2290 = arith.subf %get3A_2287, %sub3A_2289 : vector<8x2048xf32>
    %max3A_2291 = arith.constant 0.000000e+00 : f32
    %max3A_2292 = vector.broadcast %max3A_2291 : f32 to vector<8x2048xf32>
    %max3A_2293 = arith.maximumf %sub3A_2290, %max3A_2292 : vector<8x2048xf32>
    %add3A_2294 = arith.addf %add3A_2284, %max3A_2293 : vector<8x2048xf32>
    %get3A_2295 = arith.constant 832 : index
    %get3A_2296 = arith.constant 0 : index
    %get3A_2297 = vector.load %arg1[%get3A_2295, %get3A_2296] : memref<1000x2048xf32, #tpu.memory_space<vmem>>, vector<8x2048xf32>
    %broadcast_in_dim3A_2298 = vector.shape_cast %sub3A_1253 : vector<2048xf32> to vector<1x2048xf32>
    %sub3A_2299 = vector.broadcast %broadcast_in_dim3A_2298 : vector<1x2048xf32> to vector<8x2048xf32>
    %sub3A_2300 = arith.subf %get3A_2297, %sub3A_2299 : vector<8x2048xf32>
    %max3A_2301 = arith.constant 0.000000e+00 : f32
    %max3A_2302 = vector.broadcast %max3A_2301 : f32 to vector<8x2048xf32>
    %max3A_2303 = arith.maximumf %sub3A_2300, %max3A_2302 : vector<8x2048xf32>
    %add3A_2304 = arith.addf %add3A_2294, %max3A_2303 : vector<8x2048xf32>
    %get3A_2305 = arith.constant 840 : index
    %get3A_2306 = arith.constant 0 : index
    %get3A_2307 = vector.load %arg1[%get3A_2305, %get3A_2306] : memref<1000x2048xf32, #tpu.memory_space<vmem>>, vector<8x2048xf32>
    %broadcast_in_dim3A_2308 = vector.shape_cast %sub3A_1253 : vector<2048xf32> to vector<1x2048xf32>
    %sub3A_2309 = vector.broadcast %broadcast_in_dim3A_2308 : vector<1x2048xf32> to vector<8x2048xf32>
    %sub3A_2310 = arith.subf %get3A_2307, %sub3A_2309 : vector<8x2048xf32>
    %max3A_2311 = arith.constant 0.000000e+00 : f32
    %max3A_2312 = vector.broadcast %max3A_2311 : f32 to vector<8x2048xf32>
    %max3A_2313 = arith.maximumf %sub3A_2310, %max3A_2312 : vector<8x2048xf32>
    %add3A_2314 = arith.addf %add3A_2304, %max3A_2313 : vector<8x2048xf32>
    %get3A_2315 = arith.constant 848 : index
    %get3A_2316 = arith.constant 0 : index
    %get3A_2317 = vector.load %arg1[%get3A_2315, %get3A_2316] : memref<1000x2048xf32, #tpu.memory_space<vmem>>, vector<8x2048xf32>
    %broadcast_in_dim3A_2318 = vector.shape_cast %sub3A_1253 : vector<2048xf32> to vector<1x2048xf32>
    %sub3A_2319 = vector.broadcast %broadcast_in_dim3A_2318 : vector<1x2048xf32> to vector<8x2048xf32>
    %sub3A_2320 = arith.subf %get3A_2317, %sub3A_2319 : vector<8x2048xf32>
    %max3A_2321 = arith.constant 0.000000e+00 : f32
    %max3A_2322 = vector.broadcast %max3A_2321 : f32 to vector<8x2048xf32>
    %max3A_2323 = arith.maximumf %sub3A_2320, %max3A_2322 : vector<8x2048xf32>
    %add3A_2324 = arith.addf %add3A_2314, %max3A_2323 : vector<8x2048xf32>
    %get3A_2325 = arith.constant 856 : index
    %get3A_2326 = arith.constant 0 : index
    %get3A_2327 = vector.load %arg1[%get3A_2325, %get3A_2326] : memref<1000x2048xf32, #tpu.memory_space<vmem>>, vector<8x2048xf32>
    %broadcast_in_dim3A_2328 = vector.shape_cast %sub3A_1253 : vector<2048xf32> to vector<1x2048xf32>
    %sub3A_2329 = vector.broadcast %broadcast_in_dim3A_2328 : vector<1x2048xf32> to vector<8x2048xf32>
    %sub3A_2330 = arith.subf %get3A_2327, %sub3A_2329 : vector<8x2048xf32>
    %max3A_2331 = arith.constant 0.000000e+00 : f32
    %max3A_2332 = vector.broadcast %max3A_2331 : f32 to vector<8x2048xf32>
    %max3A_2333 = arith.maximumf %sub3A_2330, %max3A_2332 : vector<8x2048xf32>
    %add3A_2334 = arith.addf %add3A_2324, %max3A_2333 : vector<8x2048xf32>
    %get3A_2335 = arith.constant 864 : index
    %get3A_2336 = arith.constant 0 : index
    %get3A_2337 = vector.load %arg1[%get3A_2335, %get3A_2336] : memref<1000x2048xf32, #tpu.memory_space<vmem>>, vector<8x2048xf32>
    %broadcast_in_dim3A_2338 = vector.shape_cast %sub3A_1253 : vector<2048xf32> to vector<1x2048xf32>
    %sub3A_2339 = vector.broadcast %broadcast_in_dim3A_2338 : vector<1x2048xf32> to vector<8x2048xf32>
    %sub3A_2340 = arith.subf %get3A_2337, %sub3A_2339 : vector<8x2048xf32>
    %max3A_2341 = arith.constant 0.000000e+00 : f32
    %max3A_2342 = vector.broadcast %max3A_2341 : f32 to vector<8x2048xf32>
    %max3A_2343 = arith.maximumf %sub3A_2340, %max3A_2342 : vector<8x2048xf32>
    %add3A_2344 = arith.addf %add3A_2334, %max3A_2343 : vector<8x2048xf32>
    %get3A_2345 = arith.constant 872 : index
    %get3A_2346 = arith.constant 0 : index
    %get3A_2347 = vector.load %arg1[%get3A_2345, %get3A_2346] : memref<1000x2048xf32, #tpu.memory_space<vmem>>, vector<8x2048xf32>
    %broadcast_in_dim3A_2348 = vector.shape_cast %sub3A_1253 : vector<2048xf32> to vector<1x2048xf32>
    %sub3A_2349 = vector.broadcast %broadcast_in_dim3A_2348 : vector<1x2048xf32> to vector<8x2048xf32>
    %sub3A_2350 = arith.subf %get3A_2347, %sub3A_2349 : vector<8x2048xf32>
    %max3A_2351 = arith.constant 0.000000e+00 : f32
    %max3A_2352 = vector.broadcast %max3A_2351 : f32 to vector<8x2048xf32>
    %max3A_2353 = arith.maximumf %sub3A_2350, %max3A_2352 : vector<8x2048xf32>
    %add3A_2354 = arith.addf %add3A_2344, %max3A_2353 : vector<8x2048xf32>
    %get3A_2355 = arith.constant 880 : index
    %get3A_2356 = arith.constant 0 : index
    %get3A_2357 = vector.load %arg1[%get3A_2355, %get3A_2356] : memref<1000x2048xf32, #tpu.memory_space<vmem>>, vector<8x2048xf32>
    %broadcast_in_dim3A_2358 = vector.shape_cast %sub3A_1253 : vector<2048xf32> to vector<1x2048xf32>
    %sub3A_2359 = vector.broadcast %broadcast_in_dim3A_2358 : vector<1x2048xf32> to vector<8x2048xf32>
    %sub3A_2360 = arith.subf %get3A_2357, %sub3A_2359 : vector<8x2048xf32>
    %max3A_2361 = arith.constant 0.000000e+00 : f32
    %max3A_2362 = vector.broadcast %max3A_2361 : f32 to vector<8x2048xf32>
    %max3A_2363 = arith.maximumf %sub3A_2360, %max3A_2362 : vector<8x2048xf32>
    %add3A_2364 = arith.addf %add3A_2354, %max3A_2363 : vector<8x2048xf32>
    %get3A_2365 = arith.constant 888 : index
    %get3A_2366 = arith.constant 0 : index
    %get3A_2367 = vector.load %arg1[%get3A_2365, %get3A_2366] : memref<1000x2048xf32, #tpu.memory_space<vmem>>, vector<8x2048xf32>
    %broadcast_in_dim3A_2368 = vector.shape_cast %sub3A_1253 : vector<2048xf32> to vector<1x2048xf32>
    %sub3A_2369 = vector.broadcast %broadcast_in_dim3A_2368 : vector<1x2048xf32> to vector<8x2048xf32>
    %sub3A_2370 = arith.subf %get3A_2367, %sub3A_2369 : vector<8x2048xf32>
    %max3A_2371 = arith.constant 0.000000e+00 : f32
    %max3A_2372 = vector.broadcast %max3A_2371 : f32 to vector<8x2048xf32>
    %max3A_2373 = arith.maximumf %sub3A_2370, %max3A_2372 : vector<8x2048xf32>
    %add3A_2374 = arith.addf %add3A_2364, %max3A_2373 : vector<8x2048xf32>
    %get3A_2375 = arith.constant 896 : index
    %get3A_2376 = arith.constant 0 : index
    %get3A_2377 = vector.load %arg1[%get3A_2375, %get3A_2376] : memref<1000x2048xf32, #tpu.memory_space<vmem>>, vector<8x2048xf32>
    %broadcast_in_dim3A_2378 = vector.shape_cast %sub3A_1253 : vector<2048xf32> to vector<1x2048xf32>
    %sub3A_2379 = vector.broadcast %broadcast_in_dim3A_2378 : vector<1x2048xf32> to vector<8x2048xf32>
    %sub3A_2380 = arith.subf %get3A_2377, %sub3A_2379 : vector<8x2048xf32>
    %max3A_2381 = arith.constant 0.000000e+00 : f32
    %max3A_2382 = vector.broadcast %max3A_2381 : f32 to vector<8x2048xf32>
    %max3A_2383 = arith.maximumf %sub3A_2380, %max3A_2382 : vector<8x2048xf32>
    %add3A_2384 = arith.addf %add3A_2374, %max3A_2383 : vector<8x2048xf32>
    %get3A_2385 = arith.constant 904 : index
    %get3A_2386 = arith.constant 0 : index
    %get3A_2387 = vector.load %arg1[%get3A_2385, %get3A_2386] : memref<1000x2048xf32, #tpu.memory_space<vmem>>, vector<8x2048xf32>
    %broadcast_in_dim3A_2388 = vector.shape_cast %sub3A_1253 : vector<2048xf32> to vector<1x2048xf32>
    %sub3A_2389 = vector.broadcast %broadcast_in_dim3A_2388 : vector<1x2048xf32> to vector<8x2048xf32>
    %sub3A_2390 = arith.subf %get3A_2387, %sub3A_2389 : vector<8x2048xf32>
    %max3A_2391 = arith.constant 0.000000e+00 : f32
    %max3A_2392 = vector.broadcast %max3A_2391 : f32 to vector<8x2048xf32>
    %max3A_2393 = arith.maximumf %sub3A_2390, %max3A_2392 : vector<8x2048xf32>
    %add3A_2394 = arith.addf %add3A_2384, %max3A_2393 : vector<8x2048xf32>
    %get3A_2395 = arith.constant 912 : index
    %get3A_2396 = arith.constant 0 : index
    %get3A_2397 = vector.load %arg1[%get3A_2395, %get3A_2396] : memref<1000x2048xf32, #tpu.memory_space<vmem>>, vector<8x2048xf32>
    %broadcast_in_dim3A_2398 = vector.shape_cast %sub3A_1253 : vector<2048xf32> to vector<1x2048xf32>
    %sub3A_2399 = vector.broadcast %broadcast_in_dim3A_2398 : vector<1x2048xf32> to vector<8x2048xf32>
    %sub3A_2400 = arith.subf %get3A_2397, %sub3A_2399 : vector<8x2048xf32>
    %max3A_2401 = arith.constant 0.000000e+00 : f32
    %max3A_2402 = vector.broadcast %max3A_2401 : f32 to vector<8x2048xf32>
    %max3A_2403 = arith.maximumf %sub3A_2400, %max3A_2402 : vector<8x2048xf32>
    %add3A_2404 = arith.addf %add3A_2394, %max3A_2403 : vector<8x2048xf32>
    %get3A_2405 = arith.constant 920 : index
    %get3A_2406 = arith.constant 0 : index
    %get3A_2407 = vector.load %arg1[%get3A_2405, %get3A_2406] : memref<1000x2048xf32, #tpu.memory_space<vmem>>, vector<8x2048xf32>
    %broadcast_in_dim3A_2408 = vector.shape_cast %sub3A_1253 : vector<2048xf32> to vector<1x2048xf32>
    %sub3A_2409 = vector.broadcast %broadcast_in_dim3A_2408 : vector<1x2048xf32> to vector<8x2048xf32>
    %sub3A_2410 = arith.subf %get3A_2407, %sub3A_2409 : vector<8x2048xf32>
    %max3A_2411 = arith.constant 0.000000e+00 : f32
    %max3A_2412 = vector.broadcast %max3A_2411 : f32 to vector<8x2048xf32>
    %max3A_2413 = arith.maximumf %sub3A_2410, %max3A_2412 : vector<8x2048xf32>
    %add3A_2414 = arith.addf %add3A_2404, %max3A_2413 : vector<8x2048xf32>
    %get3A_2415 = arith.constant 928 : index
    %get3A_2416 = arith.constant 0 : index
    %get3A_2417 = vector.load %arg1[%get3A_2415, %get3A_2416] : memref<1000x2048xf32, #tpu.memory_space<vmem>>, vector<8x2048xf32>
    %broadcast_in_dim3A_2418 = vector.shape_cast %sub3A_1253 : vector<2048xf32> to vector<1x2048xf32>
    %sub3A_2419 = vector.broadcast %broadcast_in_dim3A_2418 : vector<1x2048xf32> to vector<8x2048xf32>
    %sub3A_2420 = arith.subf %get3A_2417, %sub3A_2419 : vector<8x2048xf32>
    %max3A_2421 = arith.constant 0.000000e+00 : f32
    %max3A_2422 = vector.broadcast %max3A_2421 : f32 to vector<8x2048xf32>
    %max3A_2423 = arith.maximumf %sub3A_2420, %max3A_2422 : vector<8x2048xf32>
    %add3A_2424 = arith.addf %add3A_2414, %max3A_2423 : vector<8x2048xf32>
    %get3A_2425 = arith.constant 936 : index
    %get3A_2426 = arith.constant 0 : index
    %get3A_2427 = vector.load %arg1[%get3A_2425, %get3A_2426] : memref<1000x2048xf32, #tpu.memory_space<vmem>>, vector<8x2048xf32>
    %broadcast_in_dim3A_2428 = vector.shape_cast %sub3A_1253 : vector<2048xf32> to vector<1x2048xf32>
    %sub3A_2429 = vector.broadcast %broadcast_in_dim3A_2428 : vector<1x2048xf32> to vector<8x2048xf32>
    %sub3A_2430 = arith.subf %get3A_2427, %sub3A_2429 : vector<8x2048xf32>
    %max3A_2431 = arith.constant 0.000000e+00 : f32
    %max3A_2432 = vector.broadcast %max3A_2431 : f32 to vector<8x2048xf32>
    %max3A_2433 = arith.maximumf %sub3A_2430, %max3A_2432 : vector<8x2048xf32>
    %add3A_2434 = arith.addf %add3A_2424, %max3A_2433 : vector<8x2048xf32>
    %get3A_2435 = arith.constant 944 : index
    %get3A_2436 = arith.constant 0 : index
    %get3A_2437 = vector.load %arg1[%get3A_2435, %get3A_2436] : memref<1000x2048xf32, #tpu.memory_space<vmem>>, vector<8x2048xf32>
    %broadcast_in_dim3A_2438 = vector.shape_cast %sub3A_1253 : vector<2048xf32> to vector<1x2048xf32>
    %sub3A_2439 = vector.broadcast %broadcast_in_dim3A_2438 : vector<1x2048xf32> to vector<8x2048xf32>
    %sub3A_2440 = arith.subf %get3A_2437, %sub3A_2439 : vector<8x2048xf32>
    %max3A_2441 = arith.constant 0.000000e+00 : f32
    %max3A_2442 = vector.broadcast %max3A_2441 : f32 to vector<8x2048xf32>
    %max3A_2443 = arith.maximumf %sub3A_2440, %max3A_2442 : vector<8x2048xf32>
    %add3A_2444 = arith.addf %add3A_2434, %max3A_2443 : vector<8x2048xf32>
    %get3A_2445 = arith.constant 952 : index
    %get3A_2446 = arith.constant 0 : index
    %get3A_2447 = vector.load %arg1[%get3A_2445, %get3A_2446] : memref<1000x2048xf32, #tpu.memory_space<vmem>>, vector<8x2048xf32>
    %broadcast_in_dim3A_2448 = vector.shape_cast %sub3A_1253 : vector<2048xf32> to vector<1x2048xf32>
    %sub3A_2449 = vector.broadcast %broadcast_in_dim3A_2448 : vector<1x2048xf32> to vector<8x2048xf32>
    %sub3A_2450 = arith.subf %get3A_2447, %sub3A_2449 : vector<8x2048xf32>
    %max3A_2451 = arith.constant 0.000000e+00 : f32
    %max3A_2452 = vector.broadcast %max3A_2451 : f32 to vector<8x2048xf32>
    %max3A_2453 = arith.maximumf %sub3A_2450, %max3A_2452 : vector<8x2048xf32>
    %add3A_2454 = arith.addf %add3A_2444, %max3A_2453 : vector<8x2048xf32>
    %get3A_2455 = arith.constant 960 : index
    %get3A_2456 = arith.constant 0 : index
    %get3A_2457 = vector.load %arg1[%get3A_2455, %get3A_2456] : memref<1000x2048xf32, #tpu.memory_space<vmem>>, vector<8x2048xf32>
    %broadcast_in_dim3A_2458 = vector.shape_cast %sub3A_1253 : vector<2048xf32> to vector<1x2048xf32>
    %sub3A_2459 = vector.broadcast %broadcast_in_dim3A_2458 : vector<1x2048xf32> to vector<8x2048xf32>
    %sub3A_2460 = arith.subf %get3A_2457, %sub3A_2459 : vector<8x2048xf32>
    %max3A_2461 = arith.constant 0.000000e+00 : f32
    %max3A_2462 = vector.broadcast %max3A_2461 : f32 to vector<8x2048xf32>
    %max3A_2463 = arith.maximumf %sub3A_2460, %max3A_2462 : vector<8x2048xf32>
    %add3A_2464 = arith.addf %add3A_2454, %max3A_2463 : vector<8x2048xf32>
    %get3A_2465 = arith.constant 968 : index
    %get3A_2466 = arith.constant 0 : index
    %get3A_2467 = vector.load %arg1[%get3A_2465, %get3A_2466] : memref<1000x2048xf32, #tpu.memory_space<vmem>>, vector<8x2048xf32>
    %broadcast_in_dim3A_2468 = vector.shape_cast %sub3A_1253 : vector<2048xf32> to vector<1x2048xf32>
    %sub3A_2469 = vector.broadcast %broadcast_in_dim3A_2468 : vector<1x2048xf32> to vector<8x2048xf32>
    %sub3A_2470 = arith.subf %get3A_2467, %sub3A_2469 : vector<8x2048xf32>
    %max3A_2471 = arith.constant 0.000000e+00 : f32
    %max3A_2472 = vector.broadcast %max3A_2471 : f32 to vector<8x2048xf32>
    %max3A_2473 = arith.maximumf %sub3A_2470, %max3A_2472 : vector<8x2048xf32>
    %add3A_2474 = arith.addf %add3A_2464, %max3A_2473 : vector<8x2048xf32>
    %get3A_2475 = arith.constant 976 : index
    %get3A_2476 = arith.constant 0 : index
    %get3A_2477 = vector.load %arg1[%get3A_2475, %get3A_2476] : memref<1000x2048xf32, #tpu.memory_space<vmem>>, vector<8x2048xf32>
    %broadcast_in_dim3A_2478 = vector.shape_cast %sub3A_1253 : vector<2048xf32> to vector<1x2048xf32>
    %sub3A_2479 = vector.broadcast %broadcast_in_dim3A_2478 : vector<1x2048xf32> to vector<8x2048xf32>
    %sub3A_2480 = arith.subf %get3A_2477, %sub3A_2479 : vector<8x2048xf32>
    %max3A_2481 = arith.constant 0.000000e+00 : f32
    %max3A_2482 = vector.broadcast %max3A_2481 : f32 to vector<8x2048xf32>
    %max3A_2483 = arith.maximumf %sub3A_2480, %max3A_2482 : vector<8x2048xf32>
    %add3A_2484 = arith.addf %add3A_2474, %max3A_2483 : vector<8x2048xf32>
    %get3A_2485 = arith.constant 984 : index
    %get3A_2486 = arith.constant 0 : index
    %get3A_2487 = vector.load %arg1[%get3A_2485, %get3A_2486] : memref<1000x2048xf32, #tpu.memory_space<vmem>>, vector<8x2048xf32>
    %broadcast_in_dim3A_2488 = vector.shape_cast %sub3A_1253 : vector<2048xf32> to vector<1x2048xf32>
    %sub3A_2489 = vector.broadcast %broadcast_in_dim3A_2488 : vector<1x2048xf32> to vector<8x2048xf32>
    %sub3A_2490 = arith.subf %get3A_2487, %sub3A_2489 : vector<8x2048xf32>
    %max3A_2491 = arith.constant 0.000000e+00 : f32
    %max3A_2492 = vector.broadcast %max3A_2491 : f32 to vector<8x2048xf32>
    %max3A_2493 = arith.maximumf %sub3A_2490, %max3A_2492 : vector<8x2048xf32>
    %add3A_2494 = arith.addf %add3A_2484, %max3A_2493 : vector<8x2048xf32>
    %get3A_2495 = arith.constant 992 : index
    %get3A_2496 = arith.constant 0 : index
    %get3A_2497 = vector.load %arg1[%get3A_2495, %get3A_2496] : memref<1000x2048xf32, #tpu.memory_space<vmem>>, vector<8x2048xf32>
    %broadcast_in_dim3A_2498 = vector.shape_cast %sub3A_1253 : vector<2048xf32> to vector<1x2048xf32>
    %sub3A_2499 = vector.broadcast %broadcast_in_dim3A_2498 : vector<1x2048xf32> to vector<8x2048xf32>
    %sub3A_2500 = arith.subf %get3A_2497, %sub3A_2499 : vector<8x2048xf32>
    %max3A_2501 = arith.constant 0.000000e+00 : f32
    %max3A_2502 = vector.broadcast %max3A_2501 : f32 to vector<8x2048xf32>
    %max3A_2503 = arith.maximumf %sub3A_2500, %max3A_2502 : vector<8x2048xf32>
    %add3A_2504 = arith.addf %add3A_2494, %max3A_2503 : vector<8x2048xf32>
    %reduce_sum3A_2505 = arith.constant dense<0.000000e+00> : vector<2048xf32>
    %reduce_sum3A_2506 = vector.multi_reduction <add>, %add3A_2504, %reduce_sum3A_2505 [0] : vector<8x2048xf32> to vector<2048xf32>
    %sub3A_2507 = arith.constant 1.000000e+00 : f32
    %sub3A_2508 = vector.broadcast %sub3A_2507 : f32 to vector<2048xf32>
    %sub3A_2509 = arith.subf %reduce_sum3A_2506, %sub3A_2508 : vector<2048xf32>
    %mul3A = arith.constant 1.000000e-03 : f32
    %mul3A_2510 = vector.broadcast %mul3A : f32 to vector<2048xf32>
    %mul3A_2511 = arith.mulf %sub3A_2509, %mul3A_2510 : vector<2048xf32>
    %swap3A = arith.constant 0 : index
    %swap3A_2512 = vector.load %arg3[%swap3A] : memref<2048xf32, #tpu.memory_space<vmem>>, vector<2048xf32>
    tpu.vector_store %arg3[%swap3A], %mul3A_2511 {strides = array<i32>} : memref<2048xf32, #tpu.memory_space<vmem>>, vector<2048xf32>,
    return
  }
  func.func @transform_0(%arg0: i32) -> (i32, i32) {
    %c0_i32 = arith.constant 0 : i32
    %c0_i32_0 = arith.constant 0 : i32
    return %c0_i32, %arg0 : i32, i32
  }
  func.func @transform_1(%arg0: i32) -> i32 {
    %c0_i32 = arith.constant 0 : i32
    return %arg0 : i32
  }
  func.func @transform_2(%arg0: i32) -> i32 {
    %c0_i32 = arith.constant 0 : i32
    return %arg0 : i32
  }
}

</mosaic_0001>

<sc_bundles>
// kernel: kernel.4.cloned.1.call-start
scs
__scs_entry_jumppad:
0x0: {  	(pc) =	sbr.rel $0x88, $3  }
0x1: {  	(tag) =	ssettag $0x0;
	lr =	simm.s32 $0x1  }
0x2: {  	[smem:$0x3F9F] =	sst lr;
	_ =	strace $0xD0000000  }
0x3: {  	_ = 	snop  }
0x4: {  	_ = 	snop  }
0x5: {  	_ = 	snop  }
0x6: {  	_ = 	snop  }
0x7: {  	_ = 	snop  }
__scs_overlays_trampoline_lowered:
0x8: {  	[smem:$0x3FAE] =	sst s0  }
0x9: {  	[smem:$0x3FAF] =	sst s1  }
0xa: {  	[smem:$0x3FB0] =	sst s2  }
0xb: {  	[smem:$0x3FB1] =	sst s3  }
0xc: {  	[smem:$0x3FB2] =	sst s4  }
0xd: {  	[smem:$0x3FB3] =	sst s5  }
0xe: {  	[smem:$0x3FB4] =	sst s6  }
0xf: {  	[smem:$0x3FB5] =	sst s7  }
0x10: {  	[smem:$0x3FB6] =	sst s8  }
0x11: {  	[smem:$0x3FB7] =	sst s9;
	s0 =	simm.s32 @!p0 $0x0  }
0x12: {  	s1 =	sld [smem:$0x3F9D];
	s0 =	simm.s32 @p0 $0x1  }
0x13: {  	[smem:$0x3FB8] =	sst s0;
	s0 =	simm.s32 @!p1 $0x0  }
0x14: {  	s2 =	sld [smem:$0x3F9C];
	s0 =	simm.s32 @p1 $0x1  }
0x15: {  	[smem:$0x3FB9] =	sst s0;
	s0 =	simm.s32 @!p2 $0x0  }
0x16: {  	s3 =	sld [smem:$0x3FDB];
	s0 =	simm.s32 @p2 $0x1  }
0x17: {  	s4 =	simm.s32 $0x1BF5;
	[smem:$0x3FBB] =	sst s0  }
0x18: {  	s0 =	sld [smem:$0x3F9E];
	_ =	swait.ge [sflag:s4], $0x0  }
0x19: {  	s7 =	sld [smem:$0x3F9F]  }
0x1a: {  	s8 =	sadd.s32 $0xFFFFE003, lr  }
0x1b: {  	s9 =	sadd.s32 $0xFFFFFEF7, lr;
	s5 =	simm.s32 $0xFFFFFFFF;
	p2 =	slt.u32 s8, $0xFFFFF086  }
0x1c: {  	p1 =	slt.u32 s9, $0xF7A;
	s5 =	simm.s32 @!p2 $0x0  }
0x1d: {  	s5 =	simm.s32 @p1 $0x1;
	p0 =	seq.s32 s7, s2  }
0x1e: {  	s7 =	smul.u32 @!p0 $0xF7A, s2;
	p2 =	seq.s32 @!p0 s5, $0x0  }
0x1f: {  	s9 =	smul.u32 $0xF7A, s1;
	s8 =	simm.s32 @!p0 $0x1BF5;
	p2 =	por !p2, p0  }
0x20: {  	[sflag:s8] =	ssyncset.s32 @!p0 $0xFFFFF086;
	s6 =	sadd.s32 @!p0 s3, s7;
	s7 =	simm.s32 @!p0 $0x108  }
0x21: {  	s3 =	sadd.s32 s3, s9;
	s6 =	sadd.s32 @!p0 $0x88, s6;
	s7 =	simm.s32 @p2 $0x1082  }
0x22: {  	[simem:s7], [sflag:s8] =	dma.local @!p0 [hbm:s6], $0xF7A  }
0x23: {  	s9 =	sor.u32 $0xD0000000, s2;
	s6 =	simm.s32 $0x108;
	_ =	swait.ge @!p0 [sflag:s8], $0x0  }
0x24: {  	s3 =	sadd.s32 $0x88, s3;
	s6 =	simm.s32 @!p1 $0x1082;
	[sflag:s4] =	ssyncset.s32 $0xFFFFF086  }
0x25: {  	[simem:s6], [sflag:s4] =	dma.local [hbm:s3], $0xF7A  }
0x26: {  	[smem:$0x3F9F] =	sst s1;
	(tag) =	ssettag s2;
	_ =	strace s9  }
0x27: {  	s1 =	sld [smem:$0x3FAF]  }
0x28: {  	s2 =	sld [smem:$0x3FB0]  }
0x29: {  	s4 =	sld [smem:$0x3FB2]  }
0x2a: {  	p0 =	seq.s32 s5, $0x0;
	s5 =	sld [smem:$0x3FB3]  }
0x2b: {  	s6 =	sld [smem:$0x3FB4]  }
0x2c: {  	s7 =	sld [smem:$0x3FB5]  }
0x2d: {  	s3 =	simm.s32 $0x108;
	s8 =	sld [smem:$0x3FB6]  }
0x2e: {  	s3 =	simm.s32 @!p0 $0x1082;
	s9 =	sld [smem:$0x3FB7]  }
0x2f: {  	lr =	sadd.s32 s0, s3;
	s0 =	sld [smem:$0x3FAE]  }
0x30: {  	s3 =	sld [smem:$0x3FB1]  }
0x31: {  	[smem:$0x3FBA] =	sst s10  }
0x32: {  	s10 =	sld [smem:$0x3FB8];
	_ =	sdelay $0x3  }
0x33: {  	p0 =	seq.s32 s10, $0x1;
	s10 =	sld [smem:$0x3FBA];
	_ =	sdelay $0x3  }
0x34: {  	[smem:$0x3FBA] =	sst s10  }
0x35: {  	s10 =	sld [smem:$0x3FB9];
	_ =	sdelay $0x3  }
0x36: {  	p1 =	seq.s32 s10, $0x1;
	s10 =	sld [smem:$0x3FBA];
	_ =	sdelay $0x3  }
0x37: {  	[smem:$0x3FBA] =	sst s10  }
0x38: {  	s10 =	sld [smem:$0x3FBB]  }
0x39: {  	_ = 	snop;
	(pc) =	sbr.ind lr, $3  }
0x3a: {  	_ = 	snop  }
0x3b: {  	_ = 	snop  }
0x3c: {  	p2 =	seq.s32 s10, $0x1;
	s10 =	sld [smem:$0x3FBA]  }
0x3d: {  	_ =	shalt  }
0x3e: {  	_ =	shalt  }
0x3f: {  	_ =	shalt  }
0x40: {  	_ =	shalt  }
0x41: {  	_ =	shalt  }
0x42: {  	_ =	shalt  }
0x43: {  	_ =	shalt  }
0x44: {  	_ =	shalt  }
0x45: {  	_ =	shalt  }
0x46: {  	_ =	shalt  }
0x47: {  	_ =	shalt  }
0x48: {  	_ =	shalt  }
0x49: {  	_ =	shalt  }
0x4a: {  	_ =	shalt  }
0x4b: {  	_ =	shalt  }
0x4c: {  	_ =	shalt  }
0x4d: {  	_ =	shalt  }
0x4e: {  	_ =	shalt  }
0x4f: {  	_ =	shalt  }
0x50: {  	_ =	shalt  }
0x51: {  	_ =	shalt  }
0x52: {  	_ =	shalt  }
0x53: {  	_ =	shalt  }
0x54: {  	_ =	shalt  }
0x55: {  	_ =	shalt  }
0x56: {  	_ =	shalt  }
0x57: {  	_ =	shalt  }
0x58: {  	_ =	shalt  }
0x59: {  	_ =	shalt  }
0x5a: {  	_ =	shalt  }
0x5b: {  	_ =	shalt  }
0x5c: {  	_ =	shalt  }
0x5d: {  	_ =	shalt  }
0x5e: {  	_ =	shalt  }
0x5f: {  	_ =	shalt  }
0x60: {  	_ =	shalt  }
0x61: {  	_ =	shalt  }
0x62: {  	_ =	shalt  }
0x63: {  	_ =	shalt  }
0x64: {  	_ =	shalt  }
0x65: {  	_ =	shalt  }
0x66: {  	_ =	shalt  }
0x67: {  	_ =	shalt  }
0x68: {  	_ =	shalt  }
0x69: {  	_ =	shalt  }
0x6a: {  	_ =	shalt  }
0x6b: {  	_ =	shalt  }
0x6c: {  	_ =	shalt  }
0x6d: {  	_ =	shalt  }
0x6e: {  	_ =	shalt  }
0x6f: {  	_ =	shalt  }
0x70: {  	_ =	shalt  }
0x71: {  	_ =	shalt  }
0x72: {  	_ =	shalt  }
0x73: {  	_ =	shalt  }
0x74: {  	_ =	shalt  }
0x75: {  	_ =	shalt  }
0x76: {  	_ =	shalt  }
0x77: {  	_ =	shalt  }
0x78: {  	_ =	shalt  }
0x79: {  	_ =	shalt  }
0x7a: {  	_ =	shalt  }
0x7b: {  	_ =	shalt  }
0x7c: {  	_ =	shalt  }
0x7d: {  	_ =	shalt  }
0x7e: {  	_ =	shalt  }
0x7f: {  	_ =	shalt  }
0x80: {  	_ =	shalt  }
0x81: {  	_ =	shalt  }
0x82: {  	_ =	shalt  }
0x83: {  	_ =	shalt  }
0x84: {  	_ =	shalt  }
0x85: {  	_ =	shalt  }
0x86: {  	_ =	shalt  }
0x87: {  	_ =	shalt  }
.Lfunc_end0:
.L_simem_size_0:
called_computation_lowered:
.L_overlay_start_0:
0x88: {  	s2 =	sld [smem:$0x3FD9]  }
0x89: {  	s3 =	sld [smem:$0x3FFE];
	_ =	sdelay $0x1  }
0x8a: {  	s1 =	srdreg.scid  }
0x8b: {  	s0 =	sand.u32 $0x1, s1  }
0x8c: {  	s17 =	sshll.u32 s0, $0xA;
	s2 =	sadd.s32 s3, s2  }
0x8d: {  	s2 =	sadd.s32 s2, s17  }
0x8e: {  	[smem:$0x3FC6] =	sst s2  }
0x8f: {  	_ = 	snop  }
0x90: {  	s2 =	sld [smem:$0x3FC9]  }
0x91: {  	s18 =	sld [smem:$0x3FC8];
	(tm) =	ssettm $0x1  }
0x92: {  	s4 =	sld [smem:$0x3FFB];
	_ =	sdelay $0x3  }
0x93: {  	_ =	strace s4  }
0x94: {  	s4 =	sld [smem:$0x3FFC];
	_ =	sdelay $0x3  }
0x95: {  	_ =	strace s4  }
0x96: {  	s4 =	sld [smem:$0x3FFD];
	_ =	sdelay $0x3  }
0x97: {  	_ =	strace s4  }
0x98: {  	_ =	strace $0x8FFFFFFF  }
0x99: {  	s19 =	sld [smem:$0x3FDB];
	_ =	sdelay $0x1  }
0x9a: {  	s5 =	simm.s32 $_scs_section_size  }
0x9b: {  	s6 =	simm.s32 $_size__tile_overlayer_lowered;
	s7 =	simm.s32 $_tile_overlayer_lowered  }
0x9c: {  	s22 =	simm.s32 $0x1BFF;
	s21 =	sshll.u32 s7, $0x1;
	s4 =	sadd.s32 s5, s19  }
0x9d: {  	s8 =	simm.s32 $0x0;
	s20 =	sshll.u32 s6, $0x1;
	s6 =	sadd.s32 s21, s4  }
0x9e: {  	[timem:s8], [sflag:s22] =	dma.local [hbm:s6], s20  }
0x9f: {  	_ =	swait.ge [sflag:s22], s20  }
0xa0: {  	s5 =	ssub.s32 $0x0, s20;
	[sflag:s22] =	ssyncset.done $0x0  }
0xa1: {  	[sflag:s22] =	ssyncadd.s32 s5;
	_ =	sdelay $0x1  }
0xa2: {  	s23 =	simm.s32 $0x1B8B  }
0xa3: {  	_ =	swait.ge [sflag:s23], $0x1  }
0xa4: {  	[sflag:s23] =	ssyncset.done $0x0  }
0xa5: {  	s25 =	simm.s32 $0x1B8E;
	s24 =	sld [smem:$0x3FFE];
	[sflag:s23] =	ssyncadd.s32 $0xFFFFFFFF  }
0xa6: {  	s26 =	simm.s32 $execute0_lowered;
	[smem:$0x3FD2] =	sst s25  }
0xa7: {  	s6 =	sshll.u32 s26, $0x1;
	_ =	strace $0x80000046;
	[dreg:$0x1] =	wrdreg $0xFFFFFFFF  }
0xa8: {  	s28 =	simm.s32 $_size_execute0_lowered;
	s4 =	sadd.s32 s4, s6;
	[dreg:$0x0] =	wrdreg $0x0  }
0xa9: {  	s6 =	sshll.u32 s28, $0x1;
	[dreg:$0x2] =	wrdreg s4  }
0xaa: {  	[dreg:$0x3] =	wrdreg s6  }
0xab: {  	[dreg:$0x4] =	wrdreg $0xC0  }
0xac: {  	_ =	task [dreg:s8], $0x5FFFF  }
0xad: {  	[dreg:$0x1] =	wrdreg $0xFFFFFFFF  }
0xae: {  	[dreg:$0x0] =	wrdreg $0x60  }
0xaf: {  	[dreg:$0x2] =	wrdreg s2  }
0xb0: {  	[dreg:$0x3] =	wrdreg s18  }
0xb1: {  	[dreg:$0x4] =	wrdreg s24  }
0xb2: {  	[dreg:$0x5] =	wrdreg $0x9  }
0xb3: {  	_ =	task.clear_ibuf [dreg:s8], $0x6FFFF;
	_ =	strace $0x90000046  }
0xb4: {  	s29 =	simm.s32 $0x9;
	_ =	strace $0x80000048  }
0xb5: {  	_ =	swait.ge [sflag:s29], $0x1  }
0xb6: {  	[sflag:s29] =	ssyncadd.s32 $0xFFFFFFFF  }
0xb7: {  	_ =	strace $0x90000048  }
0xb8: {  	_ =	sfence  }
0xb9: {  	s30 =	sld [smem:$0x0];
	_ =	sdelay $0x2  }
0xba: {  	s31 =	sshll.u32 s1, $0xD;
	s1 =	sshrl.u32 s1, $0x2  }
0xbb: {  	s3 =	sand.u32 $0x4000, s31;
	s1 =	sadd.s32 s1, s30  }
0xbc: {  	s0 =	sor.u32 s3, s0;
	s1 =	sshll.u32 s1, $0x11  }
0xbd: {  	s0 =	sor.u32 s1, s0  }
0xbe: {  	s0 =	sadd.s32 $0x8F2B, s0  }
0xbf: {  	[sflag:s0] =	ssyncadd.remote.s32 $0x1  }
0xc0: {  	_ =	sfence.sel $0xFFFF  }
0xc1: {  	[dreg:$0x0] =	wrdreg $0xFFFFFFFF;
	(pc) =	sbr.abs _section_cstart, $3  }
0xc2: {  	[dreg:$0x1] =	wrdreg $0xFFFFFFFF  }
0xc3: {  	_ =	task.clear_ibuf [dreg:s8], $0x2FFFF;
	_ =	strace $0x9FFFFFFF  }
0xc4: {  	(tm) =	ssettm $0x7FFFFFFF  }
0xc5: {  	_ =	shalt  }
tec
execute0_lowered:
.L_overlay_start_1:
0x0: {  	(tag) =	ssettag $0x1  }
0x1: {  	s4 =	rddreg [dreg:$0x0]  }
0x2: {  	s3 =	rddreg [dreg:$0x1]  }
0x3: {  	s5 =	rddreg [dreg:$0x2]  }
0x4: {  	s0 =	rddreg [dreg:$0x3];
	s6 =	srdreg.scid  }
0x5: {  	s2 =	simm.s32 $0x0;
	s1 =	stileid.u32;
	s10 =	simm.s32 $0x20000  }
0x6: {  	s11 =	simm.s32 $0x1;
	s12 =	simm.s32 $0x1F480;
	s13 =	simm.s32 $0x3  }
0x7: {  	s14 =	simm.s32 $0x0;
	s6 =	sand.u32 $0x1, s6;
	[smem:$0x7FF] =	sst s2  }
0x8: {  	s7 =	sshll.u32 s1, $0x8;
	s8 =	sshll.u32 s6, $0x7;
	s6 =	ssub.s32 $0x2, s6  }
0x9: {  	_ =	strace $0x80000047;
	s7 =	sor.u32 s8, s7;
	s9 =	sshrl.u32 s6, $0x1  }
0xa: {  	v0 =	vlaneseq.u32;
	s8 =	sshrl.u32 s7, $0x3;
	s7 =	sor.u32 $0x3000, s7;
	s6 =	ssub.s32 s6, s9  }
0xb: {  	v1 =	vor.u32 $0x10, v0;
	s9 =	simm.s32 $0x400;
	s5 =	sadd.s32 s8, s5;
	s31 =	sshrl.u32 s7, $0x3  }
0xc: {  	v2 =	vor.u32 $0x20, v0;
	v3 =	vor.u32 $0x30, v0;
	v4 =	vor.u32 $0x40, v0;
	s4 =	sadd.s32 s4, s7;
	s6 =	smax.u32 s6, $0x1;
	s7 =	simm.s32 $0x1F400  }
0xd: {  	v5 =	vor.u32 $0x50, v0;
	v6 =	vor.u32 $0x60, v0;
	v7 =	vor.u32 $0x70, v0;
	s8 =	simm.s32 $0x2;
	s3 =	sadd.s32 s3, s31;
	s5 =	sadd.s32 $0x600, s5  }
.LBB2_1:
0xe: {  	[tilespmem:s7], [sflag:$0x2] =	stream.linear.gather [hbm4b:s3+s2], $0x80, $0x38;
	[tilespmem:$0x1F500] =	vst v63  }
0xf: {  	_ =	swait.ge [sflag:s8], $0x80  }
0x10: {  	[sflag:s8] =	ssyncset.done $0x0  }
0x11: {  	[sflag:s8] =	ssyncadd.s32 $0xFFFFFF80  }
0x12: {  	[tilespmem:s2], [sflag:$0x1] =	stream.strided.gather [hbm4b:s4+s9], $0x1F400, s10, s9, $0x38;
	[tilespmem:$0x1F500] =	vst v63  }
0x13: {  	_ =	swait.ge [sflag:s11], $0x1F400  }
0x14: {  	[sflag:s11] =	ssyncset.done $0x0  }
0x15: {  	[sflag:s11] =	ssyncadd.s32 $0xFFFE0C00  }
0x16: {  	v8 =	vld [tilespmem:$0x1F400];
	_ =	sdelay $0x4  }
0x17: {  	v8 =	vshll.u32 v8, $0x7  }
0x18: {  	v8 =	vor.u32 v0, v8;
	_ =	sdelay $0x4  }
0x19: {  	v8 =	vld.idx.msk [tilespmem:v8+s2+$0x0], $0xffff  }
0x1a: {  	s15 =	simm.s32 $0x0  }
0x1b: {  	v9 =	vld [tilespmem:s15+$0x0];
	_ =	sdelay $0x1  }
0x1c: {  	v10 =	vld [tilespmem:s15+$0x80]  }
0x1d: {  	v8 =	vadd.f32 $-1.000000000e+00, v8  }
0x1e: {  	v11 =	vld [tilespmem:s15+$0x100]  }
0x1f: {  	v12 =	vimm.f32 $0.0e+00;
	v9 =	vmax.f32 v9, v8  }
0x20: {  	v9 =	vadd.f32 v9, v12;
	v12 =	vld [tilespmem:s15+$0x180]  }
0x21: {  	v10 =	vmax.f32 v10, v8  }
0x22: {  	v9 =	vadd.f32 v10, v9;
	v10 =	vld [tilespmem:s15+$0x200]  }
0x23: {  	v11 =	vmax.f32 v11, v8  }
0x24: {  	v13 =	vld [tilespmem:s15+$0x280];
	v9 =	vadd.f32 v11, v9  }
0x25: {  	v11 =	vmax.f32 v12, v8  }
0x26: {  	v11 =	vadd.f32 v11, v9;
	v9 =	vld [tilespmem:s15+$0x300]  }
0x27: {  	v10 =	vmax.f32 v10, v8  }
0x28: {  	v11 =	vadd.f32 v10, v11;
	v10 =	vld [tilespmem:s15+$0x380]  }
0x29: {  	s16 =	simm.s32 $0x2000;
	v12 =	vmax.f32 v13, v8;
	s15 =	simm.s32 $0x400  }
.LBB2_2:
0x2a: {  	p0 =	sne.s32 s16, $0x7C000;
	v13 =	vld [tilespmem:s15+$0x0];
	v11 =	vadd.f32 v12, v11  }
0x2b: {  	v9 =	vmax.f32 v9, v8  }
0x2c: {  	v12 =	vld [tilespmem:s15+$0x80];
	v9 =	vadd.f32 v9, v11  }
0x2d: {  	v10 =	vmax.f32 v10, v8  }
0x2e: {  	v11 =	vld [tilespmem:s15+$0x100];
	v9 =	vadd.f32 v10, v9  }
0x2f: {  	v10 =	vmax.f32 v13, v8  }
0x30: {  	v9 =	vadd.f32 v10, v9;
	v10 =	vld [tilespmem:s15+$0x180]  }
0x31: {  	v12 =	vmax.f32 v12, v8  }
0x32: {  	v9 =	vadd.f32 v12, v9;
	v12 =	vld [tilespmem:s15+$0x200]  }
0x33: {  	v11 =	vmax.f32 v11, v8  }
0x34: {  	v9 =	vadd.f32 v11, v9;
	v13 =	vld [tilespmem:s15+$0x280]  }
.Ltmp0:
0x35: {  	v10 =	vmax.f32 v10, v8;
	(pc) =	sbr.rel @p0 .LBB2_2-.Ltmp0, $4  }
0x36: {  	v10 =	vadd.f32 v10, v9;
	v9 =	vld [tilespmem:s15+$0x300]  }
0x37: {  	v11 =	vmax.f32 v12, v8  }
0x38: {  	v11 =	vadd.f32 v11, v10;
	v10 =	vld [tilespmem:s15+$0x380]  }
0x39: {  	s15 =	sshra.s32 s16, $0x2;
	s16 =	sadd.s32 $0x1000, s16;
	v12 =	vmax.f32 v13, v8  }
0x3a: {  	v13 =	vld [tilespmem:s15+$0x0];
	v11 =	vadd.f32 v12, v11  }
0x3b: {  	v9 =	vmax.f32 v9, v8  }
0x3c: {  	v12 =	vld [tilespmem:s15+$0x80];
	v9 =	vadd.f32 v9, v11  }
0x3d: {  	v10 =	vmax.f32 v10, v8  }
0x3e: {  	v11 =	vld [tilespmem:s15+$0x100];
	v9 =	vadd.f32 v10, v9  }
0x3f: {  	v10 =	vmax.f32 v13, v8  }
0x40: {  	v9 =	vadd.f32 v10, v9;
	v10 =	vld [tilespmem:s15+$0x180]  }
0x41: {  	v12 =	vmax.f32 v12, v8  }
0x42: {  	v9 =	vadd.f32 v12, v9;
	v12 =	vld [tilespmem:s15+$0x200]  }
0x43: {  	v11 =	vmax.f32 v11, v8  }
0x44: {  	v9 =	vadd.f32 v11, v9;
	v11 =	vld [tilespmem:s15+$0x280]  }
0x45: {  	v10 =	vmax.f32 v10, v8  }
0x46: {  	v9 =	vadd.f32 v10, v9;
	v10 =	vld [tilespmem:s15+$0x300]  }
0x47: {  	v12 =	vmax.f32 v12, v8  }
0x48: {  	v9 =	vadd.f32 v12, v9;
	v12 =	vld [tilespmem:s15+$0x380]  }
0x49: {  	v11 =	vmax.f32 v11, v8  }
0x4a: {  	v9 =	vadd.f32 v11, v9  }
0x4b: {  	v10 =	vmax.f32 v10, v8  }
0x4c: {  	v9 =	vadd.f32 v10, v9;
	v10 =	vld [tilespmem:$0x1F410]  }
0x4d: {  	v11 =	vmax.f32 v12, v8  }
0x4e: {  	v8 =	vmul.f32 $-1.000000000e+03, v8;
	v9 =	vadd.f32 v11, v9;
	_ =	sdelay $0x1  }
0x4f: {  	v8 =	vadd.f32 v8, v9  }
0x50: {  	v9 =	vshll.u32 v10, $0x7  }
0x51: {  	v8 =	vadd.f32 $-1.000000000e+00, v8;
	v9 =	vor.u32 v1, v9;
	_ =	sdelay $0x1  }
0x52: {  	v8 =	vmul.f32 $1.000000050e-03, v8;
	_ =	sdelay $0x1  }
0x53: {  	s30 =	simm.s32 $0x0;
	[tilespmem:$0x1F480] =	vst v8  }
0x54: {  	v8 =	vld.idx.msk [tilespmem:v9+s30+$0x0], $0xffff  }
0x55: {  	s31 =	simm.s32 $0x0  }
0x56: {  	v9 =	vld [tilespmem:s31+$0x10];
	_ =	sdelay $0x1  }
0x57: {  	v10 =	vld [tilespmem:s31+$0x90]  }
0x58: {  	v8 =	vadd.f32 $-1.000000000e+00, v8  }
0x59: {  	v11 =	vld [tilespmem:s31+$0x110]  }
0x5a: {  	v12 =	vimm.f32 $0.0e+00;
	v9 =	vmax.f32 v9, v8  }
0x5b: {  	v9 =	vadd.f32 v9, v12;
	v12 =	vld [tilespmem:s31+$0x190]  }
0x5c: {  	v10 =	vmax.f32 v10, v8  }
0x5d: {  	v9 =	vadd.f32 v10, v9;
	v10 =	vld [tilespmem:s31+$0x210]  }
0x5e: {  	v11 =	vmax.f32 v11, v8  }
0x5f: {  	v13 =	vld [tilespmem:s31+$0x290];
	v9 =	vadd.f32 v11, v9  }
0x60: {  	v11 =	vmax.f32 v12, v8  }
0x61: {  	v11 =	vadd.f32 v11, v9;
	v9 =	vld [tilespmem:s31+$0x310]  }
0x62: {  	v10 =	vmax.f32 v10, v8  }
0x63: {  	v11 =	vadd.f32 v10, v11;
	v10 =	vld [tilespmem:s31+$0x390]  }
0x64: {  	s16 =	simm.s32 $0x2000;
	s15 =	simm.s32 $0x400;
	v12 =	vmax.f32 v13, v8  }
.LBB2_4:
0x65: {  	p0 =	sne.s32 s16, $0x7C000;
	v13 =	vld [tilespmem:s15+$0x10];
	v11 =	vadd.f32 v12, v11  }
0x66: {  	v9 =	vmax.f32 v9, v8  }
0x67: {  	v12 =	vld [tilespmem:s15+$0x90];
	v9 =	vadd.f32 v9, v11  }
0x68: {  	v10 =	vmax.f32 v10, v8  }
0x69: {  	v11 =	vld [tilespmem:s15+$0x110];
	v9 =	vadd.f32 v10, v9  }
0x6a: {  	v10 =	vmax.f32 v13, v8  }
0x6b: {  	v9 =	vadd.f32 v10, v9;
	v10 =	vld [tilespmem:s15+$0x190]  }
0x6c: {  	v12 =	vmax.f32 v12, v8  }
0x6d: {  	v9 =	vadd.f32 v12, v9;
	v12 =	vld [tilespmem:s15+$0x210]  }
0x6e: {  	v11 =	vmax.f32 v11, v8  }
0x6f: {  	v9 =	vadd.f32 v11, v9;
	v13 =	vld [tilespmem:s15+$0x290]  }
.Ltmp1:
0x70: {  	v10 =	vmax.f32 v10, v8;
	(pc) =	sbr.rel @p0 .LBB2_4-.Ltmp1, $4  }
0x71: {  	v10 =	vadd.f32 v10, v9;
	v9 =	vld [tilespmem:s15+$0x310]  }
0x72: {  	v11 =	vmax.f32 v12, v8  }
0x73: {  	v11 =	vadd.f32 v11, v10;
	v10 =	vld [tilespmem:s15+$0x390]  }
0x74: {  	s15 =	sshra.s32 s16, $0x2;
	s16 =	sadd.s32 $0x1000, s16;
	v12 =	vmax.f32 v13, v8  }
0x75: {  	v13 =	vld [tilespmem:s15+$0x10];
	v11 =	vadd.f32 v12, v11  }
0x76: {  	v9 =	vmax.f32 v9, v8  }
0x77: {  	v12 =	vld [tilespmem:s15+$0x90];
	v9 =	vadd.f32 v9, v11  }
0x78: {  	v10 =	vmax.f32 v10, v8  }
0x79: {  	v11 =	vld [tilespmem:s15+$0x110];
	v9 =	vadd.f32 v10, v9  }
0x7a: {  	v10 =	vmax.f32 v13, v8  }
0x7b: {  	v9 =	vadd.f32 v10, v9;
	v10 =	vld [tilespmem:s15+$0x190]  }
0x7c: {  	v12 =	vmax.f32 v12, v8  }
0x7d: {  	v9 =	vadd.f32 v12, v9;
	v12 =	vld [tilespmem:s15+$0x210]  }
0x7e: {  	v11 =	vmax.f32 v11, v8  }
0x7f: {  	v9 =	vadd.f32 v11, v9;
	v11 =	vld [tilespmem:s15+$0x290]  }
0x80: {  	v10 =	vmax.f32 v10, v8  }
0x81: {  	v9 =	vadd.f32 v10, v9;
	v10 =	vld [tilespmem:s15+$0x310]  }
0x82: {  	v12 =	vmax.f32 v12, v8  }
0x83: {  	v9 =	vadd.f32 v12, v9;
	v12 =	vld [tilespmem:s15+$0x390]  }
0x84: {  	v11 =	vmax.f32 v11, v8  }
0x85: {  	v9 =	vadd.f32 v11, v9  }
0x86: {  	v10 =	vmax.f32 v10, v8  }
0x87: {  	v9 =	vadd.f32 v10, v9;
	v10 =	vld [tilespmem:$0x1F420]  }
0x88: {  	v11 =	vmax.f32 v12, v8  }
0x89: {  	v8 =	vmul.f32 $-1.000000000e+03, v8;
	v9 =	vadd.f32 v11, v9;
	_ =	sdelay $0x1  }
0x8a: {  	v8 =	vadd.f32 v8, v9  }
0x8b: {  	v9 =	vshll.u32 v10, $0x7  }
0x8c: {  	v8 =	vadd.f32 $-1.000000000e+00, v8;
	v9 =	vor.u32 v2, v9;
	_ =	sdelay $0x1  }
0x8d: {  	v8 =	vmul.f32 $1.000000050e-03, v8;
	_ =	sdelay $0x1  }
0x8e: {  	s30 =	simm.s32 $0x0;
	[tilespmem:$0x1F490] =	vst v8  }
0x8f: {  	v8 =	vld.idx.msk [tilespmem:v9+s30+$0x0], $0xffff  }
0x90: {  	s31 =	simm.s32 $0x0  }
0x91: {  	v9 =	vld [tilespmem:s31+$0x20];
	_ =	sdelay $0x1  }
0x92: {  	v10 =	vld [tilespmem:s31+$0xA0]  }
0x93: {  	v8 =	vadd.f32 $-1.000000000e+00, v8  }
0x94: {  	v11 =	vld [tilespmem:s31+$0x120]  }
0x95: {  	v12 =	vimm.f32 $0.0e+00;
	v9 =	vmax.f32 v9, v8  }
0x96: {  	v9 =	vadd.f32 v9, v12;
	v12 =	vld [tilespmem:s31+$0x1A0]  }
0x97: {  	v10 =	vmax.f32 v10, v8  }
0x98: {  	v9 =	vadd.f32 v10, v9;
	v10 =	vld [tilespmem:s31+$0x220]  }
0x99: {  	v11 =	vmax.f32 v11, v8  }
0x9a: {  	v13 =	vld [tilespmem:s31+$0x2A0];
	v9 =	vadd.f32 v11, v9  }
0x9b: {  	v11 =	vmax.f32 v12, v8  }
0x9c: {  	v11 =	vadd.f32 v11, v9;
	v9 =	vld [tilespmem:s31+$0x320]  }
0x9d: {  	v10 =	vmax.f32 v10, v8  }
0x9e: {  	v11 =	vadd.f32 v10, v11;
	v10 =	vld [tilespmem:s31+$0x3A0]  }
0x9f: {  	s16 =	simm.s32 $0x2000;
	s15 =	simm.s32 $0x400;
	v12 =	vmax.f32 v13, v8  }
.LBB2_6:
0xa0: {  	p0 =	sne.s32 s16, $0x7C000;
	v13 =	vld [tilespmem:s15+$0x20];
	v11 =	vadd.f32 v12, v11  }
0xa1: {  	v9 =	vmax.f32 v9, v8  }
0xa2: {  	v12 =	vld [tilespmem:s15+$0xA0];
	v9 =	vadd.f32 v9, v11  }
0xa3: {  	v10 =	vmax.f32 v10, v8  }
0xa4: {  	v11 =	vld [tilespmem:s15+$0x120];
	v9 =	vadd.f32 v10, v9  }
0xa5: {  	v10 =	vmax.f32 v13, v8  }
0xa6: {  	v9 =	vadd.f32 v10, v9;
	v10 =	vld [tilespmem:s15+$0x1A0]  }
0xa7: {  	v12 =	vmax.f32 v12, v8  }
0xa8: {  	v9 =	vadd.f32 v12, v9;
	v12 =	vld [tilespmem:s15+$0x220]  }
0xa9: {  	v11 =	vmax.f32 v11, v8  }
0xaa: {  	v9 =	vadd.f32 v11, v9;
	v13 =	vld [tilespmem:s15+$0x2A0]  }
.Ltmp2:
0xab: {  	v10 =	vmax.f32 v10, v8;
	(pc) =	sbr.rel @p0 .LBB2_6-.Ltmp2, $4  }
0xac: {  	v10 =	vadd.f32 v10, v9;
	v9 =	vld [tilespmem:s15+$0x320]  }
0xad: {  	v11 =	vmax.f32 v12, v8  }
0xae: {  	v11 =	vadd.f32 v11, v10;
	v10 =	vld [tilespmem:s15+$0x3A0]  }
0xaf: {  	s15 =	sshra.s32 s16, $0x2;
	s16 =	sadd.s32 $0x1000, s16;
	v12 =	vmax.f32 v13, v8  }
0xb0: {  	v13 =	vld [tilespmem:s15+$0x20];
	v11 =	vadd.f32 v12, v11  }
0xb1: {  	v9 =	vmax.f32 v9, v8  }
0xb2: {  	v12 =	vld [tilespmem:s15+$0xA0];
	v9 =	vadd.f32 v9, v11  }
0xb3: {  	v10 =	vmax.f32 v10, v8  }
0xb4: {  	v11 =	vld [tilespmem:s15+$0x120];
	v9 =	vadd.f32 v10, v9  }
0xb5: {  	v10 =	vmax.f32 v13, v8  }
0xb6: {  	v9 =	vadd.f32 v10, v9;
	v10 =	vld [tilespmem:s15+$0x1A0]  }
0xb7: {  	v12 =	vmax.f32 v12, v8  }
0xb8: {  	v9 =	vadd.f32 v12, v9;
	v12 =	vld [tilespmem:s15+$0x220]  }
0xb9: {  	v11 =	vmax.f32 v11, v8  }
0xba: {  	v9 =	vadd.f32 v11, v9;
	v11 =	vld [tilespmem:s15+$0x2A0]  }
0xbb: {  	v10 =	vmax.f32 v10, v8  }
0xbc: {  	v9 =	vadd.f32 v10, v9;
	v10 =	vld [tilespmem:s15+$0x320]  }
0xbd: {  	v12 =	vmax.f32 v12, v8  }
0xbe: {  	v9 =	vadd.f32 v12, v9;
	v12 =	vld [tilespmem:s15+$0x3A0]  }
0xbf: {  	v11 =	vmax.f32 v11, v8  }
0xc0: {  	v9 =	vadd.f32 v11, v9  }
0xc1: {  	v10 =	vmax.f32 v10, v8  }
0xc2: {  	v9 =	vadd.f32 v10, v9;
	v10 =	vld [tilespmem:$0x1F430]  }
0xc3: {  	v11 =	vmax.f32 v12, v8  }
0xc4: {  	v8 =	vmul.f32 $-1.000000000e+03, v8;
	v9 =	vadd.f32 v11, v9;
	_ =	sdelay $0x1  }
0xc5: {  	v8 =	vadd.f32 v8, v9  }
0xc6: {  	v9 =	vshll.u32 v10, $0x7  }
0xc7: {  	v8 =	vadd.f32 $-1.000000000e+00, v8;
	v9 =	vor.u32 v3, v9;
	_ =	sdelay $0x1  }
0xc8: {  	v8 =	vmul.f32 $1.000000050e-03, v8;
	_ =	sdelay $0x1  }
0xc9: {  	s30 =	simm.s32 $0x0;
	[tilespmem:$0x1F4A0] =	vst v8  }
0xca: {  	v8 =	vld.idx.msk [tilespmem:v9+s30+$0x0], $0xffff  }
0xcb: {  	s31 =	simm.s32 $0x0  }
0xcc: {  	v9 =	vld [tilespmem:s31+$0x30];
	_ =	sdelay $0x1  }
0xcd: {  	v10 =	vld [tilespmem:s31+$0xB0]  }
0xce: {  	v8 =	vadd.f32 $-1.000000000e+00, v8  }
0xcf: {  	v11 =	vld [tilespmem:s31+$0x130]  }
0xd0: {  	v12 =	vimm.f32 $0.0e+00;
	v9 =	vmax.f32 v9, v8  }
0xd1: {  	v9 =	vadd.f32 v9, v12;
	v12 =	vld [tilespmem:s31+$0x1B0]  }
0xd2: {  	v10 =	vmax.f32 v10, v8  }
0xd3: {  	v9 =	vadd.f32 v10, v9;
	v10 =	vld [tilespmem:s31+$0x230]  }
0xd4: {  	v11 =	vmax.f32 v11, v8  }
0xd5: {  	v13 =	vld [tilespmem:s31+$0x2B0];
	v9 =	vadd.f32 v11, v9  }
0xd6: {  	v11 =	vmax.f32 v12, v8  }
0xd7: {  	v11 =	vadd.f32 v11, v9;
	v9 =	vld [tilespmem:s31+$0x330]  }
0xd8: {  	v10 =	vmax.f32 v10, v8  }
0xd9: {  	v11 =	vadd.f32 v10, v11;
	v10 =	vld [tilespmem:s31+$0x3B0]  }
0xda: {  	s16 =	simm.s32 $0x2000;
	s15 =	simm.s32 $0x400;
	v12 =	vmax.f32 v13, v8  }
.LBB2_8:
0xdb: {  	p0 =	sne.s32 s16, $0x7C000;
	v13 =	vld [tilespmem:s15+$0x30];
	v11 =	vadd.f32 v12, v11  }
0xdc: {  	v9 =	vmax.f32 v9, v8  }
0xdd: {  	v12 =	vld [tilespmem:s15+$0xB0];
	v9 =	vadd.f32 v9, v11  }
0xde: {  	v10 =	vmax.f32 v10, v8  }
0xdf: {  	v11 =	vld [tilespmem:s15+$0x130];
	v9 =	vadd.f32 v10, v9  }
0xe0: {  	v10 =	vmax.f32 v13, v8  }
0xe1: {  	v9 =	vadd.f32 v10, v9;
	v10 =	vld [tilespmem:s15+$0x1B0]  }
0xe2: {  	v12 =	vmax.f32 v12, v8  }
0xe3: {  	v9 =	vadd.f32 v12, v9;
	v12 =	vld [tilespmem:s15+$0x230]  }
0xe4: {  	v11 =	vmax.f32 v11, v8  }
0xe5: {  	v9 =	vadd.f32 v11, v9;
	v13 =	vld [tilespmem:s15+$0x2B0]  }
.Ltmp3:
0xe6: {  	v10 =	vmax.f32 v10, v8;
	(pc) =	sbr.rel @p0 .LBB2_8-.Ltmp3, $4  }
0xe7: {  	v10 =	vadd.f32 v10, v9;
	v9 =	vld [tilespmem:s15+$0x330]  }
0xe8: {  	v11 =	vmax.f32 v12, v8  }
0xe9: {  	v11 =	vadd.f32 v11, v10;
	v10 =	vld [tilespmem:s15+$0x3B0]  }
0xea: {  	s15 =	sshra.s32 s16, $0x2;
	s16 =	sadd.s32 $0x1000, s16;
	v12 =	vmax.f32 v13, v8  }
0xeb: {  	v13 =	vld [tilespmem:s15+$0x30];
	v11 =	vadd.f32 v12, v11  }
0xec: {  	v9 =	vmax.f32 v9, v8  }
0xed: {  	v12 =	vld [tilespmem:s15+$0xB0];
	v9 =	vadd.f32 v9, v11  }
0xee: {  	v10 =	vmax.f32 v10, v8  }
0xef: {  	v11 =	vld [tilespmem:s15+$0x130];
	v9 =	vadd.f32 v10, v9  }
0xf0: {  	v10 =	vmax.f32 v13, v8  }
0xf1: {  	v9 =	vadd.f32 v10, v9;
	v10 =	vld [tilespmem:s15+$0x1B0]  }
0xf2: {  	v12 =	vmax.f32 v12, v8  }
0xf3: {  	v9 =	vadd.f32 v12, v9;
	v12 =	vld [tilespmem:s15+$0x230]  }
0xf4: {  	v11 =	vmax.f32 v11, v8  }
0xf5: {  	v9 =	vadd.f32 v11, v9;
	v11 =	vld [tilespmem:s15+$0x2B0]  }
0xf6: {  	v10 =	vmax.f32 v10, v8  }
0xf7: {  	v9 =	vadd.f32 v10, v9;
	v10 =	vld [tilespmem:s15+$0x330]  }
0xf8: {  	v12 =	vmax.f32 v12, v8  }
0xf9: {  	v9 =	vadd.f32 v12, v9;
	v12 =	vld [tilespmem:s15+$0x3B0]  }
0xfa: {  	v11 =	vmax.f32 v11, v8  }
0xfb: {  	v9 =	vadd.f32 v11, v9  }
0xfc: {  	v10 =	vmax.f32 v10, v8  }
0xfd: {  	v9 =	vadd.f32 v10, v9;
	v10 =	vld [tilespmem:$0x1F440]  }
0xfe: {  	v11 =	vmax.f32 v12, v8  }
0xff: {  	v8 =	vmul.f32 $-1.000000000e+03, v8;
	v9 =	vadd.f32 v11, v9;
	_ =	sdelay $0x1  }
0x100: {  	v8 =	vadd.f32 v8, v9  }
0x101: {  	v9 =	vshll.u32 v10, $0x7  }
0x102: {  	v8 =	vadd.f32 $-1.000000000e+00, v8;
	v9 =	vor.u32 v4, v9;
	_ =	sdelay $0x1  }
0x103: {  	v8 =	vmul.f32 $1.000000050e-03, v8;
	_ =	sdelay $0x1  }
0x104: {  	s30 =	simm.s32 $0x0;
	[tilespmem:$0x1F4B0] =	vst v8  }
0x105: {  	v8 =	vld.idx.msk [tilespmem:v9+s30+$0x0], $0xffff  }
0x106: {  	s31 =	simm.s32 $0x0  }
0x107: {  	v9 =	vld [tilespmem:s31+$0x40];
	_ =	sdelay $0x1  }
0x108: {  	v10 =	vld [tilespmem:s31+$0xC0]  }
0x109: {  	v8 =	vadd.f32 $-1.000000000e+00, v8  }
0x10a: {  	v11 =	vld [tilespmem:s31+$0x140]  }
0x10b: {  	v12 =	vimm.f32 $0.0e+00;
	v9 =	vmax.f32 v9, v8  }
0x10c: {  	v9 =	vadd.f32 v9, v12;
	v12 =	vld [tilespmem:s31+$0x1C0]  }
0x10d: {  	v10 =	vmax.f32 v10, v8  }
0x10e: {  	v9 =	vadd.f32 v10, v9;
	v10 =	vld [tilespmem:s31+$0x240]  }
0x10f: {  	v11 =	vmax.f32 v11, v8  }
0x110: {  	v13 =	vld [tilespmem:s31+$0x2C0];
	v9 =	vadd.f32 v11, v9  }
0x111: {  	v11 =	vmax.f32 v12, v8  }
0x112: {  	v11 =	vadd.f32 v11, v9;
	v9 =	vld [tilespmem:s31+$0x340]  }
0x113: {  	v10 =	vmax.f32 v10, v8  }
0x114: {  	v11 =	vadd.f32 v10, v11;
	v10 =	vld [tilespmem:s31+$0x3C0]  }
0x115: {  	s16 =	simm.s32 $0x2000;
	s15 =	simm.s32 $0x400;
	v12 =	vmax.f32 v13, v8  }
.LBB2_10:
0x116: {  	p0 =	sne.s32 s16, $0x7C000;
	v13 =	vld [tilespmem:s15+$0x40];
	v11 =	vadd.f32 v12, v11  }
0x117: {  	v9 =	vmax.f32 v9, v8  }
0x118: {  	v12 =	vld [tilespmem:s15+$0xC0];
	v9 =	vadd.f32 v9, v11  }
0x119: {  	v10 =	vmax.f32 v10, v8  }
0x11a: {  	v11 =	vld [tilespmem:s15+$0x140];
	v9 =	vadd.f32 v10, v9  }
0x11b: {  	v10 =	vmax.f32 v13, v8  }
0x11c: {  	v9 =	vadd.f32 v10, v9;
	v10 =	vld [tilespmem:s15+$0x1C0]  }
0x11d: {  	v12 =	vmax.f32 v12, v8  }
0x11e: {  	v9 =	vadd.f32 v12, v9;
	v12 =	vld [tilespmem:s15+$0x240]  }
0x11f: {  	v11 =	vmax.f32 v11, v8  }
0x120: {  	v9 =	vadd.f32 v11, v9;
	v13 =	vld [tilespmem:s15+$0x2C0]  }
.Ltmp4:
0x121: {  	v10 =	vmax.f32 v10, v8;
	(pc) =	sbr.rel @p0 .LBB2_10-.Ltmp4, $4  }
0x122: {  	v10 =	vadd.f32 v10, v9;
	v9 =	vld [tilespmem:s15+$0x340]  }
0x123: {  	v11 =	vmax.f32 v12, v8  }
0x124: {  	v11 =	vadd.f32 v11, v10;
	v10 =	vld [tilespmem:s15+$0x3C0]  }
0x125: {  	s15 =	sshra.s32 s16, $0x2;
	s16 =	sadd.s32 $0x1000, s16;
	v12 =	vmax.f32 v13, v8  }
0x126: {  	v13 =	vld [tilespmem:s15+$0x40];
	v11 =	vadd.f32 v12, v11  }
0x127: {  	v9 =	vmax.f32 v9, v8  }
0x128: {  	v12 =	vld [tilespmem:s15+$0xC0];
	v9 =	vadd.f32 v9, v11  }
0x129: {  	v10 =	vmax.f32 v10, v8  }
0x12a: {  	v11 =	vld [tilespmem:s15+$0x140];
	v9 =	vadd.f32 v10, v9  }
0x12b: {  	v10 =	vmax.f32 v13, v8  }
0x12c: {  	v9 =	vadd.f32 v10, v9;
	v10 =	vld [tilespmem:s15+$0x1C0]  }
0x12d: {  	v12 =	vmax.f32 v12, v8  }
0x12e: {  	v9 =	vadd.f32 v12, v9;
	v12 =	vld [tilespmem:s15+$0x240]  }
0x12f: {  	v11 =	vmax.f32 v11, v8  }
0x130: {  	v9 =	vadd.f32 v11, v9;
	v11 =	vld [tilespmem:s15+$0x2C0]  }
0x131: {  	v10 =	vmax.f32 v10, v8  }
0x132: {  	v9 =	vadd.f32 v10, v9;
	v10 =	vld [tilespmem:s15+$0x340]  }
0x133: {  	v12 =	vmax.f32 v12, v8  }
0x134: {  	v9 =	vadd.f32 v12, v9;
	v12 =	vld [tilespmem:s15+$0x3C0]  }
0x135: {  	v11 =	vmax.f32 v11, v8  }
0x136: {  	v9 =	vadd.f32 v11, v9  }
0x137: {  	v10 =	vmax.f32 v10, v8  }
0x138: {  	v9 =	vadd.f32 v10, v9;
	v10 =	vld [tilespmem:$0x1F450]  }
0x139: {  	v11 =	vmax.f32 v12, v8  }
0x13a: {  	v8 =	vmul.f32 $-1.000000000e+03, v8;
	v9 =	vadd.f32 v11, v9;
	_ =	sdelay $0x1  }
0x13b: {  	v8 =	vadd.f32 v8, v9  }
0x13c: {  	v9 =	vshll.u32 v10, $0x7  }
0x13d: {  	v8 =	vadd.f32 $-1.000000000e+00, v8;
	v9 =	vor.u32 v5, v9;
	_ =	sdelay $0x1  }
0x13e: {  	v8 =	vmul.f32 $1.000000050e-03, v8;
	_ =	sdelay $0x1  }
0x13f: {  	s30 =	simm.s32 $0x0;
	[tilespmem:$0x1F4C0] =	vst v8  }
0x140: {  	v8 =	vld.idx.msk [tilespmem:v9+s30+$0x0], $0xffff  }
0x141: {  	s31 =	simm.s32 $0x0  }
0x142: {  	v9 =	vld [tilespmem:s31+$0x50];
	_ =	sdelay $0x1  }
0x143: {  	v10 =	vld [tilespmem:s31+$0xD0]  }
0x144: {  	v8 =	vadd.f32 $-1.000000000e+00, v8  }
0x145: {  	v11 =	vld [tilespmem:s31+$0x150]  }
0x146: {  	v12 =	vimm.f32 $0.0e+00;
	v9 =	vmax.f32 v9, v8  }
0x147: {  	v9 =	vadd.f32 v9, v12;
	v12 =	vld [tilespmem:s31+$0x1D0]  }
0x148: {  	v10 =	vmax.f32 v10, v8  }
0x149: {  	v9 =	vadd.f32 v10, v9;
	v10 =	vld [tilespmem:s31+$0x250]  }
0x14a: {  	v11 =	vmax.f32 v11, v8  }
0x14b: {  	v13 =	vld [tilespmem:s31+$0x2D0];
	v9 =	vadd.f32 v11, v9  }
0x14c: {  	v11 =	vmax.f32 v12, v8  }
0x14d: {  	v11 =	vadd.f32 v11, v9;
	v9 =	vld [tilespmem:s31+$0x350]  }
0x14e: {  	v10 =	vmax.f32 v10, v8  }
0x14f: {  	v11 =	vadd.f32 v10, v11;
	v10 =	vld [tilespmem:s31+$0x3D0]  }
0x150: {  	s16 =	simm.s32 $0x2000;
	s15 =	simm.s32 $0x400;
	v12 =	vmax.f32 v13, v8  }
.LBB2_12:
0x151: {  	p0 =	sne.s32 s16, $0x7C000;
	v13 =	vld [tilespmem:s15+$0x50];
	v11 =	vadd.f32 v12, v11  }
0x152: {  	v9 =	vmax.f32 v9, v8  }
0x153: {  	v12 =	vld [tilespmem:s15+$0xD0];
	v9 =	vadd.f32 v9, v11  }
0x154: {  	v10 =	vmax.f32 v10, v8  }
0x155: {  	v11 =	vld [tilespmem:s15+$0x150];
	v9 =	vadd.f32 v10, v9  }
0x156: {  	v10 =	vmax.f32 v13, v8  }
0x157: {  	v9 =	vadd.f32 v10, v9;
	v10 =	vld [tilespmem:s15+$0x1D0]  }
0x158: {  	v12 =	vmax.f32 v12, v8  }
0x159: {  	v9 =	vadd.f32 v12, v9;
	v12 =	vld [tilespmem:s15+$0x250]  }
0x15a: {  	v11 =	vmax.f32 v11, v8  }
0x15b: {  	v9 =	vadd.f32 v11, v9;
	v13 =	vld [tilespmem:s15+$0x2D0]  }
.Ltmp5:
0x15c: {  	v10 =	vmax.f32 v10, v8;
	(pc) =	sbr.rel @p0 .LBB2_12-.Ltmp5, $4  }
0x15d: {  	v10 =	vadd.f32 v10, v9;
	v9 =	vld [tilespmem:s15+$0x350]  }
0x15e: {  	v11 =	vmax.f32 v12, v8  }
0x15f: {  	v11 =	vadd.f32 v11, v10;
	v10 =	vld [tilespmem:s15+$0x3D0]  }
0x160: {  	s15 =	sshra.s32 s16, $0x2;
	s16 =	sadd.s32 $0x1000, s16;
	v12 =	vmax.f32 v13, v8  }
0x161: {  	v13 =	vld [tilespmem:s15+$0x50];
	v11 =	vadd.f32 v12, v11  }
0x162: {  	v9 =	vmax.f32 v9, v8  }
0x163: {  	v12 =	vld [tilespmem:s15+$0xD0];
	v9 =	vadd.f32 v9, v11  }
0x164: {  	v10 =	vmax.f32 v10, v8  }
0x165: {  	v11 =	vld [tilespmem:s15+$0x150];
	v9 =	vadd.f32 v10, v9  }
0x166: {  	v10 =	vmax.f32 v13, v8  }
0x167: {  	v9 =	vadd.f32 v10, v9;
	v10 =	vld [tilespmem:s15+$0x1D0]  }
0x168: {  	v12 =	vmax.f32 v12, v8  }
0x169: {  	v9 =	vadd.f32 v12, v9;
	v12 =	vld [tilespmem:s15+$0x250]  }
0x16a: {  	v11 =	vmax.f32 v11, v8  }
0x16b: {  	v9 =	vadd.f32 v11, v9;
	v11 =	vld [tilespmem:s15+$0x2D0]  }
0x16c: {  	v10 =	vmax.f32 v10, v8  }
0x16d: {  	v9 =	vadd.f32 v10, v9;
	v10 =	vld [tilespmem:s15+$0x350]  }
0x16e: {  	v12 =	vmax.f32 v12, v8  }
0x16f: {  	v9 =	vadd.f32 v12, v9;
	v12 =	vld [tilespmem:s15+$0x3D0]  }
0x170: {  	v11 =	vmax.f32 v11, v8  }
0x171: {  	v9 =	vadd.f32 v11, v9  }
0x172: {  	v10 =	vmax.f32 v10, v8  }
0x173: {  	v9 =	vadd.f32 v10, v9;
	v10 =	vld [tilespmem:$0x1F460]  }
0x174: {  	v11 =	vmax.f32 v12, v8  }
0x175: {  	v8 =	vmul.f32 $-1.000000000e+03, v8;
	v9 =	vadd.f32 v11, v9;
	_ =	sdelay $0x1  }
0x176: {  	v8 =	vadd.f32 v8, v9  }
0x177: {  	v9 =	vshll.u32 v10, $0x7  }
0x178: {  	v8 =	vadd.f32 $-1.000000000e+00, v8;
	v9 =	vor.u32 v6, v9;
	_ =	sdelay $0x1  }
0x179: {  	v8 =	vmul.f32 $1.000000050e-03, v8;
	_ =	sdelay $0x1  }
0x17a: {  	s30 =	simm.s32 $0x0;
	[tilespmem:$0x1F4D0] =	vst v8  }
0x17b: {  	v8 =	vld.idx.msk [tilespmem:v9+s30+$0x0], $0xffff  }
0x17c: {  	s31 =	simm.s32 $0x0  }
0x17d: {  	v9 =	vld [tilespmem:s31+$0x60];
	_ =	sdelay $0x1  }
0x17e: {  	v10 =	vld [tilespmem:s31+$0xE0]  }
0x17f: {  	v8 =	vadd.f32 $-1.000000000e+00, v8  }
0x180: {  	v11 =	vld [tilespmem:s31+$0x160]  }
0x181: {  	v12 =	vimm.f32 $0.0e+00;
	v9 =	vmax.f32 v9, v8  }
0x182: {  	v9 =	vadd.f32 v9, v12;
	v12 =	vld [tilespmem:s31+$0x1E0]  }
0x183: {  	v10 =	vmax.f32 v10, v8  }
0x184: {  	v9 =	vadd.f32 v10, v9;
	v10 =	vld [tilespmem:s31+$0x260]  }
0x185: {  	v11 =	vmax.f32 v11, v8  }
0x186: {  	v13 =	vld [tilespmem:s31+$0x2E0];
	v9 =	vadd.f32 v11, v9  }
0x187: {  	v11 =	vmax.f32 v12, v8  }
0x188: {  	v11 =	vadd.f32 v11, v9;
	v9 =	vld [tilespmem:s31+$0x360]  }
0x189: {  	v10 =	vmax.f32 v10, v8  }
0x18a: {  	v11 =	vadd.f32 v10, v11;
	v10 =	vld [tilespmem:s31+$0x3E0]  }
0x18b: {  	s16 =	simm.s32 $0x2000;
	s15 =	simm.s32 $0x400;
	v12 =	vmax.f32 v13, v8  }
.LBB2_14:
0x18c: {  	p0 =	sne.s32 s16, $0x7C000;
	v13 =	vld [tilespmem:s15+$0x60];
	v11 =	vadd.f32 v12, v11  }
0x18d: {  	v9 =	vmax.f32 v9, v8  }
0x18e: {  	v12 =	vld [tilespmem:s15+$0xE0];
	v9 =	vadd.f32 v9, v11  }
0x18f: {  	v10 =	vmax.f32 v10, v8  }
0x190: {  	v11 =	vld [tilespmem:s15+$0x160];
	v9 =	vadd.f32 v10, v9  }
0x191: {  	v10 =	vmax.f32 v13, v8  }
0x192: {  	v9 =	vadd.f32 v10, v9;
	v10 =	vld [tilespmem:s15+$0x1E0]  }
0x193: {  	v12 =	vmax.f32 v12, v8  }
0x194: {  	v9 =	vadd.f32 v12, v9;
	v12 =	vld [tilespmem:s15+$0x260]  }
0x195: {  	v11 =	vmax.f32 v11, v8  }
0x196: {  	v9 =	vadd.f32 v11, v9;
	v13 =	vld [tilespmem:s15+$0x2E0]  }
.Ltmp6:
0x197: {  	v10 =	vmax.f32 v10, v8;
	(pc) =	sbr.rel @p0 .LBB2_14-.Ltmp6, $4  }
0x198: {  	v10 =	vadd.f32 v10, v9;
	v9 =	vld [tilespmem:s15+$0x360]  }
0x199: {  	v11 =	vmax.f32 v12, v8  }
0x19a: {  	v11 =	vadd.f32 v11, v10;
	v10 =	vld [tilespmem:s15+$0x3E0]  }
0x19b: {  	s15 =	sshra.s32 s16, $0x2;
	s16 =	sadd.s32 $0x1000, s16;
	v12 =	vmax.f32 v13, v8  }
0x19c: {  	v13 =	vld [tilespmem:s15+$0x60];
	v11 =	vadd.f32 v12, v11  }
0x19d: {  	v9 =	vmax.f32 v9, v8  }
0x19e: {  	v12 =	vld [tilespmem:s15+$0xE0];
	v9 =	vadd.f32 v9, v11  }
0x19f: {  	v10 =	vmax.f32 v10, v8  }
0x1a0: {  	v11 =	vld [tilespmem:s15+$0x160];
	v9 =	vadd.f32 v10, v9  }
0x1a1: {  	v10 =	vmax.f32 v13, v8  }
0x1a2: {  	v9 =	vadd.f32 v10, v9;
	v10 =	vld [tilespmem:s15+$0x1E0]  }
0x1a3: {  	v12 =	vmax.f32 v12, v8  }
0x1a4: {  	v9 =	vadd.f32 v12, v9;
	v12 =	vld [tilespmem:s15+$0x260]  }
0x1a5: {  	v11 =	vmax.f32 v11, v8  }
0x1a6: {  	v9 =	vadd.f32 v11, v9;
	v11 =	vld [tilespmem:s15+$0x2E0]  }
0x1a7: {  	v10 =	vmax.f32 v10, v8  }
0x1a8: {  	v9 =	vadd.f32 v10, v9;
	v10 =	vld [tilespmem:s15+$0x360]  }
0x1a9: {  	v12 =	vmax.f32 v12, v8  }
0x1aa: {  	v9 =	vadd.f32 v12, v9;
	v12 =	vld [tilespmem:s15+$0x3E0]  }
0x1ab: {  	v11 =	vmax.f32 v11, v8  }
0x1ac: {  	v9 =	vadd.f32 v11, v9  }
0x1ad: {  	v10 =	vmax.f32 v10, v8  }
0x1ae: {  	v9 =	vadd.f32 v10, v9;
	v10 =	vld [tilespmem:$0x1F470]  }
0x1af: {  	v11 =	vmax.f32 v12, v8  }
0x1b0: {  	v8 =	vmul.f32 $-1.000000000e+03, v8;
	v9 =	vadd.f32 v11, v9;
	_ =	sdelay $0x1  }
0x1b1: {  	v8 =	vadd.f32 v8, v9  }
0x1b2: {  	v9 =	vshll.u32 v10, $0x7  }
0x1b3: {  	v8 =	vadd.f32 $-1.000000000e+00, v8;
	v9 =	vor.u32 v7, v9;
	_ =	sdelay $0x1  }
0x1b4: {  	v8 =	vmul.f32 $1.000000050e-03, v8;
	_ =	sdelay $0x1  }
0x1b5: {  	s30 =	simm.s32 $0x0;
	[tilespmem:$0x1F4E0] =	vst v8  }
0x1b6: {  	v8 =	vld.idx.msk [tilespmem:v9+s30+$0x0], $0xffff  }
0x1b7: {  	s31 =	simm.s32 $0x0  }
0x1b8: {  	v9 =	vld [tilespmem:s31+$0x70];
	_ =	sdelay $0x1  }
0x1b9: {  	v10 =	vld [tilespmem:s31+$0xF0]  }
0x1ba: {  	v8 =	vadd.f32 $-1.000000000e+00, v8  }
0x1bb: {  	v11 =	vld [tilespmem:s31+$0x170]  }
0x1bc: {  	v12 =	vimm.f32 $0.0e+00;
	v9 =	vmax.f32 v9, v8  }
0x1bd: {  	v9 =	vadd.f32 v9, v12;
	v12 =	vld [tilespmem:s31+$0x1F0]  }
0x1be: {  	v10 =	vmax.f32 v10, v8  }
0x1bf: {  	v9 =	vadd.f32 v10, v9;
	v10 =	vld [tilespmem:s31+$0x270]  }
0x1c0: {  	v11 =	vmax.f32 v11, v8  }
0x1c1: {  	v13 =	vld [tilespmem:s31+$0x2F0];
	v9 =	vadd.f32 v11, v9  }
0x1c2: {  	v11 =	vmax.f32 v12, v8  }
0x1c3: {  	v11 =	vadd.f32 v11, v9;
	v9 =	vld [tilespmem:s31+$0x370]  }
0x1c4: {  	v10 =	vmax.f32 v10, v8  }
0x1c5: {  	v11 =	vadd.f32 v10, v11;
	v10 =	vld [tilespmem:s31+$0x3F0]  }
0x1c6: {  	s16 =	simm.s32 $0x2000;
	s15 =	simm.s32 $0x400;
	v12 =	vmax.f32 v13, v8  }
.LBB2_16:
0x1c7: {  	p0 =	sne.s32 s16, $0x7C000;
	v13 =	vld [tilespmem:s15+$0x70];
	v11 =	vadd.f32 v12, v11  }
0x1c8: {  	v9 =	vmax.f32 v9, v8  }
0x1c9: {  	v12 =	vld [tilespmem:s15+$0xF0];
	v9 =	vadd.f32 v9, v11  }
0x1ca: {  	v10 =	vmax.f32 v10, v8  }
0x1cb: {  	v11 =	vld [tilespmem:s15+$0x170];
	v9 =	vadd.f32 v10, v9  }
0x1cc: {  	v10 =	vmax.f32 v13, v8  }
0x1cd: {  	v9 =	vadd.f32 v10, v9;
	v10 =	vld [tilespmem:s15+$0x1F0]  }
0x1ce: {  	v12 =	vmax.f32 v12, v8  }
0x1cf: {  	v9 =	vadd.f32 v12, v9;
	v12 =	vld [tilespmem:s15+$0x270]  }
0x1d0: {  	v11 =	vmax.f32 v11, v8  }
0x1d1: {  	v9 =	vadd.f32 v11, v9;
	v13 =	vld [tilespmem:s15+$0x2F0]  }
.Ltmp7:
0x1d2: {  	v10 =	vmax.f32 v10, v8;
	(pc) =	sbr.rel @p0 .LBB2_16-.Ltmp7, $4  }
0x1d3: {  	v10 =	vadd.f32 v10, v9;
	v9 =	vld [tilespmem:s15+$0x370]  }
0x1d4: {  	v11 =	vmax.f32 v12, v8  }
0x1d5: {  	v11 =	vadd.f32 v11, v10;
	v10 =	vld [tilespmem:s15+$0x3F0]  }
0x1d6: {  	s15 =	sshra.s32 s16, $0x2;
	s16 =	sadd.s32 $0x1000, s16;
	v12 =	vmax.f32 v13, v8  }
0x1d7: {  	v13 =	vld [tilespmem:s15+$0x70];
	v11 =	vadd.f32 v12, v11  }
0x1d8: {  	v9 =	vmax.f32 v9, v8  }
0x1d9: {  	v55 =	vld [tilespmem:s15+$0xF0];
	v9 =	vadd.f32 v9, v11  }
0x1da: {  	v10 =	vmax.f32 v10, v8  }
0x1db: {  	v56 =	vld [tilespmem:s15+$0x170];
	v9 =	vadd.f32 v10, v9  }
0x1dc: {  	v57 =	vmax.f32 v13, v8  }
0x1dd: {  	v58 =	vld [tilespmem:s15+$0x1F0];
	v9 =	vadd.f32 v57, v9  }
0x1de: {  	v12 =	vmax.f32 v55, v8  }
0x1df: {  	v59 =	vld [tilespmem:s15+$0x270];
	v9 =	vadd.f32 v12, v9  }
0x1e0: {  	v11 =	vmax.f32 v56, v8  }
0x1e1: {  	v60 =	vld [tilespmem:s15+$0x2F0];
	v9 =	vadd.f32 v11, v9  }
0x1e2: {  	v10 =	vmax.f32 v58, v8  }
0x1e3: {  	v61 =	vld [tilespmem:s15+$0x370];
	v9 =	vadd.f32 v10, v9  }
0x1e4: {  	v12 =	vmax.f32 v59, v8  }
0x1e5: {  	v62 =	vld [tilespmem:s15+$0x3F0];
	v9 =	vadd.f32 v12, v9  }
0x1e6: {  	v11 =	vmax.f32 v60, v8  }
0x1e7: {  	v9 =	vadd.f32 v11, v9  }
0x1e8: {  	v10 =	vmax.f32 v61, v8  }
0x1e9: {  	v9 =	vadd.f32 v10, v9  }
0x1ea: {  	v63 =	vmax.f32 v62, v8  }
0x1eb: {  	v8 =	vmul.f32 $-1.000000000e+03, v8;
	v9 =	vadd.f32 v63, v9;
	_ =	sdelay $0x1  }
0x1ec: {  	v8 =	vadd.f32 v8, v9;
	_ =	sdelay $0x1  }
0x1ed: {  	v8 =	vadd.f32 $-1.000000000e+00, v8;
	_ =	sdelay $0x1  }
0x1ee: {  	s14 =	sadd.s32 $0x1, s14;
	v8 =	vmul.f32 $1.000000050e-03, v8  }
0x1ef: {  	p0 =	sne.s32 s14, s6  }
.Ltmp8:
0x1f0: {  	[tilespmem:$0x1F4F0] =	vst v8;
	(pc) =	sbr.rel @p0 .LBB2_1-.Ltmp8, $4  }
0x1f1: {  	[hbm4b:s5+s2] =	stream.linear.scatter [tilespmem:s12], [sflag:$0x3], $0x80, $0x38;
	[tilespmem:$0x1F500] =	vst v63  }
0x1f2: {  	_ =	swait.ge [sflag:s13], $0x80  }
0x1f3: {  	[sflag:s13] =	ssyncset.done $0x0  }
0x1f4: {  	[sflag:s13] =	ssyncadd.s32 $0xFFFFFF80  }
0x1f5: {  	_ =	sfence.sel $0x180000  }
0x1f6: {  	[bflag:$0x0] =	sbarrier.arrive $0xFFFF  }
0x1f7: {  	p0 =	sne.s32 s1, $0x0;
	_ =	strace $0x90000047  }
0x1f8: {  	s0 =	sadd.s32 @!p0 $0x100000, s0;
	[bflag:$0x2] =	sbarrier.arrive $0xFFFF  }
0x1f9: {  	[sflag:s0] =	ssyncadd.tile.s32 @!p0 $0x1;
	_ =	shalt  }
.Lfunc_end2:
_tile_overlayer_lowered:
.L_overlay_start_2:
0x1fa: {  	(tag) =	ssettag $0x2  }
0x1fb: {  	s0 =	rddreg [dreg:$0x0];
	s2 =	stileid.u32  }
0x1fc: {  	s1 =	rddreg [dreg:$0x1];
	p0 =	sne.s32 s2, $0x0  }
0x1fd: {  	s3 =	rddreg [dreg:$0x2];
	[bflag:$0x3] =	sbarrier.arrive $0xFFFF;
	s2 =	simm.s32 @!p0 $0x1C04  }
0x1fe: {  	[timem:s3], [sflag:s2] =	dma.local @!p0 [hbm:s0], s1  }
0x1ff: {  	s0 =	simm.s32 @!p0 $0x4  }
0x200: {  	_ =	swait.ge @!p0 [sflag:s0], s1  }
0x201: {  	s1 =	ssub.s32 @!p0 $0x0, s1;
	[sflag:s0] =	ssyncset.done @!p0 $0x0  }
0x202: {  	[sflag:s0] =	ssyncadd.s32 @!p0 s1  }
0x203: {  	[bflag:$0x3] =	sbarrier.arrive $0xFFFF  }
0x204: {  	_ =	shalt  }

</sc_bundles>
